<compile_context>
chip_gen: v7x
topology: tpu7x:2x2x1
jax: 0.10.2.dev20260603
libtpu: 0.0.44.dev20260713+nightly
codegen_flags: <defaults>
</compile_context>

<pallas_src>
import functools

import numpy as np
import jax
import jax.numpy as jnp
from jax import lax
from jax.experimental import pallas as pl
from jax.experimental.pallas import tpu as pltpu
from jax.experimental.pallas import tpu_sc as plsc

_DR = 0.1
_LMAX = 6.0
_NBINS = 58
_W = 3
_HROWS = 32
_NW = 32
_T = 4
_NATOM = 512
_NCHUNK = _NATOM // 16


def _cheb_poly(fn, deg):
    import numpy.polynomial.chebyshev as _C

    x = np.linspace(-0.5, 0.5, 4001)
    return [float(c) for c in _C.cheb2poly(_C.chebfit(x, fn(x), deg))]


_PE = _cheb_poly(np.exp, 4)
_PG = _cheb_poly(lambda x: np.exp(-0.5 * (x + _W) ** 2), 5)


def _lane_bcast(v, idx):
    return lax.gather(
        v,
        idx[:, None],
        lax.GatherDimensionNumbers(
            offset_dims=(), collapsed_slice_dims=(0,), start_index_map=(0,)
        ),
        (1,),
        mode=lax.GatherScatterMode.PROMISE_IN_BOUNDS,
    )


def _sc_body(traj_hbm, out_hbm, qv, hist):
    cid = lax.axis_index("c")
    sid = lax.axis_index("s")
    wid = sid * 2 + cid

    pltpu.sync_copy(traj_hbm, qv)
    zeros16 = jnp.zeros((16,), jnp.float32)
    for r in range(_HROWS):
        hist[r, :] = zeros16

    lane = lax.iota(jnp.int32, 16)
    zeros_i = jnp.zeros((16,), jnp.int32)
    km = [float(np.exp(-(m + 0.5))) for m in range(-_W, _W)]
    tf = list(range(_T))

    def row_body(ri, _):
        blk = ri >> 1
        i = blk * 64 + wid + (ri & 1) * (63 - 2 * wid)
        ib = pl.multiple_of((i >> 4) << 4, 16)
        offsp = zeros_i + (i & 15)
        qrow = [
            [_lane_bcast(qv[t, c, pl.ds(ib, 16)], offsp) for c in range(3)]
            for t in tf
        ]
        c0 = (i + 1) >> 4

        def chunk_body(cc, _):
            j00 = pl.multiple_of(cc * 32, 16)
            js = [j00, pl.multiple_of(j00 + 16, 16)]
            ss = [(h, t) for h in range(2) for t in tf]
            mtri = [j + lane > i for j in js]
            mask_tri = [mtri[h] for h, t in ss]
            dd = [
                [qv[t, c, pl.ds(js[h], 16)] - qrow[t][c] for h, t in ss]
                for c in range(3)
            ]
            ts = list(range(len(ss)))
            sq = None
            for c in range(3):
                p = [x * x for x in dd[c]]
                sq = p if sq is None else [sq[t] + p[t] for t in ts]
            mask = [mask_tri[t] & (sq[t] > 0.0) for t in ts]
            sqc = [jnp.maximum(s, 1e-30) for s in sq]
            y = [
                lax.bitcast_convert_type(
                    0x5F3759DF
                    - (lax.bitcast_convert_type(s, jnp.int32) >> 1),
                    jnp.float32,
                )
                for s in sqc
            ]
            hs = [0.5 * s for s in sqc]
            for _it in range(2):
                p = [yy * yy for yy in y]
                p = [hs[t] * p[t] for t in ts]
                p = [1.5 - x for x in p]
                y = [y[t] * p[t] for t in ts]
            ub = [sqc[t] * y[t] for t in ts]
            ub = [u * (1.0 / _DR) for u in ub]
            b = [u.astype(jnp.int32) for u in ub]
            bf = [x.astype(jnp.float32) for x in b]
            f = [ub[t] - 0.5 - bf[t] for t in ts]
            e = [jnp.full((16,), _PE[-1], jnp.float32) for _ in ts]
            for ce in _PE[-2::-1]:
                e = [e[t] * f[t] for t in ts]
                e = [x + ce for x in e]
            g = [jnp.full((16,), _PG[-1], jnp.float32) for _ in ts]
            for cg in _PG[-2::-1]:
                g = [g[t] * f[t] for t in ts]
                g = [x + cg for x in g]
            for t in ts:
                plsc.addupdate_scatter(hist, [b[t], lane], g[t], mask=mask[t])
            for mi in range(2 * _W):
                g = [g[t] * e[t] for t in ts]
                g = [x * km[mi] for x in g]
                for t in ts:
                    plsc.addupdate_scatter(
                        hist, [b[t] + (mi + 1), lane], g[t], mask=mask[t]
                    )
            return 0

        lax.fori_loop(c0 >> 1, _NCHUNK // 2, chunk_body, 0)
        return 0

    lax.fori_loop(0, 16, row_body, 0)
    pltpu.sync_copy(hist, out_hbm.at[wid])


def _fin_body(p_ref, invn_ref, out_ref):
    s = jnp.sum(p_ref[...], axis=(0, 2))
    out_ref[0, :] = s * invn_ref[0, :]


def kernel(Traj, cell):
    T, natom, _ = Traj.shape
    tt = jnp.transpose(Traj, (0, 2, 1))
    det = jnp.linalg.det(cell)

    r_np = np.arange(0.5 * _DR, _LMAX - _DR * 2, _DR, dtype=np.float32)
    v = 4.0 * np.pi / 3.0 * ((r_np + 0.5 * _DR) ** 3 - (r_np - 0.5 * _DR) ** 3)
    base = np.zeros((_HROWS,), np.float32)
    nb = _HROWS - _W
    base[_W:] = (
        1.0 / np.sqrt(2.0 * np.pi) / T / v[:nb] * 2.0 / ((natom - 1) * natom)
    )
    invn = jnp.asarray(base).reshape(1, _HROWS) * det

    mesh = plsc.VectorSubcoreMesh(core_axis_name="c", subcore_axis_name="s")
    sc_hist = functools.partial(
        pl.kernel,
        mesh=mesh,
        compiler_params=pltpu.CompilerParams(needs_layout_passes=False),
        out_type=jax.ShapeDtypeStruct((_NW, _HROWS, 16), jnp.float32),
        scratch_types=[
            pltpu.VMEM((_T, 3, _NATOM), jnp.float32),
            pltpu.VMEM((_HROWS, 16), jnp.float32),
        ],
    )(_sc_body)
    partials = sc_hist(tt)

    out = pl.pallas_call(
        _fin_body,
        out_shape=jax.ShapeDtypeStruct((1, _HROWS), jnp.float32),
    )(partials, invn)

    r_list = jnp.asarray(r_np)
    gr = jnp.concatenate(
        [out[0, _W:], jnp.zeros((_NBINS - (_HROWS - _W),), jnp.float32)]
    )
    return (r_list, gr)

# --- scband reference (transcript-rebuilt; emitter-appended) ---
"""Pipeline reference for scband-rdf-computer-4647154614876 (READ-ONLY COPY).

The authoritative reference and input builder live on the scoring server;
editing this copy changes nothing except your own understanding.
"""

import jax, jax.numpy as jnp
import numpy as np


def gaussian_smearing(centered, sigma):
    return 1.0 / (sigma * (2 * np.pi) ** 0.5) * jnp.exp(-0.5 * (centered / sigma) ** 2)


def setup_inputs(seed: int = 0) -> dict:
    key = jax.random.key(seed)
    Traj = jax.random.uniform(key, (4, 512, 3), dtype=jnp.float32)
    cell = jnp.diag(jnp.array([24.0, 24.0, 24.0], dtype=jnp.float32))
    return {"Traj": Traj, "cell": cell}


def reference(Traj, cell):
    L_max = 6.0
    dr = 0.1
    r_list = jnp.arange(0.5 * dr, L_max - dr * 2, dr, dtype=jnp.float32)
    diag = jnp.diag(cell).reshape(1, 1, -1)
    T = Traj.shape[0]
    Pdist_gaussian = None
    for t in range(T):
        q = Traj[t]
        displacement = q[None, :, :] - q[:, None, :]
        offsets = jnp.floor((displacement + diag / 2) / diag)
        displacement = displacement - offsets * diag
        squared_displacement = jnp.triu(jnp.sum(displacement ** 2, -1))
        within_cutoff = (squared_displacement < L_max ** 2) & (squared_displacement != 0)
        magnitudes = jnp.sqrt(squared_displacement)
        pdist = magnitudes[:, :, None]
        pdist_gaussian = (gaussian_smearing(pdist - r_list, dr) * within_cutoff[:, :, None]).sum((0, 1)) * dr
        if Pdist_gaussian is None:
            Pdist_gaussian = pdist_gaussian
        else:
            Pdist_gaussian = Pdist_gaussian + pdist_gaussian
    Pdist_gaussian = Pdist_gaussian / T
    v = 4 * np.pi / 3 * ((r_list + 0.5 * dr) ** 3 - (r_list - 0.5 * dr) ** 3)
    natom = Traj.shape[1]
    gr = Pdist_gaussian / v * jnp.linalg.det(cell) / (natom - 1) / natom * 2
    return (r_list, gr)

if __name__ == "__main__":
    import jax
    _d = setup_inputs()
    print(jax.jit(kernel)(*tuple(_d.values())))

</pallas_src>

<mosaic_0001>
#map = affine_map<(d0, d1) -> (0, 0, 0)>
module attributes {stable_mosaic.version = 14 : i64} {
  func.func @_sc_body(%arg0: i32, %arg1: i32, %arg2: memref<4x3x512xf32, #tpu.memory_space<hbm>>, %arg3: memref<32x32x16xf32, #tpu.memory_space<hbm>>, %arg4: memref<4x3x512xf32, #tpu.memory_space<vmem>>, %arg5: memref<32x16xf32, #tpu.memory_space<vmem>>) attributes {dimension_semantics = [#tpu.dimension_semantics<core_parallel>, #tpu.dimension_semantics<subcore_parallel>], iteration_bounds = array<i64: 2, 16>, scalar_prefetch = 0 : i64, scratch_operands = 2 : i64, tpu.core_type = #tpu.core_type<sc_vector_subcore>, window_params = [{transform_indices = #map}, {transform_indices = #map}]} {
    %mul3A = arith.constant 2 : i32
    %mul3A_0 = arith.muli %arg1, %mul3A : i32
    %add3A = arith.addi %mul3A_0, %arg0 : i32
    "tpu.region"() ({
      %run_scoped3A = tpu.sem_alloc : memref<!tpu.dma_semaphore, #tpu.memory_space<semaphore_mem>>
      tpu.enqueue_dma source(%arg2 : memref<4x3x512xf32, #tpu.memory_space<hbm>>) target(%arg4 : memref<4x3x512xf32, #tpu.memory_space<vmem>>) target_semaphore(%run_scoped3A : memref<!tpu.dma_semaphore, #tpu.memory_space<semaphore_mem>>)
      tpu.wait_dma2 semaphore(%run_scoped3A : memref<!tpu.dma_semaphore, #tpu.memory_space<semaphore_mem>>) src(%arg2 : memref<4x3x512xf32, #tpu.memory_space<hbm>>) dst(%arg4 : memref<4x3x512xf32, #tpu.memory_space<vmem>>)
      tpu.yield
    }) : () -> ()
    %broadcast_in_dim3A = arith.constant 0.000000e+00 : f32
    %broadcast_in_dim3A_1 = vector.broadcast %broadcast_in_dim3A : f32 to vector<16xf32>
    %swap3A = arith.constant 0 : i32
    %swap3A_2 = arith.index_cast %swap3A : i32 to index
    %swap3A_3 = arith.constant 0 : index
    %swap3A_4 = tpu.vector_load %arg5[%swap3A_2, %swap3A_3] {strides = array<i32>} : memref<32x16xf32, #tpu.memory_space<vmem>>, vector<16xf32>,
    tpu.vector_store %arg5[%swap3A_2, %swap3A_3], %broadcast_in_dim3A_1 {strides = array<i32>} : memref<32x16xf32, #tpu.memory_space<vmem>>, vector<16xf32>,
    %swap3A_5 = arith.constant 1 : i32
    %swap3A_6 = arith.index_cast %swap3A_5 : i32 to index
    %swap3A_7 = arith.constant 0 : index
    %swap3A_8 = tpu.vector_load %arg5[%swap3A_6, %swap3A_7] {strides = array<i32>} : memref<32x16xf32, #tpu.memory_space<vmem>>, vector<16xf32>,
    tpu.vector_store %arg5[%swap3A_6, %swap3A_7], %broadcast_in_dim3A_1 {strides = array<i32>} : memref<32x16xf32, #tpu.memory_space<vmem>>, vector<16xf32>,
    %swap3A_9 = arith.constant 2 : i32
    %swap3A_10 = arith.index_cast %swap3A_9 : i32 to index
    %swap3A_11 = arith.constant 0 : index
    %swap3A_12 = tpu.vector_load %arg5[%swap3A_10, %swap3A_11] {strides = array<i32>} : memref<32x16xf32, #tpu.memory_space<vmem>>, vector<16xf32>,
    tpu.vector_store %arg5[%swap3A_10, %swap3A_11], %broadcast_in_dim3A_1 {strides = array<i32>} : memref<32x16xf32, #tpu.memory_space<vmem>>, vector<16xf32>,
    %swap3A_13 = arith.constant 3 : i32
    %swap3A_14 = arith.index_cast %swap3A_13 : i32 to index
    %swap3A_15 = arith.constant 0 : index
    %swap3A_16 = tpu.vector_load %arg5[%swap3A_14, %swap3A_15] {strides = array<i32>} : memref<32x16xf32, #tpu.memory_space<vmem>>, vector<16xf32>,
    tpu.vector_store %arg5[%swap3A_14, %swap3A_15], %broadcast_in_dim3A_1 {strides = array<i32>} : memref<32x16xf32, #tpu.memory_space<vmem>>, vector<16xf32>,
    %swap3A_17 = arith.constant 4 : i32
    %swap3A_18 = arith.index_cast %swap3A_17 : i32 to index
    %swap3A_19 = arith.constant 0 : index
    %swap3A_20 = tpu.vector_load %arg5[%swap3A_18, %swap3A_19] {strides = array<i32>} : memref<32x16xf32, #tpu.memory_space<vmem>>, vector<16xf32>,
    tpu.vector_store %arg5[%swap3A_18, %swap3A_19], %broadcast_in_dim3A_1 {strides = array<i32>} : memref<32x16xf32, #tpu.memory_space<vmem>>, vector<16xf32>,
    %swap3A_21 = arith.constant 5 : i32
    %swap3A_22 = arith.index_cast %swap3A_21 : i32 to index
    %swap3A_23 = arith.constant 0 : index
    %swap3A_24 = tpu.vector_load %arg5[%swap3A_22, %swap3A_23] {strides = array<i32>} : memref<32x16xf32, #tpu.memory_space<vmem>>, vector<16xf32>,
    tpu.vector_store %arg5[%swap3A_22, %swap3A_23], %broadcast_in_dim3A_1 {strides = array<i32>} : memref<32x16xf32, #tpu.memory_space<vmem>>, vector<16xf32>,
    %swap3A_25 = arith.constant 6 : i32
    %swap3A_26 = arith.index_cast %swap3A_25 : i32 to index
    %swap3A_27 = arith.constant 0 : index
    %swap3A_28 = tpu.vector_load %arg5[%swap3A_26, %swap3A_27] {strides = array<i32>} : memref<32x16xf32, #tpu.memory_space<vmem>>, vector<16xf32>,
    tpu.vector_store %arg5[%swap3A_26, %swap3A_27], %broadcast_in_dim3A_1 {strides = array<i32>} : memref<32x16xf32, #tpu.memory_space<vmem>>, vector<16xf32>,
    %swap3A_29 = arith.constant 7 : i32
    %swap3A_30 = arith.index_cast %swap3A_29 : i32 to index
    %swap3A_31 = arith.constant 0 : index
    %swap3A_32 = tpu.vector_load %arg5[%swap3A_30, %swap3A_31] {strides = array<i32>} : memref<32x16xf32, #tpu.memory_space<vmem>>, vector<16xf32>,
    tpu.vector_store %arg5[%swap3A_30, %swap3A_31], %broadcast_in_dim3A_1 {strides = array<i32>} : memref<32x16xf32, #tpu.memory_space<vmem>>, vector<16xf32>,
    %swap3A_33 = arith.constant 8 : i32
    %swap3A_34 = arith.index_cast %swap3A_33 : i32 to index
    %swap3A_35 = arith.constant 0 : index
    %swap3A_36 = tpu.vector_load %arg5[%swap3A_34, %swap3A_35] {strides = array<i32>} : memref<32x16xf32, #tpu.memory_space<vmem>>, vector<16xf32>,
    tpu.vector_store %arg5[%swap3A_34, %swap3A_35], %broadcast_in_dim3A_1 {strides = array<i32>} : memref<32x16xf32, #tpu.memory_space<vmem>>, vector<16xf32>,
    %swap3A_37 = arith.constant 9 : i32
    %swap3A_38 = arith.index_cast %swap3A_37 : i32 to index
    %swap3A_39 = arith.constant 0 : index
    %swap3A_40 = tpu.vector_load %arg5[%swap3A_38, %swap3A_39] {strides = array<i32>} : memref<32x16xf32, #tpu.memory_space<vmem>>, vector<16xf32>,
    tpu.vector_store %arg5[%swap3A_38, %swap3A_39], %broadcast_in_dim3A_1 {strides = array<i32>} : memref<32x16xf32, #tpu.memory_space<vmem>>, vector<16xf32>,
    %swap3A_41 = arith.constant 10 : i32
    %swap3A_42 = arith.index_cast %swap3A_41 : i32 to index
    %swap3A_43 = arith.constant 0 : index
    %swap3A_44 = tpu.vector_load %arg5[%swap3A_42, %swap3A_43] {strides = array<i32>} : memref<32x16xf32, #tpu.memory_space<vmem>>, vector<16xf32>,
    tpu.vector_store %arg5[%swap3A_42, %swap3A_43], %broadcast_in_dim3A_1 {strides = array<i32>} : memref<32x16xf32, #tpu.memory_space<vmem>>, vector<16xf32>,
    %swap3A_45 = arith.constant 11 : i32
    %swap3A_46 = arith.index_cast %swap3A_45 : i32 to index
    %swap3A_47 = arith.constant 0 : index
    %swap3A_48 = tpu.vector_load %arg5[%swap3A_46, %swap3A_47] {strides = array<i32>} : memref<32x16xf32, #tpu.memory_space<vmem>>, vector<16xf32>,
    tpu.vector_store %arg5[%swap3A_46, %swap3A_47], %broadcast_in_dim3A_1 {strides = array<i32>} : memref<32x16xf32, #tpu.memory_space<vmem>>, vector<16xf32>,
    %swap3A_49 = arith.constant 12 : i32
    %swap3A_50 = arith.index_cast %swap3A_49 : i32 to index
    %swap3A_51 = arith.constant 0 : index
    %swap3A_52 = tpu.vector_load %arg5[%swap3A_50, %swap3A_51] {strides = array<i32>} : memref<32x16xf32, #tpu.memory_space<vmem>>, vector<16xf32>,
    tpu.vector_store %arg5[%swap3A_50, %swap3A_51], %broadcast_in_dim3A_1 {strides = array<i32>} : memref<32x16xf32, #tpu.memory_space<vmem>>, vector<16xf32>,
    %swap3A_53 = arith.constant 13 : i32
    %swap3A_54 = arith.index_cast %swap3A_53 : i32 to index
    %swap3A_55 = arith.constant 0 : index
    %swap3A_56 = tpu.vector_load %arg5[%swap3A_54, %swap3A_55] {strides = array<i32>} : memref<32x16xf32, #tpu.memory_space<vmem>>, vector<16xf32>,
    tpu.vector_store %arg5[%swap3A_54, %swap3A_55], %broadcast_in_dim3A_1 {strides = array<i32>} : memref<32x16xf32, #tpu.memory_space<vmem>>, vector<16xf32>,
    %swap3A_57 = arith.constant 14 : i32
    %swap3A_58 = arith.index_cast %swap3A_57 : i32 to index
    %swap3A_59 = arith.constant 0 : index
    %swap3A_60 = tpu.vector_load %arg5[%swap3A_58, %swap3A_59] {strides = array<i32>} : memref<32x16xf32, #tpu.memory_space<vmem>>, vector<16xf32>,
    tpu.vector_store %arg5[%swap3A_58, %swap3A_59], %broadcast_in_dim3A_1 {strides = array<i32>} : memref<32x16xf32, #tpu.memory_space<vmem>>, vector<16xf32>,
    %swap3A_61 = arith.constant 15 : i32
    %swap3A_62 = arith.index_cast %swap3A_61 : i32 to index
    %swap3A_63 = arith.constant 0 : index
    %swap3A_64 = tpu.vector_load %arg5[%swap3A_62, %swap3A_63] {strides = array<i32>} : memref<32x16xf32, #tpu.memory_space<vmem>>, vector<16xf32>,
    tpu.vector_store %arg5[%swap3A_62, %swap3A_63], %broadcast_in_dim3A_1 {strides = array<i32>} : memref<32x16xf32, #tpu.memory_space<vmem>>, vector<16xf32>,
    %swap3A_65 = arith.constant 16 : i32
    %swap3A_66 = arith.index_cast %swap3A_65 : i32 to index
    %swap3A_67 = arith.constant 0 : index
    %swap3A_68 = tpu.vector_load %arg5[%swap3A_66, %swap3A_67] {strides = array<i32>} : memref<32x16xf32, #tpu.memory_space<vmem>>, vector<16xf32>,
    tpu.vector_store %arg5[%swap3A_66, %swap3A_67], %broadcast_in_dim3A_1 {strides = array<i32>} : memref<32x16xf32, #tpu.memory_space<vmem>>, vector<16xf32>,
    %swap3A_69 = arith.constant 17 : i32
    %swap3A_70 = arith.index_cast %swap3A_69 : i32 to index
    %swap3A_71 = arith.constant 0 : index
    %swap3A_72 = tpu.vector_load %arg5[%swap3A_70, %swap3A_71] {strides = array<i32>} : memref<32x16xf32, #tpu.memory_space<vmem>>, vector<16xf32>,
    tpu.vector_store %arg5[%swap3A_70, %swap3A_71], %broadcast_in_dim3A_1 {strides = array<i32>} : memref<32x16xf32, #tpu.memory_space<vmem>>, vector<16xf32>,
    %swap3A_73 = arith.constant 18 : i32
    %swap3A_74 = arith.index_cast %swap3A_73 : i32 to index
    %swap3A_75 = arith.constant 0 : index
    %swap3A_76 = tpu.vector_load %arg5[%swap3A_74, %swap3A_75] {strides = array<i32>} : memref<32x16xf32, #tpu.memory_space<vmem>>, vector<16xf32>,
    tpu.vector_store %arg5[%swap3A_74, %swap3A_75], %broadcast_in_dim3A_1 {strides = array<i32>} : memref<32x16xf32, #tpu.memory_space<vmem>>, vector<16xf32>,
    %swap3A_77 = arith.constant 19 : i32
    %swap3A_78 = arith.index_cast %swap3A_77 : i32 to index
    %swap3A_79 = arith.constant 0 : index
    %swap3A_80 = tpu.vector_load %arg5[%swap3A_78, %swap3A_79] {strides = array<i32>} : memref<32x16xf32, #tpu.memory_space<vmem>>, vector<16xf32>,
    tpu.vector_store %arg5[%swap3A_78, %swap3A_79], %broadcast_in_dim3A_1 {strides = array<i32>} : memref<32x16xf32, #tpu.memory_space<vmem>>, vector<16xf32>,
    %swap3A_81 = arith.constant 20 : i32
    %swap3A_82 = arith.index_cast %swap3A_81 : i32 to index
    %swap3A_83 = arith.constant 0 : index
    %swap3A_84 = tpu.vector_load %arg5[%swap3A_82, %swap3A_83] {strides = array<i32>} : memref<32x16xf32, #tpu.memory_space<vmem>>, vector<16xf32>,
    tpu.vector_store %arg5[%swap3A_82, %swap3A_83], %broadcast_in_dim3A_1 {strides = array<i32>} : memref<32x16xf32, #tpu.memory_space<vmem>>, vector<16xf32>,
    %swap3A_85 = arith.constant 21 : i32
    %swap3A_86 = arith.index_cast %swap3A_85 : i32 to index
    %swap3A_87 = arith.constant 0 : index
    %swap3A_88 = tpu.vector_load %arg5[%swap3A_86, %swap3A_87] {strides = array<i32>} : memref<32x16xf32, #tpu.memory_space<vmem>>, vector<16xf32>,
    tpu.vector_store %arg5[%swap3A_86, %swap3A_87], %broadcast_in_dim3A_1 {strides = array<i32>} : memref<32x16xf32, #tpu.memory_space<vmem>>, vector<16xf32>,
    %swap3A_89 = arith.constant 22 : i32
    %swap3A_90 = arith.index_cast %swap3A_89 : i32 to index
    %swap3A_91 = arith.constant 0 : index
    %swap3A_92 = tpu.vector_load %arg5[%swap3A_90, %swap3A_91] {strides = array<i32>} : memref<32x16xf32, #tpu.memory_space<vmem>>, vector<16xf32>,
    tpu.vector_store %arg5[%swap3A_90, %swap3A_91], %broadcast_in_dim3A_1 {strides = array<i32>} : memref<32x16xf32, #tpu.memory_space<vmem>>, vector<16xf32>,
    %swap3A_93 = arith.constant 23 : i32
    %swap3A_94 = arith.index_cast %swap3A_93 : i32 to index
    %swap3A_95 = arith.constant 0 : index
    %swap3A_96 = tpu.vector_load %arg5[%swap3A_94, %swap3A_95] {strides = array<i32>} : memref<32x16xf32, #tpu.memory_space<vmem>>, vector<16xf32>,
    tpu.vector_store %arg5[%swap3A_94, %swap3A_95], %broadcast_in_dim3A_1 {strides = array<i32>} : memref<32x16xf32, #tpu.memory_space<vmem>>, vector<16xf32>,
    %swap3A_97 = arith.constant 24 : i32
    %swap3A_98 = arith.index_cast %swap3A_97 : i32 to index
    %swap3A_99 = arith.constant 0 : index
    %swap3A_100 = tpu.vector_load %arg5[%swap3A_98, %swap3A_99] {strides = array<i32>} : memref<32x16xf32, #tpu.memory_space<vmem>>, vector<16xf32>,
    tpu.vector_store %arg5[%swap3A_98, %swap3A_99], %broadcast_in_dim3A_1 {strides = array<i32>} : memref<32x16xf32, #tpu.memory_space<vmem>>, vector<16xf32>,
    %swap3A_101 = arith.constant 25 : i32
    %swap3A_102 = arith.index_cast %swap3A_101 : i32 to index
    %swap3A_103 = arith.constant 0 : index
    %swap3A_104 = tpu.vector_load %arg5[%swap3A_102, %swap3A_103] {strides = array<i32>} : memref<32x16xf32, #tpu.memory_space<vmem>>, vector<16xf32>,
    tpu.vector_store %arg5[%swap3A_102, %swap3A_103], %broadcast_in_dim3A_1 {strides = array<i32>} : memref<32x16xf32, #tpu.memory_space<vmem>>, vector<16xf32>,
    %swap3A_105 = arith.constant 26 : i32
    %swap3A_106 = arith.index_cast %swap3A_105 : i32 to index
    %swap3A_107 = arith.constant 0 : index
    %swap3A_108 = tpu.vector_load %arg5[%swap3A_106, %swap3A_107] {strides = array<i32>} : memref<32x16xf32, #tpu.memory_space<vmem>>, vector<16xf32>,
    tpu.vector_store %arg5[%swap3A_106, %swap3A_107], %broadcast_in_dim3A_1 {strides = array<i32>} : memref<32x16xf32, #tpu.memory_space<vmem>>, vector<16xf32>,
    %swap3A_109 = arith.constant 27 : i32
    %swap3A_110 = arith.index_cast %swap3A_109 : i32 to index
    %swap3A_111 = arith.constant 0 : index
    %swap3A_112 = tpu.vector_load %arg5[%swap3A_110, %swap3A_111] {strides = array<i32>} : memref<32x16xf32, #tpu.memory_space<vmem>>, vector<16xf32>,
    tpu.vector_store %arg5[%swap3A_110, %swap3A_111], %broadcast_in_dim3A_1 {strides = array<i32>} : memref<32x16xf32, #tpu.memory_space<vmem>>, vector<16xf32>,
    %swap3A_113 = arith.constant 28 : i32
    %swap3A_114 = arith.index_cast %swap3A_113 : i32 to index
    %swap3A_115 = arith.constant 0 : index
    %swap3A_116 = tpu.vector_load %arg5[%swap3A_114, %swap3A_115] {strides = array<i32>} : memref<32x16xf32, #tpu.memory_space<vmem>>, vector<16xf32>,
    tpu.vector_store %arg5[%swap3A_114, %swap3A_115], %broadcast_in_dim3A_1 {strides = array<i32>} : memref<32x16xf32, #tpu.memory_space<vmem>>, vector<16xf32>,
    %swap3A_117 = arith.constant 29 : i32
    %swap3A_118 = arith.index_cast %swap3A_117 : i32 to index
    %swap3A_119 = arith.constant 0 : index
    %swap3A_120 = tpu.vector_load %arg5[%swap3A_118, %swap3A_119] {strides = array<i32>} : memref<32x16xf32, #tpu.memory_space<vmem>>, vector<16xf32>,
    tpu.vector_store %arg5[%swap3A_118, %swap3A_119], %broadcast_in_dim3A_1 {strides = array<i32>} : memref<32x16xf32, #tpu.memory_space<vmem>>, vector<16xf32>,
    %swap3A_121 = arith.constant 30 : i32
    %swap3A_122 = arith.index_cast %swap3A_121 : i32 to index
    %swap3A_123 = arith.constant 0 : index
    %swap3A_124 = tpu.vector_load %arg5[%swap3A_122, %swap3A_123] {strides = array<i32>} : memref<32x16xf32, #tpu.memory_space<vmem>>, vector<16xf32>,
    tpu.vector_store %arg5[%swap3A_122, %swap3A_123], %broadcast_in_dim3A_1 {strides = array<i32>} : memref<32x16xf32, #tpu.memory_space<vmem>>, vector<16xf32>,
    %swap3A_125 = arith.constant 31 : i32
    %swap3A_126 = arith.index_cast %swap3A_125 : i32 to index
    %swap3A_127 = arith.constant 0 : index
    %swap3A_128 = tpu.vector_load %arg5[%swap3A_126, %swap3A_127] {strides = array<i32>} : memref<32x16xf32, #tpu.memory_space<vmem>>, vector<16xf32>,
    tpu.vector_store %arg5[%swap3A_126, %swap3A_127], %broadcast_in_dim3A_1 {strides = array<i32>} : memref<32x16xf32, #tpu.memory_space<vmem>>, vector<16xf32>,
    %iota3A = tpu.iota {dimensions = array<i32: 0>} : vector<16xi32>
    %broadcast_in_dim3A_129 = arith.constant 0 : i32
    %broadcast_in_dim3A_130 = vector.broadcast %broadcast_in_dim3A_129 : i32 to vector<16xi32>
    %scan3A = arith.constant 0 : i32
    %scan3A_131 = arith.constant 0 : i32
    %scan3A_132 = arith.constant 16 : i32
    %scan3A_133 = arith.addi %scan3A_131, %scan3A_132 : i32
    %scan3A_134 = arith.constant 1 : i32
    %scan3A_135 = scf.for %scan3A_137 = %scan3A_131 to %scan3A_133 step %scan3A_134 iter_args(%scan3A_138 = %scan3A) -> (i32)  : i32 {
      %shift_right_arithmetic3A = arith.constant 1 : i32
      %shift_right_arithmetic3A_139 = arith.shrsi %scan3A_137, %shift_right_arithmetic3A : i32
      %mul3A_140 = arith.constant 64 : i32
      %mul3A_141 = arith.muli %shift_right_arithmetic3A_139, %mul3A_140 : i32
      %add3A_142 = arith.addi %mul3A_141, %add3A : i32
      %and3A = arith.constant 1 : i32
      %and3A_143 = arith.andi %scan3A_137, %and3A : i32
      %mul3A_144 = arith.constant 2 : i32
      %mul3A_145 = arith.muli %mul3A_144, %add3A : i32
      %sub3A = arith.constant 63 : i32
      %sub3A_146 = arith.subi %sub3A, %mul3A_145 : i32
      %mul3A_147 = arith.muli %and3A_143, %sub3A_146 : i32
      %add3A_148 = arith.addi %add3A_142, %mul3A_147 : i32
      %shift_right_arithmetic3A_149 = arith.constant 4 : i32
      %shift_right_arithmetic3A_150 = arith.shrsi %add3A_148, %shift_right_arithmetic3A_149 : i32
      %shift_left3A = arith.constant 4 : i32
      %shift_left3A_151 = arith.shli %shift_right_arithmetic3A_150, %shift_left3A : i32
      %multiple_of3A = tpu.assume_multiple %shift_left3A_151, 16 : i32
      %and3A_152 = arith.constant 15 : i32
      %and3A_153 = arith.andi %add3A_148, %and3A_152 : i32
      %add3A_154 = vector.broadcast %and3A_153 : i32 to vector<16xi32>
      %add3A_155 = arith.addi %broadcast_in_dim3A_130, %add3A_154 : vector<16xi32>
      %get3A = arith.constant 0 : i32
      %get3A_156 = arith.constant 0 : i32
      %get3A_157 = arith.index_cast %get3A : i32 to index
      %get3A_158 = arith.index_cast %get3A_156 : i32 to index
      %get3A_159 = arith.index_cast %multiple_of3A : i32 to index
      %get3A_160 = tpu.vector_load %arg4[%get3A_157, %get3A_158, %get3A_159] {strides = array<i32>} : memref<4x3x512xf32, #tpu.memory_space<vmem>>, vector<16xf32>,
      %broadcast_in_dim3A_161 = vector.shape_cast %add3A_155 : vector<16xi32> to vector<16x1xi32>
      %gather3A = vector.shape_cast %broadcast_in_dim3A_161 : vector<16x1xi32> to vector<16xi32>
      %gather3A_162 = tpu.dynamic_gather %get3A_160[%gather3A] in [0] : vector<16xf32>, vector<16xi32> -> vector<16xf32>
      %get3A_163 = arith.constant 0 : i32
      %get3A_164 = arith.constant 1 : i32
      %get3A_165 = arith.index_cast %get3A_163 : i32 to index
      %get3A_166 = arith.index_cast %get3A_164 : i32 to index
      %get3A_167 = arith.index_cast %multiple_of3A : i32 to index
      %get3A_168 = tpu.vector_load %arg4[%get3A_165, %get3A_166, %get3A_167] {strides = array<i32>} : memref<4x3x512xf32, #tpu.memory_space<vmem>>, vector<16xf32>,
      %broadcast_in_dim3A_169 = vector.shape_cast %add3A_155 : vector<16xi32> to vector<16x1xi32>
      %gather3A_170 = vector.shape_cast %broadcast_in_dim3A_169 : vector<16x1xi32> to vector<16xi32>
      %gather3A_171 = tpu.dynamic_gather %get3A_168[%gather3A_170] in [0] : vector<16xf32>, vector<16xi32> -> vector<16xf32>
      %get3A_172 = arith.constant 0 : i32
      %get3A_173 = arith.constant 2 : i32
      %get3A_174 = arith.index_cast %get3A_172 : i32 to index
      %get3A_175 = arith.index_cast %get3A_173 : i32 to index
      %get3A_176 = arith.index_cast %multiple_of3A : i32 to index
      %get3A_177 = tpu.vector_load %arg4[%get3A_174, %get3A_175, %get3A_176] {strides = array<i32>} : memref<4x3x512xf32, #tpu.memory_space<vmem>>, vector<16xf32>,
      %broadcast_in_dim3A_178 = vector.shape_cast %add3A_155 : vector<16xi32> to vector<16x1xi32>
      %gather3A_179 = vector.shape_cast %broadcast_in_dim3A_178 : vector<16x1xi32> to vector<16xi32>
      %gather3A_180 = tpu.dynamic_gather %get3A_177[%gather3A_179] in [0] : vector<16xf32>, vector<16xi32> -> vector<16xf32>
      %get3A_181 = arith.constant 1 : i32
      %get3A_182 = arith.constant 0 : i32
      %get3A_183 = arith.index_cast %get3A_181 : i32 to index
      %get3A_184 = arith.index_cast %get3A_182 : i32 to index
      %get3A_185 = arith.index_cast %multiple_of3A : i32 to index
      %get3A_186 = tpu.vector_load %arg4[%get3A_183, %get3A_184, %get3A_185] {strides = array<i32>} : memref<4x3x512xf32, #tpu.memory_space<vmem>>, vector<16xf32>,
      %broadcast_in_dim3A_187 = vector.shape_cast %add3A_155 : vector<16xi32> to vector<16x1xi32>
      %gather3A_188 = vector.shape_cast %broadcast_in_dim3A_187 : vector<16x1xi32> to vector<16xi32>
      %gather3A_189 = tpu.dynamic_gather %get3A_186[%gather3A_188] in [0] : vector<16xf32>, vector<16xi32> -> vector<16xf32>
      %get3A_190 = arith.constant 1 : i32
      %get3A_191 = arith.constant 1 : i32
      %get3A_192 = arith.index_cast %get3A_190 : i32 to index
      %get3A_193 = arith.index_cast %get3A_191 : i32 to index
      %get3A_194 = arith.index_cast %multiple_of3A : i32 to index
      %get3A_195 = tpu.vector_load %arg4[%get3A_192, %get3A_193, %get3A_194] {strides = array<i32>} : memref<4x3x512xf32, #tpu.memory_space<vmem>>, vector<16xf32>,
      %broadcast_in_dim3A_196 = vector.shape_cast %add3A_155 : vector<16xi32> to vector<16x1xi32>
      %gather3A_197 = vector.shape_cast %broadcast_in_dim3A_196 : vector<16x1xi32> to vector<16xi32>
      %gather3A_198 = tpu.dynamic_gather %get3A_195[%gather3A_197] in [0] : vector<16xf32>, vector<16xi32> -> vector<16xf32>
      %get3A_199 = arith.constant 1 : i32
      %get3A_200 = arith.constant 2 : i32
      %get3A_201 = arith.index_cast %get3A_199 : i32 to index
      %get3A_202 = arith.index_cast %get3A_200 : i32 to index
      %get3A_203 = arith.index_cast %multiple_of3A : i32 to index
      %get3A_204 = tpu.vector_load %arg4[%get3A_201, %get3A_202, %get3A_203] {strides = array<i32>} : memref<4x3x512xf32, #tpu.memory_space<vmem>>, vector<16xf32>,
      %broadcast_in_dim3A_205 = vector.shape_cast %add3A_155 : vector<16xi32> to vector<16x1xi32>
      %gather3A_206 = vector.shape_cast %broadcast_in_dim3A_205 : vector<16x1xi32> to vector<16xi32>
      %gather3A_207 = tpu.dynamic_gather %get3A_204[%gather3A_206] in [0] : vector<16xf32>, vector<16xi32> -> vector<16xf32>
      %get3A_208 = arith.constant 2 : i32
      %get3A_209 = arith.constant 0 : i32
      %get3A_210 = arith.index_cast %get3A_208 : i32 to index
      %get3A_211 = arith.index_cast %get3A_209 : i32 to index
      %get3A_212 = arith.index_cast %multiple_of3A : i32 to index
      %get3A_213 = tpu.vector_load %arg4[%get3A_210, %get3A_211, %get3A_212] {strides = array<i32>} : memref<4x3x512xf32, #tpu.memory_space<vmem>>, vector<16xf32>,
      %broadcast_in_dim3A_214 = vector.shape_cast %add3A_155 : vector<16xi32> to vector<16x1xi32>
      %gather3A_215 = vector.shape_cast %broadcast_in_dim3A_214 : vector<16x1xi32> to vector<16xi32>
      %gather3A_216 = tpu.dynamic_gather %get3A_213[%gather3A_215] in [0] : vector<16xf32>, vector<16xi32> -> vector<16xf32>
      %get3A_217 = arith.constant 2 : i32
      %get3A_218 = arith.constant 1 : i32
      %get3A_219 = arith.index_cast %get3A_217 : i32 to index
      %get3A_220 = arith.index_cast %get3A_218 : i32 to index
      %get3A_221 = arith.index_cast %multiple_of3A : i32 to index
      %get3A_222 = tpu.vector_load %arg4[%get3A_219, %get3A_220, %get3A_221] {strides = array<i32>} : memref<4x3x512xf32, #tpu.memory_space<vmem>>, vector<16xf32>,
      %broadcast_in_dim3A_223 = vector.shape_cast %add3A_155 : vector<16xi32> to vector<16x1xi32>
      %gather3A_224 = vector.shape_cast %broadcast_in_dim3A_223 : vector<16x1xi32> to vector<16xi32>
      %gather3A_225 = tpu.dynamic_gather %get3A_222[%gather3A_224] in [0] : vector<16xf32>, vector<16xi32> -> vector<16xf32>
      %get3A_226 = arith.constant 2 : i32
      %get3A_227 = arith.constant 2 : i32
      %get3A_228 = arith.index_cast %get3A_226 : i32 to index
      %get3A_229 = arith.index_cast %get3A_227 : i32 to index
      %get3A_230 = arith.index_cast %multiple_of3A : i32 to index
      %get3A_231 = tpu.vector_load %arg4[%get3A_228, %get3A_229, %get3A_230] {strides = array<i32>} : memref<4x3x512xf32, #tpu.memory_space<vmem>>, vector<16xf32>,
      %broadcast_in_dim3A_232 = vector.shape_cast %add3A_155 : vector<16xi32> to vector<16x1xi32>
      %gather3A_233 = vector.shape_cast %broadcast_in_dim3A_232 : vector<16x1xi32> to vector<16xi32>
      %gather3A_234 = tpu.dynamic_gather %get3A_231[%gather3A_233] in [0] : vector<16xf32>, vector<16xi32> -> vector<16xf32>
      %get3A_235 = arith.constant 3 : i32
      %get3A_236 = arith.constant 0 : i32
      %get3A_237 = arith.index_cast %get3A_235 : i32 to index
      %get3A_238 = arith.index_cast %get3A_236 : i32 to index
      %get3A_239 = arith.index_cast %multiple_of3A : i32 to index
      %get3A_240 = tpu.vector_load %arg4[%get3A_237, %get3A_238, %get3A_239] {strides = array<i32>} : memref<4x3x512xf32, #tpu.memory_space<vmem>>, vector<16xf32>,
      %broadcast_in_dim3A_241 = vector.shape_cast %add3A_155 : vector<16xi32> to vector<16x1xi32>
      %gather3A_242 = vector.shape_cast %broadcast_in_dim3A_241 : vector<16x1xi32> to vector<16xi32>
      %gather3A_243 = tpu.dynamic_gather %get3A_240[%gather3A_242] in [0] : vector<16xf32>, vector<16xi32> -> vector<16xf32>
      %get3A_244 = arith.constant 3 : i32
      %get3A_245 = arith.constant 1 : i32
      %get3A_246 = arith.index_cast %get3A_244 : i32 to index
      %get3A_247 = arith.index_cast %get3A_245 : i32 to index
      %get3A_248 = arith.index_cast %multiple_of3A : i32 to index
      %get3A_249 = tpu.vector_load %arg4[%get3A_246, %get3A_247, %get3A_248] {strides = array<i32>} : memref<4x3x512xf32, #tpu.memory_space<vmem>>, vector<16xf32>,
      %broadcast_in_dim3A_250 = vector.shape_cast %add3A_155 : vector<16xi32> to vector<16x1xi32>
      %gather3A_251 = vector.shape_cast %broadcast_in_dim3A_250 : vector<16x1xi32> to vector<16xi32>
      %gather3A_252 = tpu.dynamic_gather %get3A_249[%gather3A_251] in [0] : vector<16xf32>, vector<16xi32> -> vector<16xf32>
      %get3A_253 = arith.constant 3 : i32
      %get3A_254 = arith.constant 2 : i32
      %get3A_255 = arith.index_cast %get3A_253 : i32 to index
      %get3A_256 = arith.index_cast %get3A_254 : i32 to index
      %get3A_257 = arith.index_cast %multiple_of3A : i32 to index
      %get3A_258 = tpu.vector_load %arg4[%get3A_255, %get3A_256, %get3A_257] {strides = array<i32>} : memref<4x3x512xf32, #tpu.memory_space<vmem>>, vector<16xf32>,
      %broadcast_in_dim3A_259 = vector.shape_cast %add3A_155 : vector<16xi32> to vector<16x1xi32>
      %gather3A_260 = vector.shape_cast %broadcast_in_dim3A_259 : vector<16x1xi32> to vector<16xi32>
      %gather3A_261 = tpu.dynamic_gather %get3A_258[%gather3A_260] in [0] : vector<16xf32>, vector<16xi32> -> vector<16xf32>
      %add3A_262 = arith.constant 1 : i32
      %add3A_263 = arith.addi %add3A_148, %add3A_262 : i32
      %shift_right_arithmetic3A_264 = arith.constant 4 : i32
      %shift_right_arithmetic3A_265 = arith.shrsi %add3A_263, %shift_right_arithmetic3A_264 : i32
      %shift_right_arithmetic3A_266 = arith.constant 1 : i32
      %shift_right_arithmetic3A_267 = arith.shrsi %shift_right_arithmetic3A_265, %shift_right_arithmetic3A_266 : i32
      %while3A = arith.constant 16 : i32
      %while3A_268 = arith.constant 0 : i32
      %while3A_269 = arith.subi %while3A, %shift_right_arithmetic3A_267 : i32
      %while3A_270 = arith.addi %shift_right_arithmetic3A_267, %while3A_269 : i32
      %while3A_271 = arith.constant 1 : i32
      %while3A_272 = arith.divsi %while3A_269, %while3A_271 : i32
      %while3A_273 = arith.muli %while3A_272, %while3A_271 : i32
      %while3A_274 = arith.addi %shift_right_arithmetic3A_267, %while3A_273 : i32
      %while3A_275 = arith.constant 1 : i32
      %while3A_276 = scf.for %while3A_280 = %shift_right_arithmetic3A_267 to %while3A_274 step %while3A_275 iter_args(%while3A_281 = %while3A_268) -> (i32)  : i32 {
        %mul3A_282 = arith.constant 32 : i32
        %mul3A_283 = arith.muli %while3A_280, %mul3A_282 : i32
        %multiple_of3A_284 = tpu.assume_multiple %mul3A_283, 16 : i32
        %add3A_285 = arith.constant 16 : i32
        %add3A_286 = arith.addi %multiple_of3A_284, %add3A_285 : i32
        %multiple_of3A_287 = tpu.assume_multiple %add3A_286, 16 : i32
        %add3A_288 = vector.broadcast %multiple_of3A_284 : i32 to vector<16xi32>
        %add3A_289 = arith.addi %add3A_288, %iota3A : vector<16xi32>
        %gt3A = vector.broadcast %add3A_148 : i32 to vector<16xi32>
        %gt3A_290 = arith.cmpi sgt, %add3A_289, %gt3A : vector<16xi32>
        %add3A_291 = vector.broadcast %multiple_of3A_287 : i32 to vector<16xi32>
        %add3A_292 = arith.addi %add3A_291, %iota3A : vector<16xi32>
        %gt3A_293 = vector.broadcast %add3A_148 : i32 to vector<16xi32>
        %gt3A_294 = arith.cmpi sgt, %add3A_292, %gt3A_293 : vector<16xi32>
        %get3A_295 = arith.constant 0 : i32
        %get3A_296 = arith.constant 0 : i32
        %get3A_297 = arith.index_cast %get3A_295 : i32 to index
        %get3A_298 = arith.index_cast %get3A_296 : i32 to index
        %get3A_299 = arith.index_cast %multiple_of3A_284 : i32 to index
        %get3A_300 = tpu.vector_load %arg4[%get3A_297, %get3A_298, %get3A_299] {strides = array<i32>} : memref<4x3x512xf32, #tpu.memory_space<vmem>>, vector<16xf32>,
        %sub3A_301 = arith.subf %get3A_300, %gather3A_162 : vector<16xf32>
        %get3A_302 = arith.constant 1 : i32
        %get3A_303 = arith.constant 0 : i32
        %get3A_304 = arith.index_cast %get3A_302 : i32 to index
        %get3A_305 = arith.index_cast %get3A_303 : i32 to index
        %get3A_306 = arith.index_cast %multiple_of3A_284 : i32 to index
        %get3A_307 = tpu.vector_load %arg4[%get3A_304, %get3A_305, %get3A_306] {strides = array<i32>} : memref<4x3x512xf32, #tpu.memory_space<vmem>>, vector<16xf32>,
        %sub3A_308 = arith.subf %get3A_307, %gather3A_189 : vector<16xf32>
        %get3A_309 = arith.constant 2 : i32
        %get3A_310 = arith.constant 0 : i32
        %get3A_311 = arith.index_cast %get3A_309 : i32 to index
        %get3A_312 = arith.index_cast %get3A_310 : i32 to index
        %get3A_313 = arith.index_cast %multiple_of3A_284 : i32 to index
        %get3A_314 = tpu.vector_load %arg4[%get3A_311, %get3A_312, %get3A_313] {strides = array<i32>} : memref<4x3x512xf32, #tpu.memory_space<vmem>>, vector<16xf32>,
        %sub3A_315 = arith.subf %get3A_314, %gather3A_216 : vector<16xf32>
        %get3A_316 = arith.constant 3 : i32
        %get3A_317 = arith.constant 0 : i32
        %get3A_318 = arith.index_cast %get3A_316 : i32 to index
        %get3A_319 = arith.index_cast %get3A_317 : i32 to index
        %get3A_320 = arith.index_cast %multiple_of3A_284 : i32 to index
        %get3A_321 = tpu.vector_load %arg4[%get3A_318, %get3A_319, %get3A_320] {strides = array<i32>} : memref<4x3x512xf32, #tpu.memory_space<vmem>>, vector<16xf32>,
        %sub3A_322 = arith.subf %get3A_321, %gather3A_243 : vector<16xf32>
        %get3A_323 = arith.constant 0 : i32
        %get3A_324 = arith.constant 0 : i32
        %get3A_325 = arith.index_cast %get3A_323 : i32 to index
        %get3A_326 = arith.index_cast %get3A_324 : i32 to index
        %get3A_327 = arith.index_cast %multiple_of3A_287 : i32 to index
        %get3A_328 = tpu.vector_load %arg4[%get3A_325, %get3A_326, %get3A_327] {strides = array<i32>} : memref<4x3x512xf32, #tpu.memory_space<vmem>>, vector<16xf32>,
        %sub3A_329 = arith.subf %get3A_328, %gather3A_162 : vector<16xf32>
        %get3A_330 = arith.constant 1 : i32
        %get3A_331 = arith.constant 0 : i32
        %get3A_332 = arith.index_cast %get3A_330 : i32 to index
        %get3A_333 = arith.index_cast %get3A_331 : i32 to index
        %get3A_334 = arith.index_cast %multiple_of3A_287 : i32 to index
        %get3A_335 = tpu.vector_load %arg4[%get3A_332, %get3A_333, %get3A_334] {strides = array<i32>} : memref<4x3x512xf32, #tpu.memory_space<vmem>>, vector<16xf32>,
        %sub3A_336 = arith.subf %get3A_335, %gather3A_189 : vector<16xf32>
        %get3A_337 = arith.constant 2 : i32
        %get3A_338 = arith.constant 0 : i32
        %get3A_339 = arith.index_cast %get3A_337 : i32 to index
        %get3A_340 = arith.index_cast %get3A_338 : i32 to index
        %get3A_341 = arith.index_cast %multiple_of3A_287 : i32 to index
        %get3A_342 = tpu.vector_load %arg4[%get3A_339, %get3A_340, %get3A_341] {strides = array<i32>} : memref<4x3x512xf32, #tpu.memory_space<vmem>>, vector<16xf32>,
        %sub3A_343 = arith.subf %get3A_342, %gather3A_216 : vector<16xf32>
        %get3A_344 = arith.constant 3 : i32
        %get3A_345 = arith.constant 0 : i32
        %get3A_346 = arith.index_cast %get3A_344 : i32 to index
        %get3A_347 = arith.index_cast %get3A_345 : i32 to index
        %get3A_348 = arith.index_cast %multiple_of3A_287 : i32 to index
        %get3A_349 = tpu.vector_load %arg4[%get3A_346, %get3A_347, %get3A_348] {strides = array<i32>} : memref<4x3x512xf32, #tpu.memory_space<vmem>>, vector<16xf32>,
        %sub3A_350 = arith.subf %get3A_349, %gather3A_243 : vector<16xf32>
        %get3A_351 = arith.constant 0 : i32
        %get3A_352 = arith.constant 1 : i32
        %get3A_353 = arith.index_cast %get3A_351 : i32 to index
        %get3A_354 = arith.index_cast %get3A_352 : i32 to index
        %get3A_355 = arith.index_cast %multiple_of3A_284 : i32 to index
        %get3A_356 = tpu.vector_load %arg4[%get3A_353, %get3A_354, %get3A_355] {strides = array<i32>} : memref<4x3x512xf32, #tpu.memory_space<vmem>>, vector<16xf32>,
        %sub3A_357 = arith.subf %get3A_356, %gather3A_171 : vector<16xf32>
        %get3A_358 = arith.constant 1 : i32
        %get3A_359 = arith.constant 1 : i32
        %get3A_360 = arith.index_cast %get3A_358 : i32 to index
        %get3A_361 = arith.index_cast %get3A_359 : i32 to index
        %get3A_362 = arith.index_cast %multiple_of3A_284 : i32 to index
        %get3A_363 = tpu.vector_load %arg4[%get3A_360, %get3A_361, %get3A_362] {strides = array<i32>} : memref<4x3x512xf32, #tpu.memory_space<vmem>>, vector<16xf32>,
        %sub3A_364 = arith.subf %get3A_363, %gather3A_198 : vector<16xf32>
        %get3A_365 = arith.constant 2 : i32
        %get3A_366 = arith.constant 1 : i32
        %get3A_367 = arith.index_cast %get3A_365 : i32 to index
        %get3A_368 = arith.index_cast %get3A_366 : i32 to index
        %get3A_369 = arith.index_cast %multiple_of3A_284 : i32 to index
        %get3A_370 = tpu.vector_load %arg4[%get3A_367, %get3A_368, %get3A_369] {strides = array<i32>} : memref<4x3x512xf32, #tpu.memory_space<vmem>>, vector<16xf32>,
        %sub3A_371 = arith.subf %get3A_370, %gather3A_225 : vector<16xf32>
        %get3A_372 = arith.constant 3 : i32
        %get3A_373 = arith.constant 1 : i32
        %get3A_374 = arith.index_cast %get3A_372 : i32 to index
        %get3A_375 = arith.index_cast %get3A_373 : i32 to index
        %get3A_376 = arith.index_cast %multiple_of3A_284 : i32 to index
        %get3A_377 = tpu.vector_load %arg4[%get3A_374, %get3A_375, %get3A_376] {strides = array<i32>} : memref<4x3x512xf32, #tpu.memory_space<vmem>>, vector<16xf32>,
        %sub3A_378 = arith.subf %get3A_377, %gather3A_252 : vector<16xf32>
        %get3A_379 = arith.constant 0 : i32
        %get3A_380 = arith.constant 1 : i32
        %get3A_381 = arith.index_cast %get3A_379 : i32 to index
        %get3A_382 = arith.index_cast %get3A_380 : i32 to index
        %get3A_383 = arith.index_cast %multiple_of3A_287 : i32 to index
        %get3A_384 = tpu.vector_load %arg4[%get3A_381, %get3A_382, %get3A_383] {strides = array<i32>} : memref<4x3x512xf32, #tpu.memory_space<vmem>>, vector<16xf32>,
        %sub3A_385 = arith.subf %get3A_384, %gather3A_171 : vector<16xf32>
        %get3A_386 = arith.constant 1 : i32
        %get3A_387 = arith.constant 1 : i32
        %get3A_388 = arith.index_cast %get3A_386 : i32 to index
        %get3A_389 = arith.index_cast %get3A_387 : i32 to index
        %get3A_390 = arith.index_cast %multiple_of3A_287 : i32 to index
        %get3A_391 = tpu.vector_load %arg4[%get3A_388, %get3A_389, %get3A_390] {strides = array<i32>} : memref<4x3x512xf32, #tpu.memory_space<vmem>>, vector<16xf32>,
        %sub3A_392 = arith.subf %get3A_391, %gather3A_198 : vector<16xf32>
        %get3A_393 = arith.constant 2 : i32
        %get3A_394 = arith.constant 1 : i32
        %get3A_395 = arith.index_cast %get3A_393 : i32 to index
        %get3A_396 = arith.index_cast %get3A_394 : i32 to index
        %get3A_397 = arith.index_cast %multiple_of3A_287 : i32 to index
        %get3A_398 = tpu.vector_load %arg4[%get3A_395, %get3A_396, %get3A_397] {strides = array<i32>} : memref<4x3x512xf32, #tpu.memory_space<vmem>>, vector<16xf32>,
        %sub3A_399 = arith.subf %get3A_398, %gather3A_225 : vector<16xf32>
        %get3A_400 = arith.constant 3 : i32
        %get3A_401 = arith.constant 1 : i32
        %get3A_402 = arith.index_cast %get3A_400 : i32 to index
        %get3A_403 = arith.index_cast %get3A_401 : i32 to index
        %get3A_404 = arith.index_cast %multiple_of3A_287 : i32 to index
        %get3A_405 = tpu.vector_load %arg4[%get3A_402, %get3A_403, %get3A_404] {strides = array<i32>} : memref<4x3x512xf32, #tpu.memory_space<vmem>>, vector<16xf32>,
        %sub3A_406 = arith.subf %get3A_405, %gather3A_252 : vector<16xf32>
        %get3A_407 = arith.constant 0 : i32
        %get3A_408 = arith.constant 2 : i32
        %get3A_409 = arith.index_cast %get3A_407 : i32 to index
        %get3A_410 = arith.index_cast %get3A_408 : i32 to index
        %get3A_411 = arith.index_cast %multiple_of3A_284 : i32 to index
        %get3A_412 = tpu.vector_load %arg4[%get3A_409, %get3A_410, %get3A_411] {strides = array<i32>} : memref<4x3x512xf32, #tpu.memory_space<vmem>>, vector<16xf32>,
        %sub3A_413 = arith.subf %get3A_412, %gather3A_180 : vector<16xf32>
        %get3A_414 = arith.constant 1 : i32
        %get3A_415 = arith.constant 2 : i32
        %get3A_416 = arith.index_cast %get3A_414 : i32 to index
        %get3A_417 = arith.index_cast %get3A_415 : i32 to index
        %get3A_418 = arith.index_cast %multiple_of3A_284 : i32 to index
        %get3A_419 = tpu.vector_load %arg4[%get3A_416, %get3A_417, %get3A_418] {strides = array<i32>} : memref<4x3x512xf32, #tpu.memory_space<vmem>>, vector<16xf32>,
        %sub3A_420 = arith.subf %get3A_419, %gather3A_207 : vector<16xf32>
        %get3A_421 = arith.constant 2 : i32
        %get3A_422 = arith.constant 2 : i32
        %get3A_423 = arith.index_cast %get3A_421 : i32 to index
        %get3A_424 = arith.index_cast %get3A_422 : i32 to index
        %get3A_425 = arith.index_cast %multiple_of3A_284 : i32 to index
        %get3A_426 = tpu.vector_load %arg4[%get3A_423, %get3A_424, %get3A_425] {strides = array<i32>} : memref<4x3x512xf32, #tpu.memory_space<vmem>>, vector<16xf32>,
        %sub3A_427 = arith.subf %get3A_426, %gather3A_234 : vector<16xf32>
        %get3A_428 = arith.constant 3 : i32
        %get3A_429 = arith.constant 2 : i32
        %get3A_430 = arith.index_cast %get3A_428 : i32 to index
        %get3A_431 = arith.index_cast %get3A_429 : i32 to index
        %get3A_432 = arith.index_cast %multiple_of3A_284 : i32 to index
        %get3A_433 = tpu.vector_load %arg4[%get3A_430, %get3A_431, %get3A_432] {strides = array<i32>} : memref<4x3x512xf32, #tpu.memory_space<vmem>>, vector<16xf32>,
        %sub3A_434 = arith.subf %get3A_433, %gather3A_261 : vector<16xf32>
        %get3A_435 = arith.constant 0 : i32
        %get3A_436 = arith.constant 2 : i32
        %get3A_437 = arith.index_cast %get3A_435 : i32 to index
        %get3A_438 = arith.index_cast %get3A_436 : i32 to index
        %get3A_439 = arith.index_cast %multiple_of3A_287 : i32 to index
        %get3A_440 = tpu.vector_load %arg4[%get3A_437, %get3A_438, %get3A_439] {strides = array<i32>} : memref<4x3x512xf32, #tpu.memory_space<vmem>>, vector<16xf32>,
        %sub3A_441 = arith.subf %get3A_440, %gather3A_180 : vector<16xf32>
        %get3A_442 = arith.constant 1 : i32
        %get3A_443 = arith.constant 2 : i32
        %get3A_444 = arith.index_cast %get3A_442 : i32 to index
        %get3A_445 = arith.index_cast %get3A_443 : i32 to index
        %get3A_446 = arith.index_cast %multiple_of3A_287 : i32 to index
        %get3A_447 = tpu.vector_load %arg4[%get3A_444, %get3A_445, %get3A_446] {strides = array<i32>} : memref<4x3x512xf32, #tpu.memory_space<vmem>>, vector<16xf32>,
        %sub3A_448 = arith.subf %get3A_447, %gather3A_207 : vector<16xf32>
        %get3A_449 = arith.constant 2 : i32
        %get3A_450 = arith.constant 2 : i32
        %get3A_451 = arith.index_cast %get3A_449 : i32 to index
        %get3A_452 = arith.index_cast %get3A_450 : i32 to index
        %get3A_453 = arith.index_cast %multiple_of3A_287 : i32 to index
        %get3A_454 = tpu.vector_load %arg4[%get3A_451, %get3A_452, %get3A_453] {strides = array<i32>} : memref<4x3x512xf32, #tpu.memory_space<vmem>>, vector<16xf32>,
        %sub3A_455 = arith.subf %get3A_454, %gather3A_234 : vector<16xf32>
        %get3A_456 = arith.constant 3 : i32
        %get3A_457 = arith.constant 2 : i32
        %get3A_458 = arith.index_cast %get3A_456 : i32 to index
        %get3A_459 = arith.index_cast %get3A_457 : i32 to index
        %get3A_460 = arith.index_cast %multiple_of3A_287 : i32 to index
        %get3A_461 = tpu.vector_load %arg4[%get3A_458, %get3A_459, %get3A_460] {strides = array<i32>} : memref<4x3x512xf32, #tpu.memory_space<vmem>>, vector<16xf32>,
        %sub3A_462 = arith.subf %get3A_461, %gather3A_261 : vector<16xf32>
        %mul3A_463 = arith.mulf %sub3A_301, %sub3A_301 : vector<16xf32>
        %mul3A_464 = arith.mulf %sub3A_308, %sub3A_308 : vector<16xf32>
        %mul3A_465 = arith.mulf %sub3A_315, %sub3A_315 : vector<16xf32>
        %mul3A_466 = arith.mulf %sub3A_322, %sub3A_322 : vector<16xf32>
        %mul3A_467 = arith.mulf %sub3A_329, %sub3A_329 : vector<16xf32>
        %mul3A_468 = arith.mulf %sub3A_336, %sub3A_336 : vector<16xf32>
        %mul3A_469 = arith.mulf %sub3A_343, %sub3A_343 : vector<16xf32>
        %mul3A_470 = arith.mulf %sub3A_350, %sub3A_350 : vector<16xf32>
        %mul3A_471 = arith.mulf %sub3A_357, %sub3A_357 : vector<16xf32>
        %mul3A_472 = arith.mulf %sub3A_364, %sub3A_364 : vector<16xf32>
        %mul3A_473 = arith.mulf %sub3A_371, %sub3A_371 : vector<16xf32>
        %mul3A_474 = arith.mulf %sub3A_378, %sub3A_378 : vector<16xf32>
        %mul3A_475 = arith.mulf %sub3A_385, %sub3A_385 : vector<16xf32>
        %mul3A_476 = arith.mulf %sub3A_392, %sub3A_392 : vector<16xf32>
        %mul3A_477 = arith.mulf %sub3A_399, %sub3A_399 : vector<16xf32>
        %mul3A_478 = arith.mulf %sub3A_406, %sub3A_406 : vector<16xf32>
        %add3A_479 = arith.addf %mul3A_463, %mul3A_471 : vector<16xf32>
        %add3A_480 = arith.addf %mul3A_464, %mul3A_472 : vector<16xf32>
        %add3A_481 = arith.addf %mul3A_465, %mul3A_473 : vector<16xf32>
        %add3A_482 = arith.addf %mul3A_466, %mul3A_474 : vector<16xf32>
        %add3A_483 = arith.addf %mul3A_467, %mul3A_475 : vector<16xf32>
        %add3A_484 = arith.addf %mul3A_468, %mul3A_476 : vector<16xf32>
        %add3A_485 = arith.addf %mul3A_469, %mul3A_477 : vector<16xf32>
        %add3A_486 = arith.addf %mul3A_470, %mul3A_478 : vector<16xf32>
        %mul3A_487 = arith.mulf %sub3A_413, %sub3A_413 : vector<16xf32>
        %mul3A_488 = arith.mulf %sub3A_420, %sub3A_420 : vector<16xf32>
        %mul3A_489 = arith.mulf %sub3A_427, %sub3A_427 : vector<16xf32>
        %mul3A_490 = arith.mulf %sub3A_434, %sub3A_434 : vector<16xf32>
        %mul3A_491 = arith.mulf %sub3A_441, %sub3A_441 : vector<16xf32>
        %mul3A_492 = arith.mulf %sub3A_448, %sub3A_448 : vector<16xf32>
        %mul3A_493 = arith.mulf %sub3A_455, %sub3A_455 : vector<16xf32>
        %mul3A_494 = arith.mulf %sub3A_462, %sub3A_462 : vector<16xf32>
        %add3A_495 = arith.addf %add3A_479, %mul3A_487 : vector<16xf32>
        %add3A_496 = arith.addf %add3A_480, %mul3A_488 : vector<16xf32>
        %add3A_497 = arith.addf %add3A_481, %mul3A_489 : vector<16xf32>
        %add3A_498 = arith.addf %add3A_482, %mul3A_490 : vector<16xf32>
        %add3A_499 = arith.addf %add3A_483, %mul3A_491 : vector<16xf32>
        %add3A_500 = arith.addf %add3A_484, %mul3A_492 : vector<16xf32>
        %add3A_501 = arith.addf %add3A_485, %mul3A_493 : vector<16xf32>
        %add3A_502 = arith.addf %add3A_486, %mul3A_494 : vector<16xf32>
        %gt3A_503 = arith.constant 0.000000e+00 : f32
        %gt3A_504 = vector.broadcast %gt3A_503 : f32 to vector<16xf32>
        %gt3A_505 = arith.cmpf ogt, %add3A_495, %gt3A_504 : vector<16xf32>
        %and3A_506 = arith.andi %gt3A_290, %gt3A_505 : vector<16xi1>
        %gt3A_507 = arith.constant 0.000000e+00 : f32
        %gt3A_508 = vector.broadcast %gt3A_507 : f32 to vector<16xf32>
        %gt3A_509 = arith.cmpf ogt, %add3A_496, %gt3A_508 : vector<16xf32>
        %and3A_510 = arith.andi %gt3A_290, %gt3A_509 : vector<16xi1>
        %gt3A_511 = arith.constant 0.000000e+00 : f32
        %gt3A_512 = vector.broadcast %gt3A_511 : f32 to vector<16xf32>
        %gt3A_513 = arith.cmpf ogt, %add3A_497, %gt3A_512 : vector<16xf32>
        %and3A_514 = arith.andi %gt3A_290, %gt3A_513 : vector<16xi1>
        %gt3A_515 = arith.constant 0.000000e+00 : f32
        %gt3A_516 = vector.broadcast %gt3A_515 : f32 to vector<16xf32>
        %gt3A_517 = arith.cmpf ogt, %add3A_498, %gt3A_516 : vector<16xf32>
        %and3A_518 = arith.andi %gt3A_290, %gt3A_517 : vector<16xi1>
        %gt3A_519 = arith.constant 0.000000e+00 : f32
        %gt3A_520 = vector.broadcast %gt3A_519 : f32 to vector<16xf32>
        %gt3A_521 = arith.cmpf ogt, %add3A_499, %gt3A_520 : vector<16xf32>
        %and3A_522 = arith.andi %gt3A_294, %gt3A_521 : vector<16xi1>
        %gt3A_523 = arith.constant 0.000000e+00 : f32
        %gt3A_524 = vector.broadcast %gt3A_523 : f32 to vector<16xf32>
        %gt3A_525 = arith.cmpf ogt, %add3A_500, %gt3A_524 : vector<16xf32>
        %and3A_526 = arith.andi %gt3A_294, %gt3A_525 : vector<16xi1>
        %gt3A_527 = arith.constant 0.000000e+00 : f32
        %gt3A_528 = vector.broadcast %gt3A_527 : f32 to vector<16xf32>
        %gt3A_529 = arith.cmpf ogt, %add3A_501, %gt3A_528 : vector<16xf32>
        %and3A_530 = arith.andi %gt3A_294, %gt3A_529 : vector<16xi1>
        %gt3A_531 = arith.constant 0.000000e+00 : f32
        %gt3A_532 = vector.broadcast %gt3A_531 : f32 to vector<16xf32>
        %gt3A_533 = arith.cmpf ogt, %add3A_502, %gt3A_532 : vector<16xf32>
        %and3A_534 = arith.andi %gt3A_294, %gt3A_533 : vector<16xi1>
        %max3A = arith.constant 1.000000e-30 : f32
        %max3A_535 = vector.broadcast %max3A : f32 to vector<16xf32>
        %max3A_536 = arith.maximumf %add3A_495, %max3A_535 : vector<16xf32>
        %max3A_537 = arith.constant 1.000000e-30 : f32
        %max3A_538 = vector.broadcast %max3A_537 : f32 to vector<16xf32>
        %max3A_539 = arith.maximumf %add3A_496, %max3A_538 : vector<16xf32>
        %max3A_540 = arith.constant 1.000000e-30 : f32
        %max3A_541 = vector.broadcast %max3A_540 : f32 to vector<16xf32>
        %max3A_542 = arith.maximumf %add3A_497, %max3A_541 : vector<16xf32>
        %max3A_543 = arith.constant 1.000000e-30 : f32
        %max3A_544 = vector.broadcast %max3A_543 : f32 to vector<16xf32>
        %max3A_545 = arith.maximumf %add3A_498, %max3A_544 : vector<16xf32>
        %max3A_546 = arith.constant 1.000000e-30 : f32
        %max3A_547 = vector.broadcast %max3A_546 : f32 to vector<16xf32>
        %max3A_548 = arith.maximumf %add3A_499, %max3A_547 : vector<16xf32>
        %max3A_549 = arith.constant 1.000000e-30 : f32
        %max3A_550 = vector.broadcast %max3A_549 : f32 to vector<16xf32>
        %max3A_551 = arith.maximumf %add3A_500, %max3A_550 : vector<16xf32>
        %max3A_552 = arith.constant 1.000000e-30 : f32
        %max3A_553 = vector.broadcast %max3A_552 : f32 to vector<16xf32>
        %max3A_554 = arith.maximumf %add3A_501, %max3A_553 : vector<16xf32>
        %max3A_555 = arith.constant 1.000000e-30 : f32
        %max3A_556 = vector.broadcast %max3A_555 : f32 to vector<16xf32>
        %max3A_557 = arith.maximumf %add3A_502, %max3A_556 : vector<16xf32>
        %bitcast_convert_type3A = tpu.bitcast %max3A_536 : vector<16xf32> -> vector<16xi32>
        %shift_right_arithmetic3A_558 = arith.constant 1 : i32
        %shift_right_arithmetic3A_559 = vector.broadcast %shift_right_arithmetic3A_558 : i32 to vector<16xi32>
        %shift_right_arithmetic3A_560 = arith.shrsi %bitcast_convert_type3A, %shift_right_arithmetic3A_559 : vector<16xi32>
        %sub3A_561 = arith.constant 1597463007 : i32
        %sub3A_562 = vector.broadcast %sub3A_561 : i32 to vector<16xi32>
        %sub3A_563 = arith.subi %sub3A_562, %shift_right_arithmetic3A_560 : vector<16xi32>
        %bitcast_convert_type3A_564 = tpu.bitcast %sub3A_563 : vector<16xi32> -> vector<16xf32>
        %bitcast_convert_type3A_565 = tpu.bitcast %max3A_539 : vector<16xf32> -> vector<16xi32>
        %shift_right_arithmetic3A_566 = arith.constant 1 : i32
        %shift_right_arithmetic3A_567 = vector.broadcast %shift_right_arithmetic3A_566 : i32 to vector<16xi32>
        %shift_right_arithmetic3A_568 = arith.shrsi %bitcast_convert_type3A_565, %shift_right_arithmetic3A_567 : vector<16xi32>
        %sub3A_569 = arith.constant 1597463007 : i32
        %sub3A_570 = vector.broadcast %sub3A_569 : i32 to vector<16xi32>
        %sub3A_571 = arith.subi %sub3A_570, %shift_right_arithmetic3A_568 : vector<16xi32>
        %bitcast_convert_type3A_572 = tpu.bitcast %sub3A_571 : vector<16xi32> -> vector<16xf32>
        %bitcast_convert_type3A_573 = tpu.bitcast %max3A_542 : vector<16xf32> -> vector<16xi32>
        %shift_right_arithmetic3A_574 = arith.constant 1 : i32
        %shift_right_arithmetic3A_575 = vector.broadcast %shift_right_arithmetic3A_574 : i32 to vector<16xi32>
        %shift_right_arithmetic3A_576 = arith.shrsi %bitcast_convert_type3A_573, %shift_right_arithmetic3A_575 : vector<16xi32>
        %sub3A_577 = arith.constant 1597463007 : i32
        %sub3A_578 = vector.broadcast %sub3A_577 : i32 to vector<16xi32>
        %sub3A_579 = arith.subi %sub3A_578, %shift_right_arithmetic3A_576 : vector<16xi32>
        %bitcast_convert_type3A_580 = tpu.bitcast %sub3A_579 : vector<16xi32> -> vector<16xf32>
        %bitcast_convert_type3A_581 = tpu.bitcast %max3A_545 : vector<16xf32> -> vector<16xi32>
        %shift_right_arithmetic3A_582 = arith.constant 1 : i32
        %shift_right_arithmetic3A_583 = vector.broadcast %shift_right_arithmetic3A_582 : i32 to vector<16xi32>
        %shift_right_arithmetic3A_584 = arith.shrsi %bitcast_convert_type3A_581, %shift_right_arithmetic3A_583 : vector<16xi32>
        %sub3A_585 = arith.constant 1597463007 : i32
        %sub3A_586 = vector.broadcast %sub3A_585 : i32 to vector<16xi32>
        %sub3A_587 = arith.subi %sub3A_586, %shift_right_arithmetic3A_584 : vector<16xi32>
        %bitcast_convert_type3A_588 = tpu.bitcast %sub3A_587 : vector<16xi32> -> vector<16xf32>
        %bitcast_convert_type3A_589 = tpu.bitcast %max3A_548 : vector<16xf32> -> vector<16xi32>
        %shift_right_arithmetic3A_590 = arith.constant 1 : i32
        %shift_right_arithmetic3A_591 = vector.broadcast %shift_right_arithmetic3A_590 : i32 to vector<16xi32>
        %shift_right_arithmetic3A_592 = arith.shrsi %bitcast_convert_type3A_589, %shift_right_arithmetic3A_591 : vector<16xi32>
        %sub3A_593 = arith.constant 1597463007 : i32
        %sub3A_594 = vector.broadcast %sub3A_593 : i32 to vector<16xi32>
        %sub3A_595 = arith.subi %sub3A_594, %shift_right_arithmetic3A_592 : vector<16xi32>
        %bitcast_convert_type3A_596 = tpu.bitcast %sub3A_595 : vector<16xi32> -> vector<16xf32>
        %bitcast_convert_type3A_597 = tpu.bitcast %max3A_551 : vector<16xf32> -> vector<16xi32>
        %shift_right_arithmetic3A_598 = arith.constant 1 : i32
        %shift_right_arithmetic3A_599 = vector.broadcast %shift_right_arithmetic3A_598 : i32 to vector<16xi32>
        %shift_right_arithmetic3A_600 = arith.shrsi %bitcast_convert_type3A_597, %shift_right_arithmetic3A_599 : vector<16xi32>
        %sub3A_601 = arith.constant 1597463007 : i32
        %sub3A_602 = vector.broadcast %sub3A_601 : i32 to vector<16xi32>
        %sub3A_603 = arith.subi %sub3A_602, %shift_right_arithmetic3A_600 : vector<16xi32>
        %bitcast_convert_type3A_604 = tpu.bitcast %sub3A_603 : vector<16xi32> -> vector<16xf32>
        %bitcast_convert_type3A_605 = tpu.bitcast %max3A_554 : vector<16xf32> -> vector<16xi32>
        %shift_right_arithmetic3A_606 = arith.constant 1 : i32
        %shift_right_arithmetic3A_607 = vector.broadcast %shift_right_arithmetic3A_606 : i32 to vector<16xi32>
        %shift_right_arithmetic3A_608 = arith.shrsi %bitcast_convert_type3A_605, %shift_right_arithmetic3A_607 : vector<16xi32>
        %sub3A_609 = arith.constant 1597463007 : i32
        %sub3A_610 = vector.broadcast %sub3A_609 : i32 to vector<16xi32>
        %sub3A_611 = arith.subi %sub3A_610, %shift_right_arithmetic3A_608 : vector<16xi32>
        %bitcast_convert_type3A_612 = tpu.bitcast %sub3A_611 : vector<16xi32> -> vector<16xf32>
        %bitcast_convert_type3A_613 = tpu.bitcast %max3A_557 : vector<16xf32> -> vector<16xi32>
        %shift_right_arithmetic3A_614 = arith.constant 1 : i32
        %shift_right_arithmetic3A_615 = vector.broadcast %shift_right_arithmetic3A_614 : i32 to vector<16xi32>
        %shift_right_arithmetic3A_616 = arith.shrsi %bitcast_convert_type3A_613, %shift_right_arithmetic3A_615 : vector<16xi32>
        %sub3A_617 = arith.constant 1597463007 : i32
        %sub3A_618 = vector.broadcast %sub3A_617 : i32 to vector<16xi32>
        %sub3A_619 = arith.subi %sub3A_618, %shift_right_arithmetic3A_616 : vector<16xi32>
        %bitcast_convert_type3A_620 = tpu.bitcast %sub3A_619 : vector<16xi32> -> vector<16xf32>
        %mul3A_621 = arith.constant 5.000000e-01 : f32
        %mul3A_622 = vector.broadcast %mul3A_621 : f32 to vector<16xf32>
        %mul3A_623 = arith.mulf %mul3A_622, %max3A_536 : vector<16xf32>
        %mul3A_624 = arith.constant 5.000000e-01 : f32
        %mul3A_625 = vector.broadcast %mul3A_624 : f32 to vector<16xf32>
        %mul3A_626 = arith.mulf %mul3A_625, %max3A_539 : vector<16xf32>
        %mul3A_627 = arith.constant 5.000000e-01 : f32
        %mul3A_628 = vector.broadcast %mul3A_627 : f32 to vector<16xf32>
        %mul3A_629 = arith.mulf %mul3A_628, %max3A_542 : vector<16xf32>
        %mul3A_630 = arith.constant 5.000000e-01 : f32
        %mul3A_631 = vector.broadcast %mul3A_630 : f32 to vector<16xf32>
        %mul3A_632 = arith.mulf %mul3A_631, %max3A_545 : vector<16xf32>
        %mul3A_633 = arith.constant 5.000000e-01 : f32
        %mul3A_634 = vector.broadcast %mul3A_633 : f32 to vector<16xf32>
        %mul3A_635 = arith.mulf %mul3A_634, %max3A_548 : vector<16xf32>
        %mul3A_636 = arith.constant 5.000000e-01 : f32
        %mul3A_637 = vector.broadcast %mul3A_636 : f32 to vector<16xf32>
        %mul3A_638 = arith.mulf %mul3A_637, %max3A_551 : vector<16xf32>
        %mul3A_639 = arith.constant 5.000000e-01 : f32
        %mul3A_640 = vector.broadcast %mul3A_639 : f32 to vector<16xf32>
        %mul3A_641 = arith.mulf %mul3A_640, %max3A_554 : vector<16xf32>
        %mul3A_642 = arith.constant 5.000000e-01 : f32
        %mul3A_643 = vector.broadcast %mul3A_642 : f32 to vector<16xf32>
        %mul3A_644 = arith.mulf %mul3A_643, %max3A_557 : vector<16xf32>
        %mul3A_645 = arith.mulf %bitcast_convert_type3A_564, %bitcast_convert_type3A_564 : vector<16xf32>
        %mul3A_646 = arith.mulf %bitcast_convert_type3A_572, %bitcast_convert_type3A_572 : vector<16xf32>
        %mul3A_647 = arith.mulf %bitcast_convert_type3A_580, %bitcast_convert_type3A_580 : vector<16xf32>
        %mul3A_648 = arith.mulf %bitcast_convert_type3A_588, %bitcast_convert_type3A_588 : vector<16xf32>
        %mul3A_649 = arith.mulf %bitcast_convert_type3A_596, %bitcast_convert_type3A_596 : vector<16xf32>
        %mul3A_650 = arith.mulf %bitcast_convert_type3A_604, %bitcast_convert_type3A_604 : vector<16xf32>
        %mul3A_651 = arith.mulf %bitcast_convert_type3A_612, %bitcast_convert_type3A_612 : vector<16xf32>
        %mul3A_652 = arith.mulf %bitcast_convert_type3A_620, %bitcast_convert_type3A_620 : vector<16xf32>
        %mul3A_653 = arith.mulf %mul3A_623, %mul3A_645 : vector<16xf32>
        %mul3A_654 = arith.mulf %mul3A_626, %mul3A_646 : vector<16xf32>
        %mul3A_655 = arith.mulf %mul3A_629, %mul3A_647 : vector<16xf32>
        %mul3A_656 = arith.mulf %mul3A_632, %mul3A_648 : vector<16xf32>
        %mul3A_657 = arith.mulf %mul3A_635, %mul3A_649 : vector<16xf32>
        %mul3A_658 = arith.mulf %mul3A_638, %mul3A_650 : vector<16xf32>
        %mul3A_659 = arith.mulf %mul3A_641, %mul3A_651 : vector<16xf32>
        %mul3A_660 = arith.mulf %mul3A_644, %mul3A_652 : vector<16xf32>
        %sub3A_661 = arith.constant 1.500000e+00 : f32
        %sub3A_662 = vector.broadcast %sub3A_661 : f32 to vector<16xf32>
        %sub3A_663 = arith.subf %sub3A_662, %mul3A_653 : vector<16xf32>
        %sub3A_664 = arith.constant 1.500000e+00 : f32
        %sub3A_665 = vector.broadcast %sub3A_664 : f32 to vector<16xf32>
        %sub3A_666 = arith.subf %sub3A_665, %mul3A_654 : vector<16xf32>
        %sub3A_667 = arith.constant 1.500000e+00 : f32
        %sub3A_668 = vector.broadcast %sub3A_667 : f32 to vector<16xf32>
        %sub3A_669 = arith.subf %sub3A_668, %mul3A_655 : vector<16xf32>
        %sub3A_670 = arith.constant 1.500000e+00 : f32
        %sub3A_671 = vector.broadcast %sub3A_670 : f32 to vector<16xf32>
        %sub3A_672 = arith.subf %sub3A_671, %mul3A_656 : vector<16xf32>
        %sub3A_673 = arith.constant 1.500000e+00 : f32
        %sub3A_674 = vector.broadcast %sub3A_673 : f32 to vector<16xf32>
        %sub3A_675 = arith.subf %sub3A_674, %mul3A_657 : vector<16xf32>
        %sub3A_676 = arith.constant 1.500000e+00 : f32
        %sub3A_677 = vector.broadcast %sub3A_676 : f32 to vector<16xf32>
        %sub3A_678 = arith.subf %sub3A_677, %mul3A_658 : vector<16xf32>
        %sub3A_679 = arith.constant 1.500000e+00 : f32
        %sub3A_680 = vector.broadcast %sub3A_679 : f32 to vector<16xf32>
        %sub3A_681 = arith.subf %sub3A_680, %mul3A_659 : vector<16xf32>
        %sub3A_682 = arith.constant 1.500000e+00 : f32
        %sub3A_683 = vector.broadcast %sub3A_682 : f32 to vector<16xf32>
        %sub3A_684 = arith.subf %sub3A_683, %mul3A_660 : vector<16xf32>
        %mul3A_685 = arith.mulf %bitcast_convert_type3A_564, %sub3A_663 : vector<16xf32>
        %mul3A_686 = arith.mulf %bitcast_convert_type3A_572, %sub3A_666 : vector<16xf32>
        %mul3A_687 = arith.mulf %bitcast_convert_type3A_580, %sub3A_669 : vector<16xf32>
        %mul3A_688 = arith.mulf %bitcast_convert_type3A_588, %sub3A_672 : vector<16xf32>
        %mul3A_689 = arith.mulf %bitcast_convert_type3A_596, %sub3A_675 : vector<16xf32>
        %mul3A_690 = arith.mulf %bitcast_convert_type3A_604, %sub3A_678 : vector<16xf32>
        %mul3A_691 = arith.mulf %bitcast_convert_type3A_612, %sub3A_681 : vector<16xf32>
        %mul3A_692 = arith.mulf %bitcast_convert_type3A_620, %sub3A_684 : vector<16xf32>
        %mul3A_693 = arith.mulf %mul3A_685, %mul3A_685 : vector<16xf32>
        %mul3A_694 = arith.mulf %mul3A_686, %mul3A_686 : vector<16xf32>
        %mul3A_695 = arith.mulf %mul3A_687, %mul3A_687 : vector<16xf32>
        %mul3A_696 = arith.mulf %mul3A_688, %mul3A_688 : vector<16xf32>
        %mul3A_697 = arith.mulf %mul3A_689, %mul3A_689 : vector<16xf32>
        %mul3A_698 = arith.mulf %mul3A_690, %mul3A_690 : vector<16xf32>
        %mul3A_699 = arith.mulf %mul3A_691, %mul3A_691 : vector<16xf32>
        %mul3A_700 = arith.mulf %mul3A_692, %mul3A_692 : vector<16xf32>
        %mul3A_701 = arith.mulf %mul3A_623, %mul3A_693 : vector<16xf32>
        %mul3A_702 = arith.mulf %mul3A_626, %mul3A_694 : vector<16xf32>
        %mul3A_703 = arith.mulf %mul3A_629, %mul3A_695 : vector<16xf32>
        %mul3A_704 = arith.mulf %mul3A_632, %mul3A_696 : vector<16xf32>
        %mul3A_705 = arith.mulf %mul3A_635, %mul3A_697 : vector<16xf32>
        %mul3A_706 = arith.mulf %mul3A_638, %mul3A_698 : vector<16xf32>
        %mul3A_707 = arith.mulf %mul3A_641, %mul3A_699 : vector<16xf32>
        %mul3A_708 = arith.mulf %mul3A_644, %mul3A_700 : vector<16xf32>
        %sub3A_709 = arith.constant 1.500000e+00 : f32
        %sub3A_710 = vector.broadcast %sub3A_709 : f32 to vector<16xf32>
        %sub3A_711 = arith.subf %sub3A_710, %mul3A_701 : vector<16xf32>
        %sub3A_712 = arith.constant 1.500000e+00 : f32
        %sub3A_713 = vector.broadcast %sub3A_712 : f32 to vector<16xf32>
        %sub3A_714 = arith.subf %sub3A_713, %mul3A_702 : vector<16xf32>
        %sub3A_715 = arith.constant 1.500000e+00 : f32
        %sub3A_716 = vector.broadcast %sub3A_715 : f32 to vector<16xf32>
        %sub3A_717 = arith.subf %sub3A_716, %mul3A_703 : vector<16xf32>
        %sub3A_718 = arith.constant 1.500000e+00 : f32
        %sub3A_719 = vector.broadcast %sub3A_718 : f32 to vector<16xf32>
        %sub3A_720 = arith.subf %sub3A_719, %mul3A_704 : vector<16xf32>
        %sub3A_721 = arith.constant 1.500000e+00 : f32
        %sub3A_722 = vector.broadcast %sub3A_721 : f32 to vector<16xf32>
        %sub3A_723 = arith.subf %sub3A_722, %mul3A_705 : vector<16xf32>
        %sub3A_724 = arith.constant 1.500000e+00 : f32
        %sub3A_725 = vector.broadcast %sub3A_724 : f32 to vector<16xf32>
        %sub3A_726 = arith.subf %sub3A_725, %mul3A_706 : vector<16xf32>
        %sub3A_727 = arith.constant 1.500000e+00 : f32
        %sub3A_728 = vector.broadcast %sub3A_727 : f32 to vector<16xf32>
        %sub3A_729 = arith.subf %sub3A_728, %mul3A_707 : vector<16xf32>
        %sub3A_730 = arith.constant 1.500000e+00 : f32
        %sub3A_731 = vector.broadcast %sub3A_730 : f32 to vector<16xf32>
        %sub3A_732 = arith.subf %sub3A_731, %mul3A_708 : vector<16xf32>
        %mul3A_733 = arith.mulf %mul3A_685, %sub3A_711 : vector<16xf32>
        %mul3A_734 = arith.mulf %mul3A_686, %sub3A_714 : vector<16xf32>
        %mul3A_735 = arith.mulf %mul3A_687, %sub3A_717 : vector<16xf32>
        %mul3A_736 = arith.mulf %mul3A_688, %sub3A_720 : vector<16xf32>
        %mul3A_737 = arith.mulf %mul3A_689, %sub3A_723 : vector<16xf32>
        %mul3A_738 = arith.mulf %mul3A_690, %sub3A_726 : vector<16xf32>
        %mul3A_739 = arith.mulf %mul3A_691, %sub3A_729 : vector<16xf32>
        %mul3A_740 = arith.mulf %mul3A_692, %sub3A_732 : vector<16xf32>
        %mul3A_741 = arith.mulf %max3A_536, %mul3A_733 : vector<16xf32>
        %mul3A_742 = arith.mulf %max3A_539, %mul3A_734 : vector<16xf32>
        %mul3A_743 = arith.mulf %max3A_542, %mul3A_735 : vector<16xf32>
        %mul3A_744 = arith.mulf %max3A_545, %mul3A_736 : vector<16xf32>
        %mul3A_745 = arith.mulf %max3A_548, %mul3A_737 : vector<16xf32>
        %mul3A_746 = arith.mulf %max3A_551, %mul3A_738 : vector<16xf32>
        %mul3A_747 = arith.mulf %max3A_554, %mul3A_739 : vector<16xf32>
        %mul3A_748 = arith.mulf %max3A_557, %mul3A_740 : vector<16xf32>
        %mul3A_749 = arith.constant 1.000000e+01 : f32
        %mul3A_750 = vector.broadcast %mul3A_749 : f32 to vector<16xf32>
        %mul3A_751 = arith.mulf %mul3A_741, %mul3A_750 : vector<16xf32>
        %mul3A_752 = arith.constant 1.000000e+01 : f32
        %mul3A_753 = vector.broadcast %mul3A_752 : f32 to vector<16xf32>
        %mul3A_754 = arith.mulf %mul3A_742, %mul3A_753 : vector<16xf32>
        %mul3A_755 = arith.constant 1.000000e+01 : f32
        %mul3A_756 = vector.broadcast %mul3A_755 : f32 to vector<16xf32>
        %mul3A_757 = arith.mulf %mul3A_743, %mul3A_756 : vector<16xf32>
        %mul3A_758 = arith.constant 1.000000e+01 : f32
        %mul3A_759 = vector.broadcast %mul3A_758 : f32 to vector<16xf32>
        %mul3A_760 = arith.mulf %mul3A_744, %mul3A_759 : vector<16xf32>
        %mul3A_761 = arith.constant 1.000000e+01 : f32
        %mul3A_762 = vector.broadcast %mul3A_761 : f32 to vector<16xf32>
        %mul3A_763 = arith.mulf %mul3A_745, %mul3A_762 : vector<16xf32>
        %mul3A_764 = arith.constant 1.000000e+01 : f32
        %mul3A_765 = vector.broadcast %mul3A_764 : f32 to vector<16xf32>
        %mul3A_766 = arith.mulf %mul3A_746, %mul3A_765 : vector<16xf32>
        %mul3A_767 = arith.constant 1.000000e+01 : f32
        %mul3A_768 = vector.broadcast %mul3A_767 : f32 to vector<16xf32>
        %mul3A_769 = arith.mulf %mul3A_747, %mul3A_768 : vector<16xf32>
        %mul3A_770 = arith.constant 1.000000e+01 : f32
        %mul3A_771 = vector.broadcast %mul3A_770 : f32 to vector<16xf32>
        %mul3A_772 = arith.mulf %mul3A_748, %mul3A_771 : vector<16xf32>
        %convert_element_type3A = arith.fptosi %mul3A_751 : vector<16xf32> to vector<16xi32>
        %convert_element_type3A_773 = arith.fptosi %mul3A_754 : vector<16xf32> to vector<16xi32>
        %convert_element_type3A_774 = arith.fptosi %mul3A_757 : vector<16xf32> to vector<16xi32>
        %convert_element_type3A_775 = arith.fptosi %mul3A_760 : vector<16xf32> to vector<16xi32>
        %convert_element_type3A_776 = arith.fptosi %mul3A_763 : vector<16xf32> to vector<16xi32>
        %convert_element_type3A_777 = arith.fptosi %mul3A_766 : vector<16xf32> to vector<16xi32>
        %convert_element_type3A_778 = arith.fptosi %mul3A_769 : vector<16xf32> to vector<16xi32>
        %convert_element_type3A_779 = arith.fptosi %mul3A_772 : vector<16xf32> to vector<16xi32>
        %convert_element_type3A_780 = arith.sitofp %convert_element_type3A : vector<16xi32> to vector<16xf32>
        %convert_element_type3A_781 = arith.sitofp %convert_element_type3A_773 : vector<16xi32> to vector<16xf32>
        %convert_element_type3A_782 = arith.sitofp %convert_element_type3A_774 : vector<16xi32> to vector<16xf32>
        %convert_element_type3A_783 = arith.sitofp %convert_element_type3A_775 : vector<16xi32> to vector<16xf32>
        %convert_element_type3A_784 = arith.sitofp %convert_element_type3A_776 : vector<16xi32> to vector<16xf32>
        %convert_element_type3A_785 = arith.sitofp %convert_element_type3A_777 : vector<16xi32> to vector<16xf32>
        %convert_element_type3A_786 = arith.sitofp %convert_element_type3A_778 : vector<16xi32> to vector<16xf32>
        %convert_element_type3A_787 = arith.sitofp %convert_element_type3A_779 : vector<16xi32> to vector<16xf32>
        %sub3A_788 = arith.constant 5.000000e-01 : f32
        %sub3A_789 = vector.broadcast %sub3A_788 : f32 to vector<16xf32>
        %sub3A_790 = arith.subf %mul3A_751, %sub3A_789 : vector<16xf32>
        %sub3A_791 = arith.subf %sub3A_790, %convert_element_type3A_780 : vector<16xf32>
        %sub3A_792 = arith.constant 5.000000e-01 : f32
        %sub3A_793 = vector.broadcast %sub3A_792 : f32 to vector<16xf32>
        %sub3A_794 = arith.subf %mul3A_754, %sub3A_793 : vector<16xf32>
        %sub3A_795 = arith.subf %sub3A_794, %convert_element_type3A_781 : vector<16xf32>
        %sub3A_796 = arith.constant 5.000000e-01 : f32
        %sub3A_797 = vector.broadcast %sub3A_796 : f32 to vector<16xf32>
        %sub3A_798 = arith.subf %mul3A_757, %sub3A_797 : vector<16xf32>
        %sub3A_799 = arith.subf %sub3A_798, %convert_element_type3A_782 : vector<16xf32>
        %sub3A_800 = arith.constant 5.000000e-01 : f32
        %sub3A_801 = vector.broadcast %sub3A_800 : f32 to vector<16xf32>
        %sub3A_802 = arith.subf %mul3A_760, %sub3A_801 : vector<16xf32>
        %sub3A_803 = arith.subf %sub3A_802, %convert_element_type3A_783 : vector<16xf32>
        %sub3A_804 = arith.constant 5.000000e-01 : f32
        %sub3A_805 = vector.broadcast %sub3A_804 : f32 to vector<16xf32>
        %sub3A_806 = arith.subf %mul3A_763, %sub3A_805 : vector<16xf32>
        %sub3A_807 = arith.subf %sub3A_806, %convert_element_type3A_784 : vector<16xf32>
        %sub3A_808 = arith.constant 5.000000e-01 : f32
        %sub3A_809 = vector.broadcast %sub3A_808 : f32 to vector<16xf32>
        %sub3A_810 = arith.subf %mul3A_766, %sub3A_809 : vector<16xf32>
        %sub3A_811 = arith.subf %sub3A_810, %convert_element_type3A_785 : vector<16xf32>
        %sub3A_812 = arith.constant 5.000000e-01 : f32
        %sub3A_813 = vector.broadcast %sub3A_812 : f32 to vector<16xf32>
        %sub3A_814 = arith.subf %mul3A_769, %sub3A_813 : vector<16xf32>
        %sub3A_815 = arith.subf %sub3A_814, %convert_element_type3A_786 : vector<16xf32>
        %sub3A_816 = arith.constant 5.000000e-01 : f32
        %sub3A_817 = vector.broadcast %sub3A_816 : f32 to vector<16xf32>
        %sub3A_818 = arith.subf %mul3A_772, %sub3A_817 : vector<16xf32>
        %sub3A_819 = arith.subf %sub3A_818, %convert_element_type3A_787 : vector<16xf32>
        %broadcast_in_dim3A_820 = arith.constant 0.0421426743 : f32
        %broadcast_in_dim3A_821 = vector.broadcast %broadcast_in_dim3A_820 : f32 to vector<16xf32>
        %broadcast_in_dim3A_822 = arith.constant 0.0421426743 : f32
        %broadcast_in_dim3A_823 = vector.broadcast %broadcast_in_dim3A_822 : f32 to vector<16xf32>
        %broadcast_in_dim3A_824 = arith.constant 0.0421426743 : f32
        %broadcast_in_dim3A_825 = vector.broadcast %broadcast_in_dim3A_824 : f32 to vector<16xf32>
        %broadcast_in_dim3A_826 = arith.constant 0.0421426743 : f32
        %broadcast_in_dim3A_827 = vector.broadcast %broadcast_in_dim3A_826 : f32 to vector<16xf32>
        %broadcast_in_dim3A_828 = arith.constant 0.0421426743 : f32
        %broadcast_in_dim3A_829 = vector.broadcast %broadcast_in_dim3A_828 : f32 to vector<16xf32>
        %broadcast_in_dim3A_830 = arith.constant 0.0421426743 : f32
        %broadcast_in_dim3A_831 = vector.broadcast %broadcast_in_dim3A_830 : f32 to vector<16xf32>
        %broadcast_in_dim3A_832 = arith.constant 0.0421426743 : f32
        %broadcast_in_dim3A_833 = vector.broadcast %broadcast_in_dim3A_832 : f32 to vector<16xf32>
        %broadcast_in_dim3A_834 = arith.constant 0.0421426743 : f32
        %broadcast_in_dim3A_835 = vector.broadcast %broadcast_in_dim3A_834 : f32 to vector<16xf32>
        %mul3A_836 = arith.mulf %broadcast_in_dim3A_821, %sub3A_791 : vector<16xf32>
        %mul3A_837 = arith.mulf %broadcast_in_dim3A_823, %sub3A_795 : vector<16xf32>
        %mul3A_838 = arith.mulf %broadcast_in_dim3A_825, %sub3A_799 : vector<16xf32>
        %mul3A_839 = arith.mulf %broadcast_in_dim3A_827, %sub3A_803 : vector<16xf32>
        %mul3A_840 = arith.mulf %broadcast_in_dim3A_829, %sub3A_807 : vector<16xf32>
        %mul3A_841 = arith.mulf %broadcast_in_dim3A_831, %sub3A_811 : vector<16xf32>
        %mul3A_842 = arith.mulf %broadcast_in_dim3A_833, %sub3A_815 : vector<16xf32>
        %mul3A_843 = arith.mulf %broadcast_in_dim3A_835, %sub3A_819 : vector<16xf32>
        %add3A_844 = arith.constant 0.168995842 : f32
        %add3A_845 = vector.broadcast %add3A_844 : f32 to vector<16xf32>
        %add3A_846 = arith.addf %mul3A_836, %add3A_845 : vector<16xf32>
        %add3A_847 = arith.constant 0.168995842 : f32
        %add3A_848 = vector.broadcast %add3A_847 : f32 to vector<16xf32>
        %add3A_849 = arith.addf %mul3A_837, %add3A_848 : vector<16xf32>
        %add3A_850 = arith.constant 0.168995842 : f32
        %add3A_851 = vector.broadcast %add3A_850 : f32 to vector<16xf32>
        %add3A_852 = arith.addf %mul3A_838, %add3A_851 : vector<16xf32>
        %add3A_853 = arith.constant 0.168995842 : f32
        %add3A_854 = vector.broadcast %add3A_853 : f32 to vector<16xf32>
        %add3A_855 = arith.addf %mul3A_839, %add3A_854 : vector<16xf32>
        %add3A_856 = arith.constant 0.168995842 : f32
        %add3A_857 = vector.broadcast %add3A_856 : f32 to vector<16xf32>
        %add3A_858 = arith.addf %mul3A_840, %add3A_857 : vector<16xf32>
        %add3A_859 = arith.constant 0.168995842 : f32
        %add3A_860 = vector.broadcast %add3A_859 : f32 to vector<16xf32>
        %add3A_861 = arith.addf %mul3A_841, %add3A_860 : vector<16xf32>
        %add3A_862 = arith.constant 0.168995842 : f32
        %add3A_863 = vector.broadcast %add3A_862 : f32 to vector<16xf32>
        %add3A_864 = arith.addf %mul3A_842, %add3A_863 : vector<16xf32>
        %add3A_865 = arith.constant 0.168995842 : f32
        %add3A_866 = vector.broadcast %add3A_865 : f32 to vector<16xf32>
        %add3A_867 = arith.addf %mul3A_843, %add3A_866 : vector<16xf32>
        %mul3A_868 = arith.mulf %add3A_846, %sub3A_791 : vector<16xf32>
        %mul3A_869 = arith.mulf %add3A_849, %sub3A_795 : vector<16xf32>
        %mul3A_870 = arith.mulf %add3A_852, %sub3A_799 : vector<16xf32>
        %mul3A_871 = arith.mulf %add3A_855, %sub3A_803 : vector<16xf32>
        %mul3A_872 = arith.mulf %add3A_858, %sub3A_807 : vector<16xf32>
        %mul3A_873 = arith.mulf %add3A_861, %sub3A_811 : vector<16xf32>
        %mul3A_874 = arith.mulf %add3A_864, %sub3A_815 : vector<16xf32>
        %mul3A_875 = arith.mulf %add3A_867, %sub3A_819 : vector<16xf32>
        %add3A_876 = arith.constant 0.499960244 : f32
        %add3A_877 = vector.broadcast %add3A_876 : f32 to vector<16xf32>
        %add3A_878 = arith.addf %mul3A_868, %add3A_877 : vector<16xf32>
        %add3A_879 = arith.constant 0.499960244 : f32
        %add3A_880 = vector.broadcast %add3A_879 : f32 to vector<16xf32>
        %add3A_881 = arith.addf %mul3A_869, %add3A_880 : vector<16xf32>
        %add3A_882 = arith.constant 0.499960244 : f32
        %add3A_883 = vector.broadcast %add3A_882 : f32 to vector<16xf32>
        %add3A_884 = arith.addf %mul3A_870, %add3A_883 : vector<16xf32>
        %add3A_885 = arith.constant 0.499960244 : f32
        %add3A_886 = vector.broadcast %add3A_885 : f32 to vector<16xf32>
        %add3A_887 = arith.addf %mul3A_871, %add3A_886 : vector<16xf32>
        %add3A_888 = arith.constant 0.499960244 : f32
        %add3A_889 = vector.broadcast %add3A_888 : f32 to vector<16xf32>
        %add3A_890 = arith.addf %mul3A_872, %add3A_889 : vector<16xf32>
        %add3A_891 = arith.constant 0.499960244 : f32
        %add3A_892 = vector.broadcast %add3A_891 : f32 to vector<16xf32>
        %add3A_893 = arith.addf %mul3A_873, %add3A_892 : vector<16xf32>
        %add3A_894 = arith.constant 0.499960244 : f32
        %add3A_895 = vector.broadcast %add3A_894 : f32 to vector<16xf32>
        %add3A_896 = arith.addf %mul3A_874, %add3A_895 : vector<16xf32>
        %add3A_897 = arith.constant 0.499960244 : f32
        %add3A_898 = vector.broadcast %add3A_897 : f32 to vector<16xf32>
        %add3A_899 = arith.addf %mul3A_875, %add3A_898 : vector<16xf32>
        %mul3A_900 = arith.mulf %add3A_878, %sub3A_791 : vector<16xf32>
        %mul3A_901 = arith.mulf %add3A_881, %sub3A_795 : vector<16xf32>
        %mul3A_902 = arith.mulf %add3A_884, %sub3A_799 : vector<16xf32>
        %mul3A_903 = arith.mulf %add3A_887, %sub3A_803 : vector<16xf32>
        %mul3A_904 = arith.mulf %add3A_890, %sub3A_807 : vector<16xf32>
        %mul3A_905 = arith.mulf %add3A_893, %sub3A_811 : vector<16xf32>
        %mul3A_906 = arith.mulf %add3A_896, %sub3A_815 : vector<16xf32>
        %mul3A_907 = arith.mulf %add3A_899, %sub3A_819 : vector<16xf32>
        %add3A_908 = arith.constant 0.999874949 : f32
        %add3A_909 = vector.broadcast %add3A_908 : f32 to vector<16xf32>
        %add3A_910 = arith.addf %mul3A_900, %add3A_909 : vector<16xf32>
        %add3A_911 = arith.constant 0.999874949 : f32
        %add3A_912 = vector.broadcast %add3A_911 : f32 to vector<16xf32>
        %add3A_913 = arith.addf %mul3A_901, %add3A_912 : vector<16xf32>
        %add3A_914 = arith.constant 0.999874949 : f32
        %add3A_915 = vector.broadcast %add3A_914 : f32 to vector<16xf32>
        %add3A_916 = arith.addf %mul3A_902, %add3A_915 : vector<16xf32>
        %add3A_917 = arith.constant 0.999874949 : f32
        %add3A_918 = vector.broadcast %add3A_917 : f32 to vector<16xf32>
        %add3A_919 = arith.addf %mul3A_903, %add3A_918 : vector<16xf32>
        %add3A_920 = arith.constant 0.999874949 : f32
        %add3A_921 = vector.broadcast %add3A_920 : f32 to vector<16xf32>
        %add3A_922 = arith.addf %mul3A_904, %add3A_921 : vector<16xf32>
        %add3A_923 = arith.constant 0.999874949 : f32
        %add3A_924 = vector.broadcast %add3A_923 : f32 to vector<16xf32>
        %add3A_925 = arith.addf %mul3A_905, %add3A_924 : vector<16xf32>
        %add3A_926 = arith.constant 0.999874949 : f32
        %add3A_927 = vector.broadcast %add3A_926 : f32 to vector<16xf32>
        %add3A_928 = arith.addf %mul3A_906, %add3A_927 : vector<16xf32>
        %add3A_929 = arith.constant 0.999874949 : f32
        %add3A_930 = vector.broadcast %add3A_929 : f32 to vector<16xf32>
        %add3A_931 = arith.addf %mul3A_907, %add3A_930 : vector<16xf32>
        %mul3A_932 = arith.mulf %add3A_910, %sub3A_791 : vector<16xf32>
        %mul3A_933 = arith.mulf %add3A_913, %sub3A_795 : vector<16xf32>
        %mul3A_934 = arith.mulf %add3A_916, %sub3A_799 : vector<16xf32>
        %mul3A_935 = arith.mulf %add3A_919, %sub3A_803 : vector<16xf32>
        %mul3A_936 = arith.mulf %add3A_922, %sub3A_807 : vector<16xf32>
        %mul3A_937 = arith.mulf %add3A_925, %sub3A_811 : vector<16xf32>
        %mul3A_938 = arith.mulf %add3A_928, %sub3A_815 : vector<16xf32>
        %mul3A_939 = arith.mulf %add3A_931, %sub3A_819 : vector<16xf32>
        %add3A_940 = arith.constant 1.00000048 : f32
        %add3A_941 = vector.broadcast %add3A_940 : f32 to vector<16xf32>
        %add3A_942 = arith.addf %mul3A_932, %add3A_941 : vector<16xf32>
        %add3A_943 = arith.constant 1.00000048 : f32
        %add3A_944 = vector.broadcast %add3A_943 : f32 to vector<16xf32>
        %add3A_945 = arith.addf %mul3A_933, %add3A_944 : vector<16xf32>
        %add3A_946 = arith.constant 1.00000048 : f32
        %add3A_947 = vector.broadcast %add3A_946 : f32 to vector<16xf32>
        %add3A_948 = arith.addf %mul3A_934, %add3A_947 : vector<16xf32>
        %add3A_949 = arith.constant 1.00000048 : f32
        %add3A_950 = vector.broadcast %add3A_949 : f32 to vector<16xf32>
        %add3A_951 = arith.addf %mul3A_935, %add3A_950 : vector<16xf32>
        %add3A_952 = arith.constant 1.00000048 : f32
        %add3A_953 = vector.broadcast %add3A_952 : f32 to vector<16xf32>
        %add3A_954 = arith.addf %mul3A_936, %add3A_953 : vector<16xf32>
        %add3A_955 = arith.constant 1.00000048 : f32
        %add3A_956 = vector.broadcast %add3A_955 : f32 to vector<16xf32>
        %add3A_957 = arith.addf %mul3A_937, %add3A_956 : vector<16xf32>
        %add3A_958 = arith.constant 1.00000048 : f32
        %add3A_959 = vector.broadcast %add3A_958 : f32 to vector<16xf32>
        %add3A_960 = arith.addf %mul3A_938, %add3A_959 : vector<16xf32>
        %add3A_961 = arith.constant 1.00000048 : f32
        %add3A_962 = vector.broadcast %add3A_961 : f32 to vector<16xf32>
        %add3A_963 = arith.addf %mul3A_939, %add3A_962 : vector<16xf32>
        %broadcast_in_dim3A_964 = arith.constant -0.00131979794 : f32
        %broadcast_in_dim3A_965 = vector.broadcast %broadcast_in_dim3A_964 : f32 to vector<16xf32>
        %broadcast_in_dim3A_966 = arith.constant -0.00131979794 : f32
        %broadcast_in_dim3A_967 = vector.broadcast %broadcast_in_dim3A_966 : f32 to vector<16xf32>
        %broadcast_in_dim3A_968 = arith.constant -0.00131979794 : f32
        %broadcast_in_dim3A_969 = vector.broadcast %broadcast_in_dim3A_968 : f32 to vector<16xf32>
        %broadcast_in_dim3A_970 = arith.constant -0.00131979794 : f32
        %broadcast_in_dim3A_971 = vector.broadcast %broadcast_in_dim3A_970 : f32 to vector<16xf32>
        %broadcast_in_dim3A_972 = arith.constant -0.00131979794 : f32
        %broadcast_in_dim3A_973 = vector.broadcast %broadcast_in_dim3A_972 : f32 to vector<16xf32>
        %broadcast_in_dim3A_974 = arith.constant -0.00131979794 : f32
        %broadcast_in_dim3A_975 = vector.broadcast %broadcast_in_dim3A_974 : f32 to vector<16xf32>
        %broadcast_in_dim3A_976 = arith.constant -0.00131979794 : f32
        %broadcast_in_dim3A_977 = vector.broadcast %broadcast_in_dim3A_976 : f32 to vector<16xf32>
        %broadcast_in_dim3A_978 = arith.constant -0.00131979794 : f32
        %broadcast_in_dim3A_979 = vector.broadcast %broadcast_in_dim3A_978 : f32 to vector<16xf32>
        %mul3A_980 = arith.mulf %broadcast_in_dim3A_965, %sub3A_791 : vector<16xf32>
        %mul3A_981 = arith.mulf %broadcast_in_dim3A_967, %sub3A_795 : vector<16xf32>
        %mul3A_982 = arith.mulf %broadcast_in_dim3A_969, %sub3A_799 : vector<16xf32>
        %mul3A_983 = arith.mulf %broadcast_in_dim3A_971, %sub3A_803 : vector<16xf32>
        %mul3A_984 = arith.mulf %broadcast_in_dim3A_973, %sub3A_807 : vector<16xf32>
        %mul3A_985 = arith.mulf %broadcast_in_dim3A_975, %sub3A_811 : vector<16xf32>
        %mul3A_986 = arith.mulf %broadcast_in_dim3A_977, %sub3A_815 : vector<16xf32>
        %mul3A_987 = arith.mulf %broadcast_in_dim3A_979, %sub3A_819 : vector<16xf32>
        %add3A_988 = arith.constant 0.0133686373 : f32
        %add3A_989 = vector.broadcast %add3A_988 : f32 to vector<16xf32>
        %add3A_990 = arith.addf %mul3A_980, %add3A_989 : vector<16xf32>
        %add3A_991 = arith.constant 0.0133686373 : f32
        %add3A_992 = vector.broadcast %add3A_991 : f32 to vector<16xf32>
        %add3A_993 = arith.addf %mul3A_981, %add3A_992 : vector<16xf32>
        %add3A_994 = arith.constant 0.0133686373 : f32
        %add3A_995 = vector.broadcast %add3A_994 : f32 to vector<16xf32>
        %add3A_996 = arith.addf %mul3A_982, %add3A_995 : vector<16xf32>
        %add3A_997 = arith.constant 0.0133686373 : f32
        %add3A_998 = vector.broadcast %add3A_997 : f32 to vector<16xf32>
        %add3A_999 = arith.addf %mul3A_983, %add3A_998 : vector<16xf32>
        %add3A_1000 = arith.constant 0.0133686373 : f32
        %add3A_1001 = vector.broadcast %add3A_1000 : f32 to vector<16xf32>
        %add3A_1002 = arith.addf %mul3A_984, %add3A_1001 : vector<16xf32>
        %add3A_1003 = arith.constant 0.0133686373 : f32
        %add3A_1004 = vector.broadcast %add3A_1003 : f32 to vector<16xf32>
        %add3A_1005 = arith.addf %mul3A_985, %add3A_1004 : vector<16xf32>
        %add3A_1006 = arith.constant 0.0133686373 : f32
        %add3A_1007 = vector.broadcast %add3A_1006 : f32 to vector<16xf32>
        %add3A_1008 = arith.addf %mul3A_986, %add3A_1007 : vector<16xf32>
        %add3A_1009 = arith.constant 0.0133686373 : f32
        %add3A_1010 = vector.broadcast %add3A_1009 : f32 to vector<16xf32>
        %add3A_1011 = arith.addf %mul3A_987, %add3A_1010 : vector<16xf32>
        %mul3A_1012 = arith.mulf %add3A_990, %sub3A_791 : vector<16xf32>
        %mul3A_1013 = arith.mulf %add3A_993, %sub3A_795 : vector<16xf32>
        %mul3A_1014 = arith.mulf %add3A_996, %sub3A_799 : vector<16xf32>
        %mul3A_1015 = arith.mulf %add3A_999, %sub3A_803 : vector<16xf32>
        %mul3A_1016 = arith.mulf %add3A_1002, %sub3A_807 : vector<16xf32>
        %mul3A_1017 = arith.mulf %add3A_1005, %sub3A_811 : vector<16xf32>
        %mul3A_1018 = arith.mulf %add3A_1008, %sub3A_815 : vector<16xf32>
        %mul3A_1019 = arith.mulf %add3A_1011, %sub3A_819 : vector<16xf32>
        %add3A_1020 = arith.constant -0.0333661549 : f32
        %add3A_1021 = vector.broadcast %add3A_1020 : f32 to vector<16xf32>
        %add3A_1022 = arith.addf %mul3A_1012, %add3A_1021 : vector<16xf32>
        %add3A_1023 = arith.constant -0.0333661549 : f32
        %add3A_1024 = vector.broadcast %add3A_1023 : f32 to vector<16xf32>
        %add3A_1025 = arith.addf %mul3A_1013, %add3A_1024 : vector<16xf32>
        %add3A_1026 = arith.constant -0.0333661549 : f32
        %add3A_1027 = vector.broadcast %add3A_1026 : f32 to vector<16xf32>
        %add3A_1028 = arith.addf %mul3A_1014, %add3A_1027 : vector<16xf32>
        %add3A_1029 = arith.constant -0.0333661549 : f32
        %add3A_1030 = vector.broadcast %add3A_1029 : f32 to vector<16xf32>
        %add3A_1031 = arith.addf %mul3A_1015, %add3A_1030 : vector<16xf32>
        %add3A_1032 = arith.constant -0.0333661549 : f32
        %add3A_1033 = vector.broadcast %add3A_1032 : f32 to vector<16xf32>
        %add3A_1034 = arith.addf %mul3A_1016, %add3A_1033 : vector<16xf32>
        %add3A_1035 = arith.constant -0.0333661549 : f32
        %add3A_1036 = vector.broadcast %add3A_1035 : f32 to vector<16xf32>
        %add3A_1037 = arith.addf %mul3A_1017, %add3A_1036 : vector<16xf32>
        %add3A_1038 = arith.constant -0.0333661549 : f32
        %add3A_1039 = vector.broadcast %add3A_1038 : f32 to vector<16xf32>
        %add3A_1040 = arith.addf %mul3A_1018, %add3A_1039 : vector<16xf32>
        %add3A_1041 = arith.constant -0.0333661549 : f32
        %add3A_1042 = vector.broadcast %add3A_1041 : f32 to vector<16xf32>
        %add3A_1043 = arith.addf %mul3A_1019, %add3A_1042 : vector<16xf32>
        %mul3A_1044 = arith.mulf %add3A_1022, %sub3A_791 : vector<16xf32>
        %mul3A_1045 = arith.mulf %add3A_1025, %sub3A_795 : vector<16xf32>
        %mul3A_1046 = arith.mulf %add3A_1028, %sub3A_799 : vector<16xf32>
        %mul3A_1047 = arith.mulf %add3A_1031, %sub3A_803 : vector<16xf32>
        %mul3A_1048 = arith.mulf %add3A_1034, %sub3A_807 : vector<16xf32>
        %mul3A_1049 = arith.mulf %add3A_1037, %sub3A_811 : vector<16xf32>
        %mul3A_1050 = arith.mulf %add3A_1040, %sub3A_815 : vector<16xf32>
        %mul3A_1051 = arith.mulf %add3A_1043, %sub3A_819 : vector<16xf32>
        %add3A_1052 = arith.constant 0.0444794782 : f32
        %add3A_1053 = vector.broadcast %add3A_1052 : f32 to vector<16xf32>
        %add3A_1054 = arith.addf %mul3A_1044, %add3A_1053 : vector<16xf32>
        %add3A_1055 = arith.constant 0.0444794782 : f32
        %add3A_1056 = vector.broadcast %add3A_1055 : f32 to vector<16xf32>
        %add3A_1057 = arith.addf %mul3A_1045, %add3A_1056 : vector<16xf32>
        %add3A_1058 = arith.constant 0.0444794782 : f32
        %add3A_1059 = vector.broadcast %add3A_1058 : f32 to vector<16xf32>
        %add3A_1060 = arith.addf %mul3A_1046, %add3A_1059 : vector<16xf32>
        %add3A_1061 = arith.constant 0.0444794782 : f32
        %add3A_1062 = vector.broadcast %add3A_1061 : f32 to vector<16xf32>
        %add3A_1063 = arith.addf %mul3A_1047, %add3A_1062 : vector<16xf32>
        %add3A_1064 = arith.constant 0.0444794782 : f32
        %add3A_1065 = vector.broadcast %add3A_1064 : f32 to vector<16xf32>
        %add3A_1066 = arith.addf %mul3A_1048, %add3A_1065 : vector<16xf32>
        %add3A_1067 = arith.constant 0.0444794782 : f32
        %add3A_1068 = vector.broadcast %add3A_1067 : f32 to vector<16xf32>
        %add3A_1069 = arith.addf %mul3A_1049, %add3A_1068 : vector<16xf32>
        %add3A_1070 = arith.constant 0.0444794782 : f32
        %add3A_1071 = vector.broadcast %add3A_1070 : f32 to vector<16xf32>
        %add3A_1072 = arith.addf %mul3A_1050, %add3A_1071 : vector<16xf32>
        %add3A_1073 = arith.constant 0.0444794782 : f32
        %add3A_1074 = vector.broadcast %add3A_1073 : f32 to vector<16xf32>
        %add3A_1075 = arith.addf %mul3A_1051, %add3A_1074 : vector<16xf32>
        %mul3A_1076 = arith.mulf %add3A_1054, %sub3A_791 : vector<16xf32>
        %mul3A_1077 = arith.mulf %add3A_1057, %sub3A_795 : vector<16xf32>
        %mul3A_1078 = arith.mulf %add3A_1060, %sub3A_799 : vector<16xf32>
        %mul3A_1079 = arith.mulf %add3A_1063, %sub3A_803 : vector<16xf32>
        %mul3A_1080 = arith.mulf %add3A_1066, %sub3A_807 : vector<16xf32>
        %mul3A_1081 = arith.mulf %add3A_1069, %sub3A_811 : vector<16xf32>
        %mul3A_1082 = arith.mulf %add3A_1072, %sub3A_815 : vector<16xf32>
        %mul3A_1083 = arith.mulf %add3A_1075, %sub3A_819 : vector<16xf32>
        %add3A_1084 = arith.constant -0.0333259031 : f32
        %add3A_1085 = vector.broadcast %add3A_1084 : f32 to vector<16xf32>
        %add3A_1086 = arith.addf %mul3A_1076, %add3A_1085 : vector<16xf32>
        %add3A_1087 = arith.constant -0.0333259031 : f32
        %add3A_1088 = vector.broadcast %add3A_1087 : f32 to vector<16xf32>
        %add3A_1089 = arith.addf %mul3A_1077, %add3A_1088 : vector<16xf32>
        %add3A_1090 = arith.constant -0.0333259031 : f32
        %add3A_1091 = vector.broadcast %add3A_1090 : f32 to vector<16xf32>
        %add3A_1092 = arith.addf %mul3A_1078, %add3A_1091 : vector<16xf32>
        %add3A_1093 = arith.constant -0.0333259031 : f32
        %add3A_1094 = vector.broadcast %add3A_1093 : f32 to vector<16xf32>
        %add3A_1095 = arith.addf %mul3A_1079, %add3A_1094 : vector<16xf32>
        %add3A_1096 = arith.constant -0.0333259031 : f32
        %add3A_1097 = vector.broadcast %add3A_1096 : f32 to vector<16xf32>
        %add3A_1098 = arith.addf %mul3A_1080, %add3A_1097 : vector<16xf32>
        %add3A_1099 = arith.constant -0.0333259031 : f32
        %add3A_1100 = vector.broadcast %add3A_1099 : f32 to vector<16xf32>
        %add3A_1101 = arith.addf %mul3A_1081, %add3A_1100 : vector<16xf32>
        %add3A_1102 = arith.constant -0.0333259031 : f32
        %add3A_1103 = vector.broadcast %add3A_1102 : f32 to vector<16xf32>
        %add3A_1104 = arith.addf %mul3A_1082, %add3A_1103 : vector<16xf32>
        %add3A_1105 = arith.constant -0.0333259031 : f32
        %add3A_1106 = vector.broadcast %add3A_1105 : f32 to vector<16xf32>
        %add3A_1107 = arith.addf %mul3A_1083, %add3A_1106 : vector<16xf32>
        %mul3A_1108 = arith.mulf %add3A_1086, %sub3A_791 : vector<16xf32>
        %mul3A_1109 = arith.mulf %add3A_1089, %sub3A_795 : vector<16xf32>
        %mul3A_1110 = arith.mulf %add3A_1092, %sub3A_799 : vector<16xf32>
        %mul3A_1111 = arith.mulf %add3A_1095, %sub3A_803 : vector<16xf32>
        %mul3A_1112 = arith.mulf %add3A_1098, %sub3A_807 : vector<16xf32>
        %mul3A_1113 = arith.mulf %add3A_1101, %sub3A_811 : vector<16xf32>
        %mul3A_1114 = arith.mulf %add3A_1104, %sub3A_815 : vector<16xf32>
        %mul3A_1115 = arith.mulf %add3A_1107, %sub3A_819 : vector<16xf32>
        %add3A_1116 = arith.constant 0.0111084767 : f32
        %add3A_1117 = vector.broadcast %add3A_1116 : f32 to vector<16xf32>
        %add3A_1118 = arith.addf %mul3A_1108, %add3A_1117 : vector<16xf32>
        %add3A_1119 = arith.constant 0.0111084767 : f32
        %add3A_1120 = vector.broadcast %add3A_1119 : f32 to vector<16xf32>
        %add3A_1121 = arith.addf %mul3A_1109, %add3A_1120 : vector<16xf32>
        %add3A_1122 = arith.constant 0.0111084767 : f32
        %add3A_1123 = vector.broadcast %add3A_1122 : f32 to vector<16xf32>
        %add3A_1124 = arith.addf %mul3A_1110, %add3A_1123 : vector<16xf32>
        %add3A_1125 = arith.constant 0.0111084767 : f32
        %add3A_1126 = vector.broadcast %add3A_1125 : f32 to vector<16xf32>
        %add3A_1127 = arith.addf %mul3A_1111, %add3A_1126 : vector<16xf32>
        %add3A_1128 = arith.constant 0.0111084767 : f32
        %add3A_1129 = vector.broadcast %add3A_1128 : f32 to vector<16xf32>
        %add3A_1130 = arith.addf %mul3A_1112, %add3A_1129 : vector<16xf32>
        %add3A_1131 = arith.constant 0.0111084767 : f32
        %add3A_1132 = vector.broadcast %add3A_1131 : f32 to vector<16xf32>
        %add3A_1133 = arith.addf %mul3A_1113, %add3A_1132 : vector<16xf32>
        %add3A_1134 = arith.constant 0.0111084767 : f32
        %add3A_1135 = vector.broadcast %add3A_1134 : f32 to vector<16xf32>
        %add3A_1136 = arith.addf %mul3A_1114, %add3A_1135 : vector<16xf32>
        %add3A_1137 = arith.constant 0.0111084767 : f32
        %add3A_1138 = vector.broadcast %add3A_1137 : f32 to vector<16xf32>
        %add3A_1139 = arith.addf %mul3A_1115, %add3A_1138 : vector<16xf32>
        tpu.vector_store_idx %arg5[%convert_element_type3A, %iota3A], %add3A_1118 masked %and3A_506 {add = true} : memref<32x16xf32, #tpu.memory_space<vmem>>[vector<16xi32>, vector<16xi32>], vector<16xf32>, vector<16xi1>
        tpu.vector_store_idx %arg5[%convert_element_type3A_773, %iota3A], %add3A_1121 masked %and3A_510 {add = true} : memref<32x16xf32, #tpu.memory_space<vmem>>[vector<16xi32>, vector<16xi32>], vector<16xf32>, vector<16xi1>
        tpu.vector_store_idx %arg5[%convert_element_type3A_774, %iota3A], %add3A_1124 masked %and3A_514 {add = true} : memref<32x16xf32, #tpu.memory_space<vmem>>[vector<16xi32>, vector<16xi32>], vector<16xf32>, vector<16xi1>
        tpu.vector_store_idx %arg5[%convert_element_type3A_775, %iota3A], %add3A_1127 masked %and3A_518 {add = true} : memref<32x16xf32, #tpu.memory_space<vmem>>[vector<16xi32>, vector<16xi32>], vector<16xf32>, vector<16xi1>
        tpu.vector_store_idx %arg5[%convert_element_type3A_776, %iota3A], %add3A_1130 masked %and3A_522 {add = true} : memref<32x16xf32, #tpu.memory_space<vmem>>[vector<16xi32>, vector<16xi32>], vector<16xf32>, vector<16xi1>
        tpu.vector_store_idx %arg5[%convert_element_type3A_777, %iota3A], %add3A_1133 masked %and3A_526 {add = true} : memref<32x16xf32, #tpu.memory_space<vmem>>[vector<16xi32>, vector<16xi32>], vector<16xf32>, vector<16xi1>
        tpu.vector_store_idx %arg5[%convert_element_type3A_778, %iota3A], %add3A_1136 masked %and3A_530 {add = true} : memref<32x16xf32, #tpu.memory_space<vmem>>[vector<16xi32>, vector<16xi32>], vector<16xf32>, vector<16xi1>
        tpu.vector_store_idx %arg5[%convert_element_type3A_779, %iota3A], %add3A_1139 masked %and3A_534 {add = true} : memref<32x16xf32, #tpu.memory_space<vmem>>[vector<16xi32>, vector<16xi32>], vector<16xf32>, vector<16xi1>
        %mul3A_1140 = arith.mulf %add3A_1118, %add3A_942 : vector<16xf32>
        %mul3A_1141 = arith.mulf %add3A_1121, %add3A_945 : vector<16xf32>
        %mul3A_1142 = arith.mulf %add3A_1124, %add3A_948 : vector<16xf32>
        %mul3A_1143 = arith.mulf %add3A_1127, %add3A_951 : vector<16xf32>
        %mul3A_1144 = arith.mulf %add3A_1130, %add3A_954 : vector<16xf32>
        %mul3A_1145 = arith.mulf %add3A_1133, %add3A_957 : vector<16xf32>
        %mul3A_1146 = arith.mulf %add3A_1136, %add3A_960 : vector<16xf32>
        %mul3A_1147 = arith.mulf %add3A_1139, %add3A_963 : vector<16xf32>
        %mul3A_1148 = arith.constant 12.1824942 : f32
        %mul3A_1149 = vector.broadcast %mul3A_1148 : f32 to vector<16xf32>
        %mul3A_1150 = arith.mulf %mul3A_1140, %mul3A_1149 : vector<16xf32>
        %mul3A_1151 = arith.constant 12.1824942 : f32
        %mul3A_1152 = vector.broadcast %mul3A_1151 : f32 to vector<16xf32>
        %mul3A_1153 = arith.mulf %mul3A_1141, %mul3A_1152 : vector<16xf32>
        %mul3A_1154 = arith.constant 12.1824942 : f32
        %mul3A_1155 = vector.broadcast %mul3A_1154 : f32 to vector<16xf32>
        %mul3A_1156 = arith.mulf %mul3A_1142, %mul3A_1155 : vector<16xf32>
        %mul3A_1157 = arith.constant 12.1824942 : f32
        %mul3A_1158 = vector.broadcast %mul3A_1157 : f32 to vector<16xf32>
        %mul3A_1159 = arith.mulf %mul3A_1143, %mul3A_1158 : vector<16xf32>
        %mul3A_1160 = arith.constant 12.1824942 : f32
        %mul3A_1161 = vector.broadcast %mul3A_1160 : f32 to vector<16xf32>
        %mul3A_1162 = arith.mulf %mul3A_1144, %mul3A_1161 : vector<16xf32>
        %mul3A_1163 = arith.constant 12.1824942 : f32
        %mul3A_1164 = vector.broadcast %mul3A_1163 : f32 to vector<16xf32>
        %mul3A_1165 = arith.mulf %mul3A_1145, %mul3A_1164 : vector<16xf32>
        %mul3A_1166 = arith.constant 12.1824942 : f32
        %mul3A_1167 = vector.broadcast %mul3A_1166 : f32 to vector<16xf32>
        %mul3A_1168 = arith.mulf %mul3A_1146, %mul3A_1167 : vector<16xf32>
        %mul3A_1169 = arith.constant 12.1824942 : f32
        %mul3A_1170 = vector.broadcast %mul3A_1169 : f32 to vector<16xf32>
        %mul3A_1171 = arith.mulf %mul3A_1147, %mul3A_1170 : vector<16xf32>
        %add3A_1172 = arith.constant 1 : i32
        %add3A_1173 = vector.broadcast %add3A_1172 : i32 to vector<16xi32>
        %add3A_1174 = arith.addi %convert_element_type3A, %add3A_1173 : vector<16xi32>
        tpu.vector_store_idx %arg5[%add3A_1174, %iota3A], %mul3A_1150 masked %and3A_506 {add = true} : memref<32x16xf32, #tpu.memory_space<vmem>>[vector<16xi32>, vector<16xi32>], vector<16xf32>, vector<16xi1>
        %add3A_1175 = arith.constant 1 : i32
        %add3A_1176 = vector.broadcast %add3A_1175 : i32 to vector<16xi32>
        %add3A_1177 = arith.addi %convert_element_type3A_773, %add3A_1176 : vector<16xi32>
        tpu.vector_store_idx %arg5[%add3A_1177, %iota3A], %mul3A_1153 masked %and3A_510 {add = true} : memref<32x16xf32, #tpu.memory_space<vmem>>[vector<16xi32>, vector<16xi32>], vector<16xf32>, vector<16xi1>
        %add3A_1178 = arith.constant 1 : i32
        %add3A_1179 = vector.broadcast %add3A_1178 : i32 to vector<16xi32>
        %add3A_1180 = arith.addi %convert_element_type3A_774, %add3A_1179 : vector<16xi32>
        tpu.vector_store_idx %arg5[%add3A_1180, %iota3A], %mul3A_1156 masked %and3A_514 {add = true} : memref<32x16xf32, #tpu.memory_space<vmem>>[vector<16xi32>, vector<16xi32>], vector<16xf32>, vector<16xi1>
        %add3A_1181 = arith.constant 1 : i32
        %add3A_1182 = vector.broadcast %add3A_1181 : i32 to vector<16xi32>
        %add3A_1183 = arith.addi %convert_element_type3A_775, %add3A_1182 : vector<16xi32>
        tpu.vector_store_idx %arg5[%add3A_1183, %iota3A], %mul3A_1159 masked %and3A_518 {add = true} : memref<32x16xf32, #tpu.memory_space<vmem>>[vector<16xi32>, vector<16xi32>], vector<16xf32>, vector<16xi1>
        %add3A_1184 = arith.constant 1 : i32
        %add3A_1185 = vector.broadcast %add3A_1184 : i32 to vector<16xi32>
        %add3A_1186 = arith.addi %convert_element_type3A_776, %add3A_1185 : vector<16xi32>
        tpu.vector_store_idx %arg5[%add3A_1186, %iota3A], %mul3A_1162 masked %and3A_522 {add = true} : memref<32x16xf32, #tpu.memory_space<vmem>>[vector<16xi32>, vector<16xi32>], vector<16xf32>, vector<16xi1>
        %add3A_1187 = arith.constant 1 : i32
        %add3A_1188 = vector.broadcast %add3A_1187 : i32 to vector<16xi32>
        %add3A_1189 = arith.addi %convert_element_type3A_777, %add3A_1188 : vector<16xi32>
        tpu.vector_store_idx %arg5[%add3A_1189, %iota3A], %mul3A_1165 masked %and3A_526 {add = true} : memref<32x16xf32, #tpu.memory_space<vmem>>[vector<16xi32>, vector<16xi32>], vector<16xf32>, vector<16xi1>
        %add3A_1190 = arith.constant 1 : i32
        %add3A_1191 = vector.broadcast %add3A_1190 : i32 to vector<16xi32>
        %add3A_1192 = arith.addi %convert_element_type3A_778, %add3A_1191 : vector<16xi32>
        tpu.vector_store_idx %arg5[%add3A_1192, %iota3A], %mul3A_1168 masked %and3A_530 {add = true} : memref<32x16xf32, #tpu.memory_space<vmem>>[vector<16xi32>, vector<16xi32>], vector<16xf32>, vector<16xi1>
        %add3A_1193 = arith.constant 1 : i32
        %add3A_1194 = vector.broadcast %add3A_1193 : i32 to vector<16xi32>
        %add3A_1195 = arith.addi %convert_element_type3A_779, %add3A_1194 : vector<16xi32>
        tpu.vector_store_idx %arg5[%add3A_1195, %iota3A], %mul3A_1171 masked %and3A_534 {add = true} : memref<32x16xf32, #tpu.memory_space<vmem>>[vector<16xi32>, vector<16xi32>], vector<16xf32>, vector<16xi1>
        %mul3A_1196 = arith.mulf %mul3A_1150, %add3A_942 : vector<16xf32>
        %mul3A_1197 = arith.mulf %mul3A_1153, %add3A_945 : vector<16xf32>
        %mul3A_1198 = arith.mulf %mul3A_1156, %add3A_948 : vector<16xf32>
        %mul3A_1199 = arith.mulf %mul3A_1159, %add3A_951 : vector<16xf32>
        %mul3A_1200 = arith.mulf %mul3A_1162, %add3A_954 : vector<16xf32>
        %mul3A_1201 = arith.mulf %mul3A_1165, %add3A_957 : vector<16xf32>
        %mul3A_1202 = arith.mulf %mul3A_1168, %add3A_960 : vector<16xf32>
        %mul3A_1203 = arith.mulf %mul3A_1171, %add3A_963 : vector<16xf32>
        %mul3A_1204 = arith.constant 4.48168898 : f32
        %mul3A_1205 = vector.broadcast %mul3A_1204 : f32 to vector<16xf32>
        %mul3A_1206 = arith.mulf %mul3A_1196, %mul3A_1205 : vector<16xf32>
        %mul3A_1207 = arith.constant 4.48168898 : f32
        %mul3A_1208 = vector.broadcast %mul3A_1207 : f32 to vector<16xf32>
        %mul3A_1209 = arith.mulf %mul3A_1197, %mul3A_1208 : vector<16xf32>
        %mul3A_1210 = arith.constant 4.48168898 : f32
        %mul3A_1211 = vector.broadcast %mul3A_1210 : f32 to vector<16xf32>
        %mul3A_1212 = arith.mulf %mul3A_1198, %mul3A_1211 : vector<16xf32>
        %mul3A_1213 = arith.constant 4.48168898 : f32
        %mul3A_1214 = vector.broadcast %mul3A_1213 : f32 to vector<16xf32>
        %mul3A_1215 = arith.mulf %mul3A_1199, %mul3A_1214 : vector<16xf32>
        %mul3A_1216 = arith.constant 4.48168898 : f32
        %mul3A_1217 = vector.broadcast %mul3A_1216 : f32 to vector<16xf32>
        %mul3A_1218 = arith.mulf %mul3A_1200, %mul3A_1217 : vector<16xf32>
        %mul3A_1219 = arith.constant 4.48168898 : f32
        %mul3A_1220 = vector.broadcast %mul3A_1219 : f32 to vector<16xf32>
        %mul3A_1221 = arith.mulf %mul3A_1201, %mul3A_1220 : vector<16xf32>
        %mul3A_1222 = arith.constant 4.48168898 : f32
        %mul3A_1223 = vector.broadcast %mul3A_1222 : f32 to vector<16xf32>
        %mul3A_1224 = arith.mulf %mul3A_1202, %mul3A_1223 : vector<16xf32>
        %mul3A_1225 = arith.constant 4.48168898 : f32
        %mul3A_1226 = vector.broadcast %mul3A_1225 : f32 to vector<16xf32>
        %mul3A_1227 = arith.mulf %mul3A_1203, %mul3A_1226 : vector<16xf32>
        %add3A_1228 = arith.constant 2 : i32
        %add3A_1229 = vector.broadcast %add3A_1228 : i32 to vector<16xi32>
        %add3A_1230 = arith.addi %convert_element_type3A, %add3A_1229 : vector<16xi32>
        tpu.vector_store_idx %arg5[%add3A_1230, %iota3A], %mul3A_1206 masked %and3A_506 {add = true} : memref<32x16xf32, #tpu.memory_space<vmem>>[vector<16xi32>, vector<16xi32>], vector<16xf32>, vector<16xi1>
        %add3A_1231 = arith.constant 2 : i32
        %add3A_1232 = vector.broadcast %add3A_1231 : i32 to vector<16xi32>
        %add3A_1233 = arith.addi %convert_element_type3A_773, %add3A_1232 : vector<16xi32>
        tpu.vector_store_idx %arg5[%add3A_1233, %iota3A], %mul3A_1209 masked %and3A_510 {add = true} : memref<32x16xf32, #tpu.memory_space<vmem>>[vector<16xi32>, vector<16xi32>], vector<16xf32>, vector<16xi1>
        %add3A_1234 = arith.constant 2 : i32
        %add3A_1235 = vector.broadcast %add3A_1234 : i32 to vector<16xi32>
        %add3A_1236 = arith.addi %convert_element_type3A_774, %add3A_1235 : vector<16xi32>
        tpu.vector_store_idx %arg5[%add3A_1236, %iota3A], %mul3A_1212 masked %and3A_514 {add = true} : memref<32x16xf32, #tpu.memory_space<vmem>>[vector<16xi32>, vector<16xi32>], vector<16xf32>, vector<16xi1>
        %add3A_1237 = arith.constant 2 : i32
        %add3A_1238 = vector.broadcast %add3A_1237 : i32 to vector<16xi32>
        %add3A_1239 = arith.addi %convert_element_type3A_775, %add3A_1238 : vector<16xi32>
        tpu.vector_store_idx %arg5[%add3A_1239, %iota3A], %mul3A_1215 masked %and3A_518 {add = true} : memref<32x16xf32, #tpu.memory_space<vmem>>[vector<16xi32>, vector<16xi32>], vector<16xf32>, vector<16xi1>
        %add3A_1240 = arith.constant 2 : i32
        %add3A_1241 = vector.broadcast %add3A_1240 : i32 to vector<16xi32>
        %add3A_1242 = arith.addi %convert_element_type3A_776, %add3A_1241 : vector<16xi32>
        tpu.vector_store_idx %arg5[%add3A_1242, %iota3A], %mul3A_1218 masked %and3A_522 {add = true} : memref<32x16xf32, #tpu.memory_space<vmem>>[vector<16xi32>, vector<16xi32>], vector<16xf32>, vector<16xi1>
        %add3A_1243 = arith.constant 2 : i32
        %add3A_1244 = vector.broadcast %add3A_1243 : i32 to vector<16xi32>
        %add3A_1245 = arith.addi %convert_element_type3A_777, %add3A_1244 : vector<16xi32>
        tpu.vector_store_idx %arg5[%add3A_1245, %iota3A], %mul3A_1221 masked %and3A_526 {add = true} : memref<32x16xf32, #tpu.memory_space<vmem>>[vector<16xi32>, vector<16xi32>], vector<16xf32>, vector<16xi1>
        %add3A_1246 = arith.constant 2 : i32
        %add3A_1247 = vector.broadcast %add3A_1246 : i32 to vector<16xi32>
        %add3A_1248 = arith.addi %convert_element_type3A_778, %add3A_1247 : vector<16xi32>
        tpu.vector_store_idx %arg5[%add3A_1248, %iota3A], %mul3A_1224 masked %and3A_530 {add = true} : memref<32x16xf32, #tpu.memory_space<vmem>>[vector<16xi32>, vector<16xi32>], vector<16xf32>, vector<16xi1>
        %add3A_1249 = arith.constant 2 : i32
        %add3A_1250 = vector.broadcast %add3A_1249 : i32 to vector<16xi32>
        %add3A_1251 = arith.addi %convert_element_type3A_779, %add3A_1250 : vector<16xi32>
        tpu.vector_store_idx %arg5[%add3A_1251, %iota3A], %mul3A_1227 masked %and3A_534 {add = true} : memref<32x16xf32, #tpu.memory_space<vmem>>[vector<16xi32>, vector<16xi32>], vector<16xf32>, vector<16xi1>
        %mul3A_1252 = arith.mulf %mul3A_1206, %add3A_942 : vector<16xf32>
        %mul3A_1253 = arith.mulf %mul3A_1209, %add3A_945 : vector<16xf32>
        %mul3A_1254 = arith.mulf %mul3A_1212, %add3A_948 : vector<16xf32>
        %mul3A_1255 = arith.mulf %mul3A_1215, %add3A_951 : vector<16xf32>
        %mul3A_1256 = arith.mulf %mul3A_1218, %add3A_954 : vector<16xf32>
        %mul3A_1257 = arith.mulf %mul3A_1221, %add3A_957 : vector<16xf32>
        %mul3A_1258 = arith.mulf %mul3A_1224, %add3A_960 : vector<16xf32>
        %mul3A_1259 = arith.mulf %mul3A_1227, %add3A_963 : vector<16xf32>
        %mul3A_1260 = arith.constant 1.64872122 : f32
        %mul3A_1261 = vector.broadcast %mul3A_1260 : f32 to vector<16xf32>
        %mul3A_1262 = arith.mulf %mul3A_1252, %mul3A_1261 : vector<16xf32>
        %mul3A_1263 = arith.constant 1.64872122 : f32
        %mul3A_1264 = vector.broadcast %mul3A_1263 : f32 to vector<16xf32>
        %mul3A_1265 = arith.mulf %mul3A_1253, %mul3A_1264 : vector<16xf32>
        %mul3A_1266 = arith.constant 1.64872122 : f32
        %mul3A_1267 = vector.broadcast %mul3A_1266 : f32 to vector<16xf32>
        %mul3A_1268 = arith.mulf %mul3A_1254, %mul3A_1267 : vector<16xf32>
        %mul3A_1269 = arith.constant 1.64872122 : f32
        %mul3A_1270 = vector.broadcast %mul3A_1269 : f32 to vector<16xf32>
        %mul3A_1271 = arith.mulf %mul3A_1255, %mul3A_1270 : vector<16xf32>
        %mul3A_1272 = arith.constant 1.64872122 : f32
        %mul3A_1273 = vector.broadcast %mul3A_1272 : f32 to vector<16xf32>
        %mul3A_1274 = arith.mulf %mul3A_1256, %mul3A_1273 : vector<16xf32>
        %mul3A_1275 = arith.constant 1.64872122 : f32
        %mul3A_1276 = vector.broadcast %mul3A_1275 : f32 to vector<16xf32>
        %mul3A_1277 = arith.mulf %mul3A_1257, %mul3A_1276 : vector<16xf32>
        %mul3A_1278 = arith.constant 1.64872122 : f32
        %mul3A_1279 = vector.broadcast %mul3A_1278 : f32 to vector<16xf32>
        %mul3A_1280 = arith.mulf %mul3A_1258, %mul3A_1279 : vector<16xf32>
        %mul3A_1281 = arith.constant 1.64872122 : f32
        %mul3A_1282 = vector.broadcast %mul3A_1281 : f32 to vector<16xf32>
        %mul3A_1283 = arith.mulf %mul3A_1259, %mul3A_1282 : vector<16xf32>
        %add3A_1284 = arith.constant 3 : i32
        %add3A_1285 = vector.broadcast %add3A_1284 : i32 to vector<16xi32>
        %add3A_1286 = arith.addi %convert_element_type3A, %add3A_1285 : vector<16xi32>
        tpu.vector_store_idx %arg5[%add3A_1286, %iota3A], %mul3A_1262 masked %and3A_506 {add = true} : memref<32x16xf32, #tpu.memory_space<vmem>>[vector<16xi32>, vector<16xi32>], vector<16xf32>, vector<16xi1>
        %add3A_1287 = arith.constant 3 : i32
        %add3A_1288 = vector.broadcast %add3A_1287 : i32 to vector<16xi32>
        %add3A_1289 = arith.addi %convert_element_type3A_773, %add3A_1288 : vector<16xi32>
        tpu.vector_store_idx %arg5[%add3A_1289, %iota3A], %mul3A_1265 masked %and3A_510 {add = true} : memref<32x16xf32, #tpu.memory_space<vmem>>[vector<16xi32>, vector<16xi32>], vector<16xf32>, vector<16xi1>
        %add3A_1290 = arith.constant 3 : i32
        %add3A_1291 = vector.broadcast %add3A_1290 : i32 to vector<16xi32>
        %add3A_1292 = arith.addi %convert_element_type3A_774, %add3A_1291 : vector<16xi32>
        tpu.vector_store_idx %arg5[%add3A_1292, %iota3A], %mul3A_1268 masked %and3A_514 {add = true} : memref<32x16xf32, #tpu.memory_space<vmem>>[vector<16xi32>, vector<16xi32>], vector<16xf32>, vector<16xi1>
        %add3A_1293 = arith.constant 3 : i32
        %add3A_1294 = vector.broadcast %add3A_1293 : i32 to vector<16xi32>
        %add3A_1295 = arith.addi %convert_element_type3A_775, %add3A_1294 : vector<16xi32>
        tpu.vector_store_idx %arg5[%add3A_1295, %iota3A], %mul3A_1271 masked %and3A_518 {add = true} : memref<32x16xf32, #tpu.memory_space<vmem>>[vector<16xi32>, vector<16xi32>], vector<16xf32>, vector<16xi1>
        %add3A_1296 = arith.constant 3 : i32
        %add3A_1297 = vector.broadcast %add3A_1296 : i32 to vector<16xi32>
        %add3A_1298 = arith.addi %convert_element_type3A_776, %add3A_1297 : vector<16xi32>
        tpu.vector_store_idx %arg5[%add3A_1298, %iota3A], %mul3A_1274 masked %and3A_522 {add = true} : memref<32x16xf32, #tpu.memory_space<vmem>>[vector<16xi32>, vector<16xi32>], vector<16xf32>, vector<16xi1>
        %add3A_1299 = arith.constant 3 : i32
        %add3A_1300 = vector.broadcast %add3A_1299 : i32 to vector<16xi32>
        %add3A_1301 = arith.addi %convert_element_type3A_777, %add3A_1300 : vector<16xi32>
        tpu.vector_store_idx %arg5[%add3A_1301, %iota3A], %mul3A_1277 masked %and3A_526 {add = true} : memref<32x16xf32, #tpu.memory_space<vmem>>[vector<16xi32>, vector<16xi32>], vector<16xf32>, vector<16xi1>
        %add3A_1302 = arith.constant 3 : i32
        %add3A_1303 = vector.broadcast %add3A_1302 : i32 to vector<16xi32>
        %add3A_1304 = arith.addi %convert_element_type3A_778, %add3A_1303 : vector<16xi32>
        tpu.vector_store_idx %arg5[%add3A_1304, %iota3A], %mul3A_1280 masked %and3A_530 {add = true} : memref<32x16xf32, #tpu.memory_space<vmem>>[vector<16xi32>, vector<16xi32>], vector<16xf32>, vector<16xi1>
        %add3A_1305 = arith.constant 3 : i32
        %add3A_1306 = vector.broadcast %add3A_1305 : i32 to vector<16xi32>
        %add3A_1307 = arith.addi %convert_element_type3A_779, %add3A_1306 : vector<16xi32>
        tpu.vector_store_idx %arg5[%add3A_1307, %iota3A], %mul3A_1283 masked %and3A_534 {add = true} : memref<32x16xf32, #tpu.memory_space<vmem>>[vector<16xi32>, vector<16xi32>], vector<16xf32>, vector<16xi1>
        %mul3A_1308 = arith.mulf %mul3A_1262, %add3A_942 : vector<16xf32>
        %mul3A_1309 = arith.mulf %mul3A_1265, %add3A_945 : vector<16xf32>
        %mul3A_1310 = arith.mulf %mul3A_1268, %add3A_948 : vector<16xf32>
        %mul3A_1311 = arith.mulf %mul3A_1271, %add3A_951 : vector<16xf32>
        %mul3A_1312 = arith.mulf %mul3A_1274, %add3A_954 : vector<16xf32>
        %mul3A_1313 = arith.mulf %mul3A_1277, %add3A_957 : vector<16xf32>
        %mul3A_1314 = arith.mulf %mul3A_1280, %add3A_960 : vector<16xf32>
        %mul3A_1315 = arith.mulf %mul3A_1283, %add3A_963 : vector<16xf32>
        %mul3A_1316 = arith.constant 0.606530666 : f32
        %mul3A_1317 = vector.broadcast %mul3A_1316 : f32 to vector<16xf32>
        %mul3A_1318 = arith.mulf %mul3A_1308, %mul3A_1317 : vector<16xf32>
        %mul3A_1319 = arith.constant 0.606530666 : f32
        %mul3A_1320 = vector.broadcast %mul3A_1319 : f32 to vector<16xf32>
        %mul3A_1321 = arith.mulf %mul3A_1309, %mul3A_1320 : vector<16xf32>
        %mul3A_1322 = arith.constant 0.606530666 : f32
        %mul3A_1323 = vector.broadcast %mul3A_1322 : f32 to vector<16xf32>
        %mul3A_1324 = arith.mulf %mul3A_1310, %mul3A_1323 : vector<16xf32>
        %mul3A_1325 = arith.constant 0.606530666 : f32
        %mul3A_1326 = vector.broadcast %mul3A_1325 : f32 to vector<16xf32>
        %mul3A_1327 = arith.mulf %mul3A_1311, %mul3A_1326 : vector<16xf32>
        %mul3A_1328 = arith.constant 0.606530666 : f32
        %mul3A_1329 = vector.broadcast %mul3A_1328 : f32 to vector<16xf32>
        %mul3A_1330 = arith.mulf %mul3A_1312, %mul3A_1329 : vector<16xf32>
        %mul3A_1331 = arith.constant 0.606530666 : f32
        %mul3A_1332 = vector.broadcast %mul3A_1331 : f32 to vector<16xf32>
        %mul3A_1333 = arith.mulf %mul3A_1313, %mul3A_1332 : vector<16xf32>
        %mul3A_1334 = arith.constant 0.606530666 : f32
        %mul3A_1335 = vector.broadcast %mul3A_1334 : f32 to vector<16xf32>
        %mul3A_1336 = arith.mulf %mul3A_1314, %mul3A_1335 : vector<16xf32>
        %mul3A_1337 = arith.constant 0.606530666 : f32
        %mul3A_1338 = vector.broadcast %mul3A_1337 : f32 to vector<16xf32>
        %mul3A_1339 = arith.mulf %mul3A_1315, %mul3A_1338 : vector<16xf32>
        %add3A_1340 = arith.constant 4 : i32
        %add3A_1341 = vector.broadcast %add3A_1340 : i32 to vector<16xi32>
        %add3A_1342 = arith.addi %convert_element_type3A, %add3A_1341 : vector<16xi32>
        tpu.vector_store_idx %arg5[%add3A_1342, %iota3A], %mul3A_1318 masked %and3A_506 {add = true} : memref<32x16xf32, #tpu.memory_space<vmem>>[vector<16xi32>, vector<16xi32>], vector<16xf32>, vector<16xi1>
        %add3A_1343 = arith.constant 4 : i32
        %add3A_1344 = vector.broadcast %add3A_1343 : i32 to vector<16xi32>
        %add3A_1345 = arith.addi %convert_element_type3A_773, %add3A_1344 : vector<16xi32>
        tpu.vector_store_idx %arg5[%add3A_1345, %iota3A], %mul3A_1321 masked %and3A_510 {add = true} : memref<32x16xf32, #tpu.memory_space<vmem>>[vector<16xi32>, vector<16xi32>], vector<16xf32>, vector<16xi1>
        %add3A_1346 = arith.constant 4 : i32
        %add3A_1347 = vector.broadcast %add3A_1346 : i32 to vector<16xi32>
        %add3A_1348 = arith.addi %convert_element_type3A_774, %add3A_1347 : vector<16xi32>
        tpu.vector_store_idx %arg5[%add3A_1348, %iota3A], %mul3A_1324 masked %and3A_514 {add = true} : memref<32x16xf32, #tpu.memory_space<vmem>>[vector<16xi32>, vector<16xi32>], vector<16xf32>, vector<16xi1>
        %add3A_1349 = arith.constant 4 : i32
        %add3A_1350 = vector.broadcast %add3A_1349 : i32 to vector<16xi32>
        %add3A_1351 = arith.addi %convert_element_type3A_775, %add3A_1350 : vector<16xi32>
        tpu.vector_store_idx %arg5[%add3A_1351, %iota3A], %mul3A_1327 masked %and3A_518 {add = true} : memref<32x16xf32, #tpu.memory_space<vmem>>[vector<16xi32>, vector<16xi32>], vector<16xf32>, vector<16xi1>
        %add3A_1352 = arith.constant 4 : i32
        %add3A_1353 = vector.broadcast %add3A_1352 : i32 to vector<16xi32>
        %add3A_1354 = arith.addi %convert_element_type3A_776, %add3A_1353 : vector<16xi32>
        tpu.vector_store_idx %arg5[%add3A_1354, %iota3A], %mul3A_1330 masked %and3A_522 {add = true} : memref<32x16xf32, #tpu.memory_space<vmem>>[vector<16xi32>, vector<16xi32>], vector<16xf32>, vector<16xi1>
        %add3A_1355 = arith.constant 4 : i32
        %add3A_1356 = vector.broadcast %add3A_1355 : i32 to vector<16xi32>
        %add3A_1357 = arith.addi %convert_element_type3A_777, %add3A_1356 : vector<16xi32>
        tpu.vector_store_idx %arg5[%add3A_1357, %iota3A], %mul3A_1333 masked %and3A_526 {add = true} : memref<32x16xf32, #tpu.memory_space<vmem>>[vector<16xi32>, vector<16xi32>], vector<16xf32>, vector<16xi1>
        %add3A_1358 = arith.constant 4 : i32
        %add3A_1359 = vector.broadcast %add3A_1358 : i32 to vector<16xi32>
        %add3A_1360 = arith.addi %convert_element_type3A_778, %add3A_1359 : vector<16xi32>
        tpu.vector_store_idx %arg5[%add3A_1360, %iota3A], %mul3A_1336 masked %and3A_530 {add = true} : memref<32x16xf32, #tpu.memory_space<vmem>>[vector<16xi32>, vector<16xi32>], vector<16xf32>, vector<16xi1>
        %add3A_1361 = arith.constant 4 : i32
        %add3A_1362 = vector.broadcast %add3A_1361 : i32 to vector<16xi32>
        %add3A_1363 = arith.addi %convert_element_type3A_779, %add3A_1362 : vector<16xi32>
        tpu.vector_store_idx %arg5[%add3A_1363, %iota3A], %mul3A_1339 masked %and3A_534 {add = true} : memref<32x16xf32, #tpu.memory_space<vmem>>[vector<16xi32>, vector<16xi32>], vector<16xf32>, vector<16xi1>
        %mul3A_1364 = arith.mulf %mul3A_1318, %add3A_942 : vector<16xf32>
        %mul3A_1365 = arith.mulf %mul3A_1321, %add3A_945 : vector<16xf32>
        %mul3A_1366 = arith.mulf %mul3A_1324, %add3A_948 : vector<16xf32>
        %mul3A_1367 = arith.mulf %mul3A_1327, %add3A_951 : vector<16xf32>
        %mul3A_1368 = arith.mulf %mul3A_1330, %add3A_954 : vector<16xf32>
        %mul3A_1369 = arith.mulf %mul3A_1333, %add3A_957 : vector<16xf32>
        %mul3A_1370 = arith.mulf %mul3A_1336, %add3A_960 : vector<16xf32>
        %mul3A_1371 = arith.mulf %mul3A_1339, %add3A_963 : vector<16xf32>
        %mul3A_1372 = arith.constant 0.223130167 : f32
        %mul3A_1373 = vector.broadcast %mul3A_1372 : f32 to vector<16xf32>
        %mul3A_1374 = arith.mulf %mul3A_1364, %mul3A_1373 : vector<16xf32>
        %mul3A_1375 = arith.constant 0.223130167 : f32
        %mul3A_1376 = vector.broadcast %mul3A_1375 : f32 to vector<16xf32>
        %mul3A_1377 = arith.mulf %mul3A_1365, %mul3A_1376 : vector<16xf32>
        %mul3A_1378 = arith.constant 0.223130167 : f32
        %mul3A_1379 = vector.broadcast %mul3A_1378 : f32 to vector<16xf32>
        %mul3A_1380 = arith.mulf %mul3A_1366, %mul3A_1379 : vector<16xf32>
        %mul3A_1381 = arith.constant 0.223130167 : f32
        %mul3A_1382 = vector.broadcast %mul3A_1381 : f32 to vector<16xf32>
        %mul3A_1383 = arith.mulf %mul3A_1367, %mul3A_1382 : vector<16xf32>
        %mul3A_1384 = arith.constant 0.223130167 : f32
        %mul3A_1385 = vector.broadcast %mul3A_1384 : f32 to vector<16xf32>
        %mul3A_1386 = arith.mulf %mul3A_1368, %mul3A_1385 : vector<16xf32>
        %mul3A_1387 = arith.constant 0.223130167 : f32
        %mul3A_1388 = vector.broadcast %mul3A_1387 : f32 to vector<16xf32>
        %mul3A_1389 = arith.mulf %mul3A_1369, %mul3A_1388 : vector<16xf32>
        %mul3A_1390 = arith.constant 0.223130167 : f32
        %mul3A_1391 = vector.broadcast %mul3A_1390 : f32 to vector<16xf32>
        %mul3A_1392 = arith.mulf %mul3A_1370, %mul3A_1391 : vector<16xf32>
        %mul3A_1393 = arith.constant 0.223130167 : f32
        %mul3A_1394 = vector.broadcast %mul3A_1393 : f32 to vector<16xf32>
        %mul3A_1395 = arith.mulf %mul3A_1371, %mul3A_1394 : vector<16xf32>
        %add3A_1396 = arith.constant 5 : i32
        %add3A_1397 = vector.broadcast %add3A_1396 : i32 to vector<16xi32>
        %add3A_1398 = arith.addi %convert_element_type3A, %add3A_1397 : vector<16xi32>
        tpu.vector_store_idx %arg5[%add3A_1398, %iota3A], %mul3A_1374 masked %and3A_506 {add = true} : memref<32x16xf32, #tpu.memory_space<vmem>>[vector<16xi32>, vector<16xi32>], vector<16xf32>, vector<16xi1>
        %add3A_1399 = arith.constant 5 : i32
        %add3A_1400 = vector.broadcast %add3A_1399 : i32 to vector<16xi32>
        %add3A_1401 = arith.addi %convert_element_type3A_773, %add3A_1400 : vector<16xi32>
        tpu.vector_store_idx %arg5[%add3A_1401, %iota3A], %mul3A_1377 masked %and3A_510 {add = true} : memref<32x16xf32, #tpu.memory_space<vmem>>[vector<16xi32>, vector<16xi32>], vector<16xf32>, vector<16xi1>
        %add3A_1402 = arith.constant 5 : i32
        %add3A_1403 = vector.broadcast %add3A_1402 : i32 to vector<16xi32>
        %add3A_1404 = arith.addi %convert_element_type3A_774, %add3A_1403 : vector<16xi32>
        tpu.vector_store_idx %arg5[%add3A_1404, %iota3A], %mul3A_1380 masked %and3A_514 {add = true} : memref<32x16xf32, #tpu.memory_space<vmem>>[vector<16xi32>, vector<16xi32>], vector<16xf32>, vector<16xi1>
        %add3A_1405 = arith.constant 5 : i32
        %add3A_1406 = vector.broadcast %add3A_1405 : i32 to vector<16xi32>
        %add3A_1407 = arith.addi %convert_element_type3A_775, %add3A_1406 : vector<16xi32>
        tpu.vector_store_idx %arg5[%add3A_1407, %iota3A], %mul3A_1383 masked %and3A_518 {add = true} : memref<32x16xf32, #tpu.memory_space<vmem>>[vector<16xi32>, vector<16xi32>], vector<16xf32>, vector<16xi1>
        %add3A_1408 = arith.constant 5 : i32
        %add3A_1409 = vector.broadcast %add3A_1408 : i32 to vector<16xi32>
        %add3A_1410 = arith.addi %convert_element_type3A_776, %add3A_1409 : vector<16xi32>
        tpu.vector_store_idx %arg5[%add3A_1410, %iota3A], %mul3A_1386 masked %and3A_522 {add = true} : memref<32x16xf32, #tpu.memory_space<vmem>>[vector<16xi32>, vector<16xi32>], vector<16xf32>, vector<16xi1>
        %add3A_1411 = arith.constant 5 : i32
        %add3A_1412 = vector.broadcast %add3A_1411 : i32 to vector<16xi32>
        %add3A_1413 = arith.addi %convert_element_type3A_777, %add3A_1412 : vector<16xi32>
        tpu.vector_store_idx %arg5[%add3A_1413, %iota3A], %mul3A_1389 masked %and3A_526 {add = true} : memref<32x16xf32, #tpu.memory_space<vmem>>[vector<16xi32>, vector<16xi32>], vector<16xf32>, vector<16xi1>
        %add3A_1414 = arith.constant 5 : i32
        %add3A_1415 = vector.broadcast %add3A_1414 : i32 to vector<16xi32>
        %add3A_1416 = arith.addi %convert_element_type3A_778, %add3A_1415 : vector<16xi32>
        tpu.vector_store_idx %arg5[%add3A_1416, %iota3A], %mul3A_1392 masked %and3A_530 {add = true} : memref<32x16xf32, #tpu.memory_space<vmem>>[vector<16xi32>, vector<16xi32>], vector<16xf32>, vector<16xi1>
        %add3A_1417 = arith.constant 5 : i32
        %add3A_1418 = vector.broadcast %add3A_1417 : i32 to vector<16xi32>
        %add3A_1419 = arith.addi %convert_element_type3A_779, %add3A_1418 : vector<16xi32>
        tpu.vector_store_idx %arg5[%add3A_1419, %iota3A], %mul3A_1395 masked %and3A_534 {add = true} : memref<32x16xf32, #tpu.memory_space<vmem>>[vector<16xi32>, vector<16xi32>], vector<16xf32>, vector<16xi1>
        %mul3A_1420 = arith.mulf %mul3A_1374, %add3A_942 : vector<16xf32>
        %mul3A_1421 = arith.mulf %mul3A_1377, %add3A_945 : vector<16xf32>
        %mul3A_1422 = arith.mulf %mul3A_1380, %add3A_948 : vector<16xf32>
        %mul3A_1423 = arith.mulf %mul3A_1383, %add3A_951 : vector<16xf32>
        %mul3A_1424 = arith.mulf %mul3A_1386, %add3A_954 : vector<16xf32>
        %mul3A_1425 = arith.mulf %mul3A_1389, %add3A_957 : vector<16xf32>
        %mul3A_1426 = arith.mulf %mul3A_1392, %add3A_960 : vector<16xf32>
        %mul3A_1427 = arith.mulf %mul3A_1395, %add3A_963 : vector<16xf32>
        %mul3A_1428 = arith.constant 8.208500e-02 : f32
        %mul3A_1429 = vector.broadcast %mul3A_1428 : f32 to vector<16xf32>
        %mul3A_1430 = arith.mulf %mul3A_1420, %mul3A_1429 : vector<16xf32>
        %mul3A_1431 = arith.constant 8.208500e-02 : f32
        %mul3A_1432 = vector.broadcast %mul3A_1431 : f32 to vector<16xf32>
        %mul3A_1433 = arith.mulf %mul3A_1421, %mul3A_1432 : vector<16xf32>
        %mul3A_1434 = arith.constant 8.208500e-02 : f32
        %mul3A_1435 = vector.broadcast %mul3A_1434 : f32 to vector<16xf32>
        %mul3A_1436 = arith.mulf %mul3A_1422, %mul3A_1435 : vector<16xf32>
        %mul3A_1437 = arith.constant 8.208500e-02 : f32
        %mul3A_1438 = vector.broadcast %mul3A_1437 : f32 to vector<16xf32>
        %mul3A_1439 = arith.mulf %mul3A_1423, %mul3A_1438 : vector<16xf32>
        %mul3A_1440 = arith.constant 8.208500e-02 : f32
        %mul3A_1441 = vector.broadcast %mul3A_1440 : f32 to vector<16xf32>
        %mul3A_1442 = arith.mulf %mul3A_1424, %mul3A_1441 : vector<16xf32>
        %mul3A_1443 = arith.constant 8.208500e-02 : f32
        %mul3A_1444 = vector.broadcast %mul3A_1443 : f32 to vector<16xf32>
        %mul3A_1445 = arith.mulf %mul3A_1425, %mul3A_1444 : vector<16xf32>
        %mul3A_1446 = arith.constant 8.208500e-02 : f32
        %mul3A_1447 = vector.broadcast %mul3A_1446 : f32 to vector<16xf32>
        %mul3A_1448 = arith.mulf %mul3A_1426, %mul3A_1447 : vector<16xf32>
        %mul3A_1449 = arith.constant 8.208500e-02 : f32
        %mul3A_1450 = vector.broadcast %mul3A_1449 : f32 to vector<16xf32>
        %mul3A_1451 = arith.mulf %mul3A_1427, %mul3A_1450 : vector<16xf32>
        %add3A_1452 = arith.constant 6 : i32
        %add3A_1453 = vector.broadcast %add3A_1452 : i32 to vector<16xi32>
        %add3A_1454 = arith.addi %convert_element_type3A, %add3A_1453 : vector<16xi32>
        tpu.vector_store_idx %arg5[%add3A_1454, %iota3A], %mul3A_1430 masked %and3A_506 {add = true} : memref<32x16xf32, #tpu.memory_space<vmem>>[vector<16xi32>, vector<16xi32>], vector<16xf32>, vector<16xi1>
        %add3A_1455 = arith.constant 6 : i32
        %add3A_1456 = vector.broadcast %add3A_1455 : i32 to vector<16xi32>
        %add3A_1457 = arith.addi %convert_element_type3A_773, %add3A_1456 : vector<16xi32>
        tpu.vector_store_idx %arg5[%add3A_1457, %iota3A], %mul3A_1433 masked %and3A_510 {add = true} : memref<32x16xf32, #tpu.memory_space<vmem>>[vector<16xi32>, vector<16xi32>], vector<16xf32>, vector<16xi1>
        %add3A_1458 = arith.constant 6 : i32
        %add3A_1459 = vector.broadcast %add3A_1458 : i32 to vector<16xi32>
        %add3A_1460 = arith.addi %convert_element_type3A_774, %add3A_1459 : vector<16xi32>
        tpu.vector_store_idx %arg5[%add3A_1460, %iota3A], %mul3A_1436 masked %and3A_514 {add = true} : memref<32x16xf32, #tpu.memory_space<vmem>>[vector<16xi32>, vector<16xi32>], vector<16xf32>, vector<16xi1>
        %add3A_1461 = arith.constant 6 : i32
        %add3A_1462 = vector.broadcast %add3A_1461 : i32 to vector<16xi32>
        %add3A_1463 = arith.addi %convert_element_type3A_775, %add3A_1462 : vector<16xi32>
        tpu.vector_store_idx %arg5[%add3A_1463, %iota3A], %mul3A_1439 masked %and3A_518 {add = true} : memref<32x16xf32, #tpu.memory_space<vmem>>[vector<16xi32>, vector<16xi32>], vector<16xf32>, vector<16xi1>
        %add3A_1464 = arith.constant 6 : i32
        %add3A_1465 = vector.broadcast %add3A_1464 : i32 to vector<16xi32>
        %add3A_1466 = arith.addi %convert_element_type3A_776, %add3A_1465 : vector<16xi32>
        tpu.vector_store_idx %arg5[%add3A_1466, %iota3A], %mul3A_1442 masked %and3A_522 {add = true} : memref<32x16xf32, #tpu.memory_space<vmem>>[vector<16xi32>, vector<16xi32>], vector<16xf32>, vector<16xi1>
        %add3A_1467 = arith.constant 6 : i32
        %add3A_1468 = vector.broadcast %add3A_1467 : i32 to vector<16xi32>
        %add3A_1469 = arith.addi %convert_element_type3A_777, %add3A_1468 : vector<16xi32>
        tpu.vector_store_idx %arg5[%add3A_1469, %iota3A], %mul3A_1445 masked %and3A_526 {add = true} : memref<32x16xf32, #tpu.memory_space<vmem>>[vector<16xi32>, vector<16xi32>], vector<16xf32>, vector<16xi1>
        %add3A_1470 = arith.constant 6 : i32
        %add3A_1471 = vector.broadcast %add3A_1470 : i32 to vector<16xi32>
        %add3A_1472 = arith.addi %convert_element_type3A_778, %add3A_1471 : vector<16xi32>
        tpu.vector_store_idx %arg5[%add3A_1472, %iota3A], %mul3A_1448 masked %and3A_530 {add = true} : memref<32x16xf32, #tpu.memory_space<vmem>>[vector<16xi32>, vector<16xi32>], vector<16xf32>, vector<16xi1>
        %add3A_1473 = arith.constant 6 : i32
        %add3A_1474 = vector.broadcast %add3A_1473 : i32 to vector<16xi32>
        %add3A_1475 = arith.addi %convert_element_type3A_779, %add3A_1474 : vector<16xi32>
        tpu.vector_store_idx %arg5[%add3A_1475, %iota3A], %mul3A_1451 masked %and3A_534 {add = true} : memref<32x16xf32, #tpu.memory_space<vmem>>[vector<16xi32>, vector<16xi32>], vector<16xf32>, vector<16xi1>
        %while3A_1476 = arith.constant 0 : i32
        scf.yield %while3A_1476 : i32
      }
      %while3A_277 = arith.constant 1 : i32
      %while3A_278 = scf.for %while3A_280 = %while3A_274 to %while3A_270 step %while3A_277 iter_args(%while3A_281 = %while3A_276) -> (i32)  : i32 {
        %mul3A_282 = arith.constant 32 : i32
        %mul3A_283 = arith.muli %while3A_280, %mul3A_282 : i32
        %multiple_of3A_284 = tpu.assume_multiple %mul3A_283, 16 : i32
        %add3A_285 = arith.constant 16 : i32
        %add3A_286 = arith.addi %multiple_of3A_284, %add3A_285 : i32
        %multiple_of3A_287 = tpu.assume_multiple %add3A_286, 16 : i32
        %add3A_288 = vector.broadcast %multiple_of3A_284 : i32 to vector<16xi32>
        %add3A_289 = arith.addi %add3A_288, %iota3A : vector<16xi32>
        %gt3A = vector.broadcast %add3A_148 : i32 to vector<16xi32>
        %gt3A_290 = arith.cmpi sgt, %add3A_289, %gt3A : vector<16xi32>
        %add3A_291 = vector.broadcast %multiple_of3A_287 : i32 to vector<16xi32>
        %add3A_292 = arith.addi %add3A_291, %iota3A : vector<16xi32>
        %gt3A_293 = vector.broadcast %add3A_148 : i32 to vector<16xi32>
        %gt3A_294 = arith.cmpi sgt, %add3A_292, %gt3A_293 : vector<16xi32>
        %get3A_295 = arith.constant 0 : i32
        %get3A_296 = arith.constant 0 : i32
        %get3A_297 = arith.index_cast %get3A_295 : i32 to index
        %get3A_298 = arith.index_cast %get3A_296 : i32 to index
        %get3A_299 = arith.index_cast %multiple_of3A_284 : i32 to index
        %get3A_300 = tpu.vector_load %arg4[%get3A_297, %get3A_298, %get3A_299] {strides = array<i32>} : memref<4x3x512xf32, #tpu.memory_space<vmem>>, vector<16xf32>,
        %sub3A_301 = arith.subf %get3A_300, %gather3A_162 : vector<16xf32>
        %get3A_302 = arith.constant 1 : i32
        %get3A_303 = arith.constant 0 : i32
        %get3A_304 = arith.index_cast %get3A_302 : i32 to index
        %get3A_305 = arith.index_cast %get3A_303 : i32 to index
        %get3A_306 = arith.index_cast %multiple_of3A_284 : i32 to index
        %get3A_307 = tpu.vector_load %arg4[%get3A_304, %get3A_305, %get3A_306] {strides = array<i32>} : memref<4x3x512xf32, #tpu.memory_space<vmem>>, vector<16xf32>,
        %sub3A_308 = arith.subf %get3A_307, %gather3A_189 : vector<16xf32>
        %get3A_309 = arith.constant 2 : i32
        %get3A_310 = arith.constant 0 : i32
        %get3A_311 = arith.index_cast %get3A_309 : i32 to index
        %get3A_312 = arith.index_cast %get3A_310 : i32 to index
        %get3A_313 = arith.index_cast %multiple_of3A_284 : i32 to index
        %get3A_314 = tpu.vector_load %arg4[%get3A_311, %get3A_312, %get3A_313] {strides = array<i32>} : memref<4x3x512xf32, #tpu.memory_space<vmem>>, vector<16xf32>,
        %sub3A_315 = arith.subf %get3A_314, %gather3A_216 : vector<16xf32>
        %get3A_316 = arith.constant 3 : i32
        %get3A_317 = arith.constant 0 : i32
        %get3A_318 = arith.index_cast %get3A_316 : i32 to index
        %get3A_319 = arith.index_cast %get3A_317 : i32 to index
        %get3A_320 = arith.index_cast %multiple_of3A_284 : i32 to index
        %get3A_321 = tpu.vector_load %arg4[%get3A_318, %get3A_319, %get3A_320] {strides = array<i32>} : memref<4x3x512xf32, #tpu.memory_space<vmem>>, vector<16xf32>,
        %sub3A_322 = arith.subf %get3A_321, %gather3A_243 : vector<16xf32>
        %get3A_323 = arith.constant 0 : i32
        %get3A_324 = arith.constant 0 : i32
        %get3A_325 = arith.index_cast %get3A_323 : i32 to index
        %get3A_326 = arith.index_cast %get3A_324 : i32 to index
        %get3A_327 = arith.index_cast %multiple_of3A_287 : i32 to index
        %get3A_328 = tpu.vector_load %arg4[%get3A_325, %get3A_326, %get3A_327] {strides = array<i32>} : memref<4x3x512xf32, #tpu.memory_space<vmem>>, vector<16xf32>,
        %sub3A_329 = arith.subf %get3A_328, %gather3A_162 : vector<16xf32>
        %get3A_330 = arith.constant 1 : i32
        %get3A_331 = arith.constant 0 : i32
        %get3A_332 = arith.index_cast %get3A_330 : i32 to index
        %get3A_333 = arith.index_cast %get3A_331 : i32 to index
        %get3A_334 = arith.index_cast %multiple_of3A_287 : i32 to index
        %get3A_335 = tpu.vector_load %arg4[%get3A_332, %get3A_333, %get3A_334] {strides = array<i32>} : memref<4x3x512xf32, #tpu.memory_space<vmem>>, vector<16xf32>,
        %sub3A_336 = arith.subf %get3A_335, %gather3A_189 : vector<16xf32>
        %get3A_337 = arith.constant 2 : i32
        %get3A_338 = arith.constant 0 : i32
        %get3A_339 = arith.index_cast %get3A_337 : i32 to index
        %get3A_340 = arith.index_cast %get3A_338 : i32 to index
        %get3A_341 = arith.index_cast %multiple_of3A_287 : i32 to index
        %get3A_342 = tpu.vector_load %arg4[%get3A_339, %get3A_340, %get3A_341] {strides = array<i32>} : memref<4x3x512xf32, #tpu.memory_space<vmem>>, vector<16xf32>,
        %sub3A_343 = arith.subf %get3A_342, %gather3A_216 : vector<16xf32>
        %get3A_344 = arith.constant 3 : i32
        %get3A_345 = arith.constant 0 : i32
        %get3A_346 = arith.index_cast %get3A_344 : i32 to index
        %get3A_347 = arith.index_cast %get3A_345 : i32 to index
        %get3A_348 = arith.index_cast %multiple_of3A_287 : i32 to index
        %get3A_349 = tpu.vector_load %arg4[%get3A_346, %get3A_347, %get3A_348] {strides = array<i32>} : memref<4x3x512xf32, #tpu.memory_space<vmem>>, vector<16xf32>,
        %sub3A_350 = arith.subf %get3A_349, %gather3A_243 : vector<16xf32>
        %get3A_351 = arith.constant 0 : i32
        %get3A_352 = arith.constant 1 : i32
        %get3A_353 = arith.index_cast %get3A_351 : i32 to index
        %get3A_354 = arith.index_cast %get3A_352 : i32 to index
        %get3A_355 = arith.index_cast %multiple_of3A_284 : i32 to index
        %get3A_356 = tpu.vector_load %arg4[%get3A_353, %get3A_354, %get3A_355] {strides = array<i32>} : memref<4x3x512xf32, #tpu.memory_space<vmem>>, vector<16xf32>,
        %sub3A_357 = arith.subf %get3A_356, %gather3A_171 : vector<16xf32>
        %get3A_358 = arith.constant 1 : i32
        %get3A_359 = arith.constant 1 : i32
        %get3A_360 = arith.index_cast %get3A_358 : i32 to index
        %get3A_361 = arith.index_cast %get3A_359 : i32 to index
        %get3A_362 = arith.index_cast %multiple_of3A_284 : i32 to index
        %get3A_363 = tpu.vector_load %arg4[%get3A_360, %get3A_361, %get3A_362] {strides = array<i32>} : memref<4x3x512xf32, #tpu.memory_space<vmem>>, vector<16xf32>,
        %sub3A_364 = arith.subf %get3A_363, %gather3A_198 : vector<16xf32>
        %get3A_365 = arith.constant 2 : i32
        %get3A_366 = arith.constant 1 : i32
        %get3A_367 = arith.index_cast %get3A_365 : i32 to index
        %get3A_368 = arith.index_cast %get3A_366 : i32 to index
        %get3A_369 = arith.index_cast %multiple_of3A_284 : i32 to index
        %get3A_370 = tpu.vector_load %arg4[%get3A_367, %get3A_368, %get3A_369] {strides = array<i32>} : memref<4x3x512xf32, #tpu.memory_space<vmem>>, vector<16xf32>,
        %sub3A_371 = arith.subf %get3A_370, %gather3A_225 : vector<16xf32>
        %get3A_372 = arith.constant 3 : i32
        %get3A_373 = arith.constant 1 : i32
        %get3A_374 = arith.index_cast %get3A_372 : i32 to index
        %get3A_375 = arith.index_cast %get3A_373 : i32 to index
        %get3A_376 = arith.index_cast %multiple_of3A_284 : i32 to index
        %get3A_377 = tpu.vector_load %arg4[%get3A_374, %get3A_375, %get3A_376] {strides = array<i32>} : memref<4x3x512xf32, #tpu.memory_space<vmem>>, vector<16xf32>,
        %sub3A_378 = arith.subf %get3A_377, %gather3A_252 : vector<16xf32>
        %get3A_379 = arith.constant 0 : i32
        %get3A_380 = arith.constant 1 : i32
        %get3A_381 = arith.index_cast %get3A_379 : i32 to index
        %get3A_382 = arith.index_cast %get3A_380 : i32 to index
        %get3A_383 = arith.index_cast %multiple_of3A_287 : i32 to index
        %get3A_384 = tpu.vector_load %arg4[%get3A_381, %get3A_382, %get3A_383] {strides = array<i32>} : memref<4x3x512xf32, #tpu.memory_space<vmem>>, vector<16xf32>,
        %sub3A_385 = arith.subf %get3A_384, %gather3A_171 : vector<16xf32>
        %get3A_386 = arith.constant 1 : i32
        %get3A_387 = arith.constant 1 : i32
        %get3A_388 = arith.index_cast %get3A_386 : i32 to index
        %get3A_389 = arith.index_cast %get3A_387 : i32 to index
        %get3A_390 = arith.index_cast %multiple_of3A_287 : i32 to index
        %get3A_391 = tpu.vector_load %arg4[%get3A_388, %get3A_389, %get3A_390] {strides = array<i32>} : memref<4x3x512xf32, #tpu.memory_space<vmem>>, vector<16xf32>,
        %sub3A_392 = arith.subf %get3A_391, %gather3A_198 : vector<16xf32>
        %get3A_393 = arith.constant 2 : i32
        %get3A_394 = arith.constant 1 : i32
        %get3A_395 = arith.index_cast %get3A_393 : i32 to index
        %get3A_396 = arith.index_cast %get3A_394 : i32 to index
        %get3A_397 = arith.index_cast %multiple_of3A_287 : i32 to index
        %get3A_398 = tpu.vector_load %arg4[%get3A_395, %get3A_396, %get3A_397] {strides = array<i32>} : memref<4x3x512xf32, #tpu.memory_space<vmem>>, vector<16xf32>,
        %sub3A_399 = arith.subf %get3A_398, %gather3A_225 : vector<16xf32>
        %get3A_400 = arith.constant 3 : i32
        %get3A_401 = arith.constant 1 : i32
        %get3A_402 = arith.index_cast %get3A_400 : i32 to index
        %get3A_403 = arith.index_cast %get3A_401 : i32 to index
        %get3A_404 = arith.index_cast %multiple_of3A_287 : i32 to index
        %get3A_405 = tpu.vector_load %arg4[%get3A_402, %get3A_403, %get3A_404] {strides = array<i32>} : memref<4x3x512xf32, #tpu.memory_space<vmem>>, vector<16xf32>,
        %sub3A_406 = arith.subf %get3A_405, %gather3A_252 : vector<16xf32>
        %get3A_407 = arith.constant 0 : i32
        %get3A_408 = arith.constant 2 : i32
        %get3A_409 = arith.index_cast %get3A_407 : i32 to index
        %get3A_410 = arith.index_cast %get3A_408 : i32 to index
        %get3A_411 = arith.index_cast %multiple_of3A_284 : i32 to index
        %get3A_412 = tpu.vector_load %arg4[%get3A_409, %get3A_410, %get3A_411] {strides = array<i32>} : memref<4x3x512xf32, #tpu.memory_space<vmem>>, vector<16xf32>,
        %sub3A_413 = arith.subf %get3A_412, %gather3A_180 : vector<16xf32>
        %get3A_414 = arith.constant 1 : i32
        %get3A_415 = arith.constant 2 : i32
        %get3A_416 = arith.index_cast %get3A_414 : i32 to index
        %get3A_417 = arith.index_cast %get3A_415 : i32 to index
        %get3A_418 = arith.index_cast %multiple_of3A_284 : i32 to index
        %get3A_419 = tpu.vector_load %arg4[%get3A_416, %get3A_417, %get3A_418] {strides = array<i32>} : memref<4x3x512xf32, #tpu.memory_space<vmem>>, vector<16xf32>,
        %sub3A_420 = arith.subf %get3A_419, %gather3A_207 : vector<16xf32>
        %get3A_421 = arith.constant 2 : i32
        %get3A_422 = arith.constant 2 : i32
        %get3A_423 = arith.index_cast %get3A_421 : i32 to index
        %get3A_424 = arith.index_cast %get3A_422 : i32 to index
        %get3A_425 = arith.index_cast %multiple_of3A_284 : i32 to index
        %get3A_426 = tpu.vector_load %arg4[%get3A_423, %get3A_424, %get3A_425] {strides = array<i32>} : memref<4x3x512xf32, #tpu.memory_space<vmem>>, vector<16xf32>,
        %sub3A_427 = arith.subf %get3A_426, %gather3A_234 : vector<16xf32>
        %get3A_428 = arith.constant 3 : i32
        %get3A_429 = arith.constant 2 : i32
        %get3A_430 = arith.index_cast %get3A_428 : i32 to index
        %get3A_431 = arith.index_cast %get3A_429 : i32 to index
        %get3A_432 = arith.index_cast %multiple_of3A_284 : i32 to index
        %get3A_433 = tpu.vector_load %arg4[%get3A_430, %get3A_431, %get3A_432] {strides = array<i32>} : memref<4x3x512xf32, #tpu.memory_space<vmem>>, vector<16xf32>,
        %sub3A_434 = arith.subf %get3A_433, %gather3A_261 : vector<16xf32>
        %get3A_435 = arith.constant 0 : i32
        %get3A_436 = arith.constant 2 : i32
        %get3A_437 = arith.index_cast %get3A_435 : i32 to index
        %get3A_438 = arith.index_cast %get3A_436 : i32 to index
        %get3A_439 = arith.index_cast %multiple_of3A_287 : i32 to index
        %get3A_440 = tpu.vector_load %arg4[%get3A_437, %get3A_438, %get3A_439] {strides = array<i32>} : memref<4x3x512xf32, #tpu.memory_space<vmem>>, vector<16xf32>,
        %sub3A_441 = arith.subf %get3A_440, %gather3A_180 : vector<16xf32>
        %get3A_442 = arith.constant 1 : i32
        %get3A_443 = arith.constant 2 : i32
        %get3A_444 = arith.index_cast %get3A_442 : i32 to index
        %get3A_445 = arith.index_cast %get3A_443 : i32 to index
        %get3A_446 = arith.index_cast %multiple_of3A_287 : i32 to index
        %get3A_447 = tpu.vector_load %arg4[%get3A_444, %get3A_445, %get3A_446] {strides = array<i32>} : memref<4x3x512xf32, #tpu.memory_space<vmem>>, vector<16xf32>,
        %sub3A_448 = arith.subf %get3A_447, %gather3A_207 : vector<16xf32>
        %get3A_449 = arith.constant 2 : i32
        %get3A_450 = arith.constant 2 : i32
        %get3A_451 = arith.index_cast %get3A_449 : i32 to index
        %get3A_452 = arith.index_cast %get3A_450 : i32 to index
        %get3A_453 = arith.index_cast %multiple_of3A_287 : i32 to index
        %get3A_454 = tpu.vector_load %arg4[%get3A_451, %get3A_452, %get3A_453] {strides = array<i32>} : memref<4x3x512xf32, #tpu.memory_space<vmem>>, vector<16xf32>,
        %sub3A_455 = arith.subf %get3A_454, %gather3A_234 : vector<16xf32>
        %get3A_456 = arith.constant 3 : i32
        %get3A_457 = arith.constant 2 : i32
        %get3A_458 = arith.index_cast %get3A_456 : i32 to index
        %get3A_459 = arith.index_cast %get3A_457 : i32 to index
        %get3A_460 = arith.index_cast %multiple_of3A_287 : i32 to index
        %get3A_461 = tpu.vector_load %arg4[%get3A_458, %get3A_459, %get3A_460] {strides = array<i32>} : memref<4x3x512xf32, #tpu.memory_space<vmem>>, vector<16xf32>,
        %sub3A_462 = arith.subf %get3A_461, %gather3A_261 : vector<16xf32>
        %mul3A_463 = arith.mulf %sub3A_301, %sub3A_301 : vector<16xf32>
        %mul3A_464 = arith.mulf %sub3A_308, %sub3A_308 : vector<16xf32>
        %mul3A_465 = arith.mulf %sub3A_315, %sub3A_315 : vector<16xf32>
        %mul3A_466 = arith.mulf %sub3A_322, %sub3A_322 : vector<16xf32>
        %mul3A_467 = arith.mulf %sub3A_329, %sub3A_329 : vector<16xf32>
        %mul3A_468 = arith.mulf %sub3A_336, %sub3A_336 : vector<16xf32>
        %mul3A_469 = arith.mulf %sub3A_343, %sub3A_343 : vector<16xf32>
        %mul3A_470 = arith.mulf %sub3A_350, %sub3A_350 : vector<16xf32>
        %mul3A_471 = arith.mulf %sub3A_357, %sub3A_357 : vector<16xf32>
        %mul3A_472 = arith.mulf %sub3A_364, %sub3A_364 : vector<16xf32>
        %mul3A_473 = arith.mulf %sub3A_371, %sub3A_371 : vector<16xf32>
        %mul3A_474 = arith.mulf %sub3A_378, %sub3A_378 : vector<16xf32>
        %mul3A_475 = arith.mulf %sub3A_385, %sub3A_385 : vector<16xf32>
        %mul3A_476 = arith.mulf %sub3A_392, %sub3A_392 : vector<16xf32>
        %mul3A_477 = arith.mulf %sub3A_399, %sub3A_399 : vector<16xf32>
        %mul3A_478 = arith.mulf %sub3A_406, %sub3A_406 : vector<16xf32>
        %add3A_479 = arith.addf %mul3A_463, %mul3A_471 : vector<16xf32>
        %add3A_480 = arith.addf %mul3A_464, %mul3A_472 : vector<16xf32>
        %add3A_481 = arith.addf %mul3A_465, %mul3A_473 : vector<16xf32>
        %add3A_482 = arith.addf %mul3A_466, %mul3A_474 : vector<16xf32>
        %add3A_483 = arith.addf %mul3A_467, %mul3A_475 : vector<16xf32>
        %add3A_484 = arith.addf %mul3A_468, %mul3A_476 : vector<16xf32>
        %add3A_485 = arith.addf %mul3A_469, %mul3A_477 : vector<16xf32>
        %add3A_486 = arith.addf %mul3A_470, %mul3A_478 : vector<16xf32>
        %mul3A_487 = arith.mulf %sub3A_413, %sub3A_413 : vector<16xf32>
        %mul3A_488 = arith.mulf %sub3A_420, %sub3A_420 : vector<16xf32>
        %mul3A_489 = arith.mulf %sub3A_427, %sub3A_427 : vector<16xf32>
        %mul3A_490 = arith.mulf %sub3A_434, %sub3A_434 : vector<16xf32>
        %mul3A_491 = arith.mulf %sub3A_441, %sub3A_441 : vector<16xf32>
        %mul3A_492 = arith.mulf %sub3A_448, %sub3A_448 : vector<16xf32>
        %mul3A_493 = arith.mulf %sub3A_455, %sub3A_455 : vector<16xf32>
        %mul3A_494 = arith.mulf %sub3A_462, %sub3A_462 : vector<16xf32>
        %add3A_495 = arith.addf %add3A_479, %mul3A_487 : vector<16xf32>
        %add3A_496 = arith.addf %add3A_480, %mul3A_488 : vector<16xf32>
        %add3A_497 = arith.addf %add3A_481, %mul3A_489 : vector<16xf32>
        %add3A_498 = arith.addf %add3A_482, %mul3A_490 : vector<16xf32>
        %add3A_499 = arith.addf %add3A_483, %mul3A_491 : vector<16xf32>
        %add3A_500 = arith.addf %add3A_484, %mul3A_492 : vector<16xf32>
        %add3A_501 = arith.addf %add3A_485, %mul3A_493 : vector<16xf32>
        %add3A_502 = arith.addf %add3A_486, %mul3A_494 : vector<16xf32>
        %gt3A_503 = arith.constant 0.000000e+00 : f32
        %gt3A_504 = vector.broadcast %gt3A_503 : f32 to vector<16xf32>
        %gt3A_505 = arith.cmpf ogt, %add3A_495, %gt3A_504 : vector<16xf32>
        %and3A_506 = arith.andi %gt3A_290, %gt3A_505 : vector<16xi1>
        %gt3A_507 = arith.constant 0.000000e+00 : f32
        %gt3A_508 = vector.broadcast %gt3A_507 : f32 to vector<16xf32>
        %gt3A_509 = arith.cmpf ogt, %add3A_496, %gt3A_508 : vector<16xf32>
        %and3A_510 = arith.andi %gt3A_290, %gt3A_509 : vector<16xi1>
        %gt3A_511 = arith.constant 0.000000e+00 : f32
        %gt3A_512 = vector.broadcast %gt3A_511 : f32 to vector<16xf32>
        %gt3A_513 = arith.cmpf ogt, %add3A_497, %gt3A_512 : vector<16xf32>
        %and3A_514 = arith.andi %gt3A_290, %gt3A_513 : vector<16xi1>
        %gt3A_515 = arith.constant 0.000000e+00 : f32
        %gt3A_516 = vector.broadcast %gt3A_515 : f32 to vector<16xf32>
        %gt3A_517 = arith.cmpf ogt, %add3A_498, %gt3A_516 : vector<16xf32>
        %and3A_518 = arith.andi %gt3A_290, %gt3A_517 : vector<16xi1>
        %gt3A_519 = arith.constant 0.000000e+00 : f32
        %gt3A_520 = vector.broadcast %gt3A_519 : f32 to vector<16xf32>
        %gt3A_521 = arith.cmpf ogt, %add3A_499, %gt3A_520 : vector<16xf32>
        %and3A_522 = arith.andi %gt3A_294, %gt3A_521 : vector<16xi1>
        %gt3A_523 = arith.constant 0.000000e+00 : f32
        %gt3A_524 = vector.broadcast %gt3A_523 : f32 to vector<16xf32>
        %gt3A_525 = arith.cmpf ogt, %add3A_500, %gt3A_524 : vector<16xf32>
        %and3A_526 = arith.andi %gt3A_294, %gt3A_525 : vector<16xi1>
        %gt3A_527 = arith.constant 0.000000e+00 : f32
        %gt3A_528 = vector.broadcast %gt3A_527 : f32 to vector<16xf32>
        %gt3A_529 = arith.cmpf ogt, %add3A_501, %gt3A_528 : vector<16xf32>
        %and3A_530 = arith.andi %gt3A_294, %gt3A_529 : vector<16xi1>
        %gt3A_531 = arith.constant 0.000000e+00 : f32
        %gt3A_532 = vector.broadcast %gt3A_531 : f32 to vector<16xf32>
        %gt3A_533 = arith.cmpf ogt, %add3A_502, %gt3A_532 : vector<16xf32>
        %and3A_534 = arith.andi %gt3A_294, %gt3A_533 : vector<16xi1>
        %max3A = arith.constant 1.000000e-30 : f32
        %max3A_535 = vector.broadcast %max3A : f32 to vector<16xf32>
        %max3A_536 = arith.maximumf %add3A_495, %max3A_535 : vector<16xf32>
        %max3A_537 = arith.constant 1.000000e-30 : f32
        %max3A_538 = vector.broadcast %max3A_537 : f32 to vector<16xf32>
        %max3A_539 = arith.maximumf %add3A_496, %max3A_538 : vector<16xf32>
        %max3A_540 = arith.constant 1.000000e-30 : f32
        %max3A_541 = vector.broadcast %max3A_540 : f32 to vector<16xf32>
        %max3A_542 = arith.maximumf %add3A_497, %max3A_541 : vector<16xf32>
        %max3A_543 = arith.constant 1.000000e-30 : f32
        %max3A_544 = vector.broadcast %max3A_543 : f32 to vector<16xf32>
        %max3A_545 = arith.maximumf %add3A_498, %max3A_544 : vector<16xf32>
        %max3A_546 = arith.constant 1.000000e-30 : f32
        %max3A_547 = vector.broadcast %max3A_546 : f32 to vector<16xf32>
        %max3A_548 = arith.maximumf %add3A_499, %max3A_547 : vector<16xf32>
        %max3A_549 = arith.constant 1.000000e-30 : f32
        %max3A_550 = vector.broadcast %max3A_549 : f32 to vector<16xf32>
        %max3A_551 = arith.maximumf %add3A_500, %max3A_550 : vector<16xf32>
        %max3A_552 = arith.constant 1.000000e-30 : f32
        %max3A_553 = vector.broadcast %max3A_552 : f32 to vector<16xf32>
        %max3A_554 = arith.maximumf %add3A_501, %max3A_553 : vector<16xf32>
        %max3A_555 = arith.constant 1.000000e-30 : f32
        %max3A_556 = vector.broadcast %max3A_555 : f32 to vector<16xf32>
        %max3A_557 = arith.maximumf %add3A_502, %max3A_556 : vector<16xf32>
        %bitcast_convert_type3A = tpu.bitcast %max3A_536 : vector<16xf32> -> vector<16xi32>
        %shift_right_arithmetic3A_558 = arith.constant 1 : i32
        %shift_right_arithmetic3A_559 = vector.broadcast %shift_right_arithmetic3A_558 : i32 to vector<16xi32>
        %shift_right_arithmetic3A_560 = arith.shrsi %bitcast_convert_type3A, %shift_right_arithmetic3A_559 : vector<16xi32>
        %sub3A_561 = arith.constant 1597463007 : i32
        %sub3A_562 = vector.broadcast %sub3A_561 : i32 to vector<16xi32>
        %sub3A_563 = arith.subi %sub3A_562, %shift_right_arithmetic3A_560 : vector<16xi32>
        %bitcast_convert_type3A_564 = tpu.bitcast %sub3A_563 : vector<16xi32> -> vector<16xf32>
        %bitcast_convert_type3A_565 = tpu.bitcast %max3A_539 : vector<16xf32> -> vector<16xi32>
        %shift_right_arithmetic3A_566 = arith.constant 1 : i32
        %shift_right_arithmetic3A_567 = vector.broadcast %shift_right_arithmetic3A_566 : i32 to vector<16xi32>
        %shift_right_arithmetic3A_568 = arith.shrsi %bitcast_convert_type3A_565, %shift_right_arithmetic3A_567 : vector<16xi32>
        %sub3A_569 = arith.constant 1597463007 : i32
        %sub3A_570 = vector.broadcast %sub3A_569 : i32 to vector<16xi32>
        %sub3A_571 = arith.subi %sub3A_570, %shift_right_arithmetic3A_568 : vector<16xi32>
        %bitcast_convert_type3A_572 = tpu.bitcast %sub3A_571 : vector<16xi32> -> vector<16xf32>
        %bitcast_convert_type3A_573 = tpu.bitcast %max3A_542 : vector<16xf32> -> vector<16xi32>
        %shift_right_arithmetic3A_574 = arith.constant 1 : i32
        %shift_right_arithmetic3A_575 = vector.broadcast %shift_right_arithmetic3A_574 : i32 to vector<16xi32>
        %shift_right_arithmetic3A_576 = arith.shrsi %bitcast_convert_type3A_573, %shift_right_arithmetic3A_575 : vector<16xi32>
        %sub3A_577 = arith.constant 1597463007 : i32
        %sub3A_578 = vector.broadcast %sub3A_577 : i32 to vector<16xi32>
        %sub3A_579 = arith.subi %sub3A_578, %shift_right_arithmetic3A_576 : vector<16xi32>
        %bitcast_convert_type3A_580 = tpu.bitcast %sub3A_579 : vector<16xi32> -> vector<16xf32>
        %bitcast_convert_type3A_581 = tpu.bitcast %max3A_545 : vector<16xf32> -> vector<16xi32>
        %shift_right_arithmetic3A_582 = arith.constant 1 : i32
        %shift_right_arithmetic3A_583 = vector.broadcast %shift_right_arithmetic3A_582 : i32 to vector<16xi32>
        %shift_right_arithmetic3A_584 = arith.shrsi %bitcast_convert_type3A_581, %shift_right_arithmetic3A_583 : vector<16xi32>
        %sub3A_585 = arith.constant 1597463007 : i32
        %sub3A_586 = vector.broadcast %sub3A_585 : i32 to vector<16xi32>
        %sub3A_587 = arith.subi %sub3A_586, %shift_right_arithmetic3A_584 : vector<16xi32>
        %bitcast_convert_type3A_588 = tpu.bitcast %sub3A_587 : vector<16xi32> -> vector<16xf32>
        %bitcast_convert_type3A_589 = tpu.bitcast %max3A_548 : vector<16xf32> -> vector<16xi32>
        %shift_right_arithmetic3A_590 = arith.constant 1 : i32
        %shift_right_arithmetic3A_591 = vector.broadcast %shift_right_arithmetic3A_590 : i32 to vector<16xi32>
        %shift_right_arithmetic3A_592 = arith.shrsi %bitcast_convert_type3A_589, %shift_right_arithmetic3A_591 : vector<16xi32>
        %sub3A_593 = arith.constant 1597463007 : i32
        %sub3A_594 = vector.broadcast %sub3A_593 : i32 to vector<16xi32>
        %sub3A_595 = arith.subi %sub3A_594, %shift_right_arithmetic3A_592 : vector<16xi32>
        %bitcast_convert_type3A_596 = tpu.bitcast %sub3A_595 : vector<16xi32> -> vector<16xf32>
        %bitcast_convert_type3A_597 = tpu.bitcast %max3A_551 : vector<16xf32> -> vector<16xi32>
        %shift_right_arithmetic3A_598 = arith.constant 1 : i32
        %shift_right_arithmetic3A_599 = vector.broadcast %shift_right_arithmetic3A_598 : i32 to vector<16xi32>
        %shift_right_arithmetic3A_600 = arith.shrsi %bitcast_convert_type3A_597, %shift_right_arithmetic3A_599 : vector<16xi32>
        %sub3A_601 = arith.constant 1597463007 : i32
        %sub3A_602 = vector.broadcast %sub3A_601 : i32 to vector<16xi32>
        %sub3A_603 = arith.subi %sub3A_602, %shift_right_arithmetic3A_600 : vector<16xi32>
        %bitcast_convert_type3A_604 = tpu.bitcast %sub3A_603 : vector<16xi32> -> vector<16xf32>
        %bitcast_convert_type3A_605 = tpu.bitcast %max3A_554 : vector<16xf32> -> vector<16xi32>
        %shift_right_arithmetic3A_606 = arith.constant 1 : i32
        %shift_right_arithmetic3A_607 = vector.broadcast %shift_right_arithmetic3A_606 : i32 to vector<16xi32>
        %shift_right_arithmetic3A_608 = arith.shrsi %bitcast_convert_type3A_605, %shift_right_arithmetic3A_607 : vector<16xi32>
        %sub3A_609 = arith.constant 1597463007 : i32
        %sub3A_610 = vector.broadcast %sub3A_609 : i32 to vector<16xi32>
        %sub3A_611 = arith.subi %sub3A_610, %shift_right_arithmetic3A_608 : vector<16xi32>
        %bitcast_convert_type3A_612 = tpu.bitcast %sub3A_611 : vector<16xi32> -> vector<16xf32>
        %bitcast_convert_type3A_613 = tpu.bitcast %max3A_557 : vector<16xf32> -> vector<16xi32>
        %shift_right_arithmetic3A_614 = arith.constant 1 : i32
        %shift_right_arithmetic3A_615 = vector.broadcast %shift_right_arithmetic3A_614 : i32 to vector<16xi32>
        %shift_right_arithmetic3A_616 = arith.shrsi %bitcast_convert_type3A_613, %shift_right_arithmetic3A_615 : vector<16xi32>
        %sub3A_617 = arith.constant 1597463007 : i32
        %sub3A_618 = vector.broadcast %sub3A_617 : i32 to vector<16xi32>
        %sub3A_619 = arith.subi %sub3A_618, %shift_right_arithmetic3A_616 : vector<16xi32>
        %bitcast_convert_type3A_620 = tpu.bitcast %sub3A_619 : vector<16xi32> -> vector<16xf32>
        %mul3A_621 = arith.constant 5.000000e-01 : f32
        %mul3A_622 = vector.broadcast %mul3A_621 : f32 to vector<16xf32>
        %mul3A_623 = arith.mulf %mul3A_622, %max3A_536 : vector<16xf32>
        %mul3A_624 = arith.constant 5.000000e-01 : f32
        %mul3A_625 = vector.broadcast %mul3A_624 : f32 to vector<16xf32>
        %mul3A_626 = arith.mulf %mul3A_625, %max3A_539 : vector<16xf32>
        %mul3A_627 = arith.constant 5.000000e-01 : f32
        %mul3A_628 = vector.broadcast %mul3A_627 : f32 to vector<16xf32>
        %mul3A_629 = arith.mulf %mul3A_628, %max3A_542 : vector<16xf32>
        %mul3A_630 = arith.constant 5.000000e-01 : f32
        %mul3A_631 = vector.broadcast %mul3A_630 : f32 to vector<16xf32>
        %mul3A_632 = arith.mulf %mul3A_631, %max3A_545 : vector<16xf32>
        %mul3A_633 = arith.constant 5.000000e-01 : f32
        %mul3A_634 = vector.broadcast %mul3A_633 : f32 to vector<16xf32>
        %mul3A_635 = arith.mulf %mul3A_634, %max3A_548 : vector<16xf32>
        %mul3A_636 = arith.constant 5.000000e-01 : f32
        %mul3A_637 = vector.broadcast %mul3A_636 : f32 to vector<16xf32>
        %mul3A_638 = arith.mulf %mul3A_637, %max3A_551 : vector<16xf32>
        %mul3A_639 = arith.constant 5.000000e-01 : f32
        %mul3A_640 = vector.broadcast %mul3A_639 : f32 to vector<16xf32>
        %mul3A_641 = arith.mulf %mul3A_640, %max3A_554 : vector<16xf32>
        %mul3A_642 = arith.constant 5.000000e-01 : f32
        %mul3A_643 = vector.broadcast %mul3A_642 : f32 to vector<16xf32>
        %mul3A_644 = arith.mulf %mul3A_643, %max3A_557 : vector<16xf32>
        %mul3A_645 = arith.mulf %bitcast_convert_type3A_564, %bitcast_convert_type3A_564 : vector<16xf32>
        %mul3A_646 = arith.mulf %bitcast_convert_type3A_572, %bitcast_convert_type3A_572 : vector<16xf32>
        %mul3A_647 = arith.mulf %bitcast_convert_type3A_580, %bitcast_convert_type3A_580 : vector<16xf32>
        %mul3A_648 = arith.mulf %bitcast_convert_type3A_588, %bitcast_convert_type3A_588 : vector<16xf32>
        %mul3A_649 = arith.mulf %bitcast_convert_type3A_596, %bitcast_convert_type3A_596 : vector<16xf32>
        %mul3A_650 = arith.mulf %bitcast_convert_type3A_604, %bitcast_convert_type3A_604 : vector<16xf32>
        %mul3A_651 = arith.mulf %bitcast_convert_type3A_612, %bitcast_convert_type3A_612 : vector<16xf32>
        %mul3A_652 = arith.mulf %bitcast_convert_type3A_620, %bitcast_convert_type3A_620 : vector<16xf32>
        %mul3A_653 = arith.mulf %mul3A_623, %mul3A_645 : vector<16xf32>
        %mul3A_654 = arith.mulf %mul3A_626, %mul3A_646 : vector<16xf32>
        %mul3A_655 = arith.mulf %mul3A_629, %mul3A_647 : vector<16xf32>
        %mul3A_656 = arith.mulf %mul3A_632, %mul3A_648 : vector<16xf32>
        %mul3A_657 = arith.mulf %mul3A_635, %mul3A_649 : vector<16xf32>
        %mul3A_658 = arith.mulf %mul3A_638, %mul3A_650 : vector<16xf32>
        %mul3A_659 = arith.mulf %mul3A_641, %mul3A_651 : vector<16xf32>
        %mul3A_660 = arith.mulf %mul3A_644, %mul3A_652 : vector<16xf32>
        %sub3A_661 = arith.constant 1.500000e+00 : f32
        %sub3A_662 = vector.broadcast %sub3A_661 : f32 to vector<16xf32>
        %sub3A_663 = arith.subf %sub3A_662, %mul3A_653 : vector<16xf32>
        %sub3A_664 = arith.constant 1.500000e+00 : f32
        %sub3A_665 = vector.broadcast %sub3A_664 : f32 to vector<16xf32>
        %sub3A_666 = arith.subf %sub3A_665, %mul3A_654 : vector<16xf32>
        %sub3A_667 = arith.constant 1.500000e+00 : f32
        %sub3A_668 = vector.broadcast %sub3A_667 : f32 to vector<16xf32>
        %sub3A_669 = arith.subf %sub3A_668, %mul3A_655 : vector<16xf32>
        %sub3A_670 = arith.constant 1.500000e+00 : f32
        %sub3A_671 = vector.broadcast %sub3A_670 : f32 to vector<16xf32>
        %sub3A_672 = arith.subf %sub3A_671, %mul3A_656 : vector<16xf32>
        %sub3A_673 = arith.constant 1.500000e+00 : f32
        %sub3A_674 = vector.broadcast %sub3A_673 : f32 to vector<16xf32>
        %sub3A_675 = arith.subf %sub3A_674, %mul3A_657 : vector<16xf32>
        %sub3A_676 = arith.constant 1.500000e+00 : f32
        %sub3A_677 = vector.broadcast %sub3A_676 : f32 to vector<16xf32>
        %sub3A_678 = arith.subf %sub3A_677, %mul3A_658 : vector<16xf32>
        %sub3A_679 = arith.constant 1.500000e+00 : f32
        %sub3A_680 = vector.broadcast %sub3A_679 : f32 to vector<16xf32>
        %sub3A_681 = arith.subf %sub3A_680, %mul3A_659 : vector<16xf32>
        %sub3A_682 = arith.constant 1.500000e+00 : f32
        %sub3A_683 = vector.broadcast %sub3A_682 : f32 to vector<16xf32>
        %sub3A_684 = arith.subf %sub3A_683, %mul3A_660 : vector<16xf32>
        %mul3A_685 = arith.mulf %bitcast_convert_type3A_564, %sub3A_663 : vector<16xf32>
        %mul3A_686 = arith.mulf %bitcast_convert_type3A_572, %sub3A_666 : vector<16xf32>
        %mul3A_687 = arith.mulf %bitcast_convert_type3A_580, %sub3A_669 : vector<16xf32>
        %mul3A_688 = arith.mulf %bitcast_convert_type3A_588, %sub3A_672 : vector<16xf32>
        %mul3A_689 = arith.mulf %bitcast_convert_type3A_596, %sub3A_675 : vector<16xf32>
        %mul3A_690 = arith.mulf %bitcast_convert_type3A_604, %sub3A_678 : vector<16xf32>
        %mul3A_691 = arith.mulf %bitcast_convert_type3A_612, %sub3A_681 : vector<16xf32>
        %mul3A_692 = arith.mulf %bitcast_convert_type3A_620, %sub3A_684 : vector<16xf32>
        %mul3A_693 = arith.mulf %mul3A_685, %mul3A_685 : vector<16xf32>
        %mul3A_694 = arith.mulf %mul3A_686, %mul3A_686 : vector<16xf32>
        %mul3A_695 = arith.mulf %mul3A_687, %mul3A_687 : vector<16xf32>
        %mul3A_696 = arith.mulf %mul3A_688, %mul3A_688 : vector<16xf32>
        %mul3A_697 = arith.mulf %mul3A_689, %mul3A_689 : vector<16xf32>
        %mul3A_698 = arith.mulf %mul3A_690, %mul3A_690 : vector<16xf32>
        %mul3A_699 = arith.mulf %mul3A_691, %mul3A_691 : vector<16xf32>
        %mul3A_700 = arith.mulf %mul3A_692, %mul3A_692 : vector<16xf32>
        %mul3A_701 = arith.mulf %mul3A_623, %mul3A_693 : vector<16xf32>
        %mul3A_702 = arith.mulf %mul3A_626, %mul3A_694 : vector<16xf32>
        %mul3A_703 = arith.mulf %mul3A_629, %mul3A_695 : vector<16xf32>
        %mul3A_704 = arith.mulf %mul3A_632, %mul3A_696 : vector<16xf32>
        %mul3A_705 = arith.mulf %mul3A_635, %mul3A_697 : vector<16xf32>
        %mul3A_706 = arith.mulf %mul3A_638, %mul3A_698 : vector<16xf32>
        %mul3A_707 = arith.mulf %mul3A_641, %mul3A_699 : vector<16xf32>
        %mul3A_708 = arith.mulf %mul3A_644, %mul3A_700 : vector<16xf32>
        %sub3A_709 = arith.constant 1.500000e+00 : f32
        %sub3A_710 = vector.broadcast %sub3A_709 : f32 to vector<16xf32>
        %sub3A_711 = arith.subf %sub3A_710, %mul3A_701 : vector<16xf32>
        %sub3A_712 = arith.constant 1.500000e+00 : f32
        %sub3A_713 = vector.broadcast %sub3A_712 : f32 to vector<16xf32>
        %sub3A_714 = arith.subf %sub3A_713, %mul3A_702 : vector<16xf32>
        %sub3A_715 = arith.constant 1.500000e+00 : f32
        %sub3A_716 = vector.broadcast %sub3A_715 : f32 to vector<16xf32>
        %sub3A_717 = arith.subf %sub3A_716, %mul3A_703 : vector<16xf32>
        %sub3A_718 = arith.constant 1.500000e+00 : f32
        %sub3A_719 = vector.broadcast %sub3A_718 : f32 to vector<16xf32>
        %sub3A_720 = arith.subf %sub3A_719, %mul3A_704 : vector<16xf32>
        %sub3A_721 = arith.constant 1.500000e+00 : f32
        %sub3A_722 = vector.broadcast %sub3A_721 : f32 to vector<16xf32>
        %sub3A_723 = arith.subf %sub3A_722, %mul3A_705 : vector<16xf32>
        %sub3A_724 = arith.constant 1.500000e+00 : f32
        %sub3A_725 = vector.broadcast %sub3A_724 : f32 to vector<16xf32>
        %sub3A_726 = arith.subf %sub3A_725, %mul3A_706 : vector<16xf32>
        %sub3A_727 = arith.constant 1.500000e+00 : f32
        %sub3A_728 = vector.broadcast %sub3A_727 : f32 to vector<16xf32>
        %sub3A_729 = arith.subf %sub3A_728, %mul3A_707 : vector<16xf32>
        %sub3A_730 = arith.constant 1.500000e+00 : f32
        %sub3A_731 = vector.broadcast %sub3A_730 : f32 to vector<16xf32>
        %sub3A_732 = arith.subf %sub3A_731, %mul3A_708 : vector<16xf32>
        %mul3A_733 = arith.mulf %mul3A_685, %sub3A_711 : vector<16xf32>
        %mul3A_734 = arith.mulf %mul3A_686, %sub3A_714 : vector<16xf32>
        %mul3A_735 = arith.mulf %mul3A_687, %sub3A_717 : vector<16xf32>
        %mul3A_736 = arith.mulf %mul3A_688, %sub3A_720 : vector<16xf32>
        %mul3A_737 = arith.mulf %mul3A_689, %sub3A_723 : vector<16xf32>
        %mul3A_738 = arith.mulf %mul3A_690, %sub3A_726 : vector<16xf32>
        %mul3A_739 = arith.mulf %mul3A_691, %sub3A_729 : vector<16xf32>
        %mul3A_740 = arith.mulf %mul3A_692, %sub3A_732 : vector<16xf32>
        %mul3A_741 = arith.mulf %max3A_536, %mul3A_733 : vector<16xf32>
        %mul3A_742 = arith.mulf %max3A_539, %mul3A_734 : vector<16xf32>
        %mul3A_743 = arith.mulf %max3A_542, %mul3A_735 : vector<16xf32>
        %mul3A_744 = arith.mulf %max3A_545, %mul3A_736 : vector<16xf32>
        %mul3A_745 = arith.mulf %max3A_548, %mul3A_737 : vector<16xf32>
        %mul3A_746 = arith.mulf %max3A_551, %mul3A_738 : vector<16xf32>
        %mul3A_747 = arith.mulf %max3A_554, %mul3A_739 : vector<16xf32>
        %mul3A_748 = arith.mulf %max3A_557, %mul3A_740 : vector<16xf32>
        %mul3A_749 = arith.constant 1.000000e+01 : f32
        %mul3A_750 = vector.broadcast %mul3A_749 : f32 to vector<16xf32>
        %mul3A_751 = arith.mulf %mul3A_741, %mul3A_750 : vector<16xf32>
        %mul3A_752 = arith.constant 1.000000e+01 : f32
        %mul3A_753 = vector.broadcast %mul3A_752 : f32 to vector<16xf32>
        %mul3A_754 = arith.mulf %mul3A_742, %mul3A_753 : vector<16xf32>
        %mul3A_755 = arith.constant 1.000000e+01 : f32
        %mul3A_756 = vector.broadcast %mul3A_755 : f32 to vector<16xf32>
        %mul3A_757 = arith.mulf %mul3A_743, %mul3A_756 : vector<16xf32>
        %mul3A_758 = arith.constant 1.000000e+01 : f32
        %mul3A_759 = vector.broadcast %mul3A_758 : f32 to vector<16xf32>
        %mul3A_760 = arith.mulf %mul3A_744, %mul3A_759 : vector<16xf32>
        %mul3A_761 = arith.constant 1.000000e+01 : f32
        %mul3A_762 = vector.broadcast %mul3A_761 : f32 to vector<16xf32>
        %mul3A_763 = arith.mulf %mul3A_745, %mul3A_762 : vector<16xf32>
        %mul3A_764 = arith.constant 1.000000e+01 : f32
        %mul3A_765 = vector.broadcast %mul3A_764 : f32 to vector<16xf32>
        %mul3A_766 = arith.mulf %mul3A_746, %mul3A_765 : vector<16xf32>
        %mul3A_767 = arith.constant 1.000000e+01 : f32
        %mul3A_768 = vector.broadcast %mul3A_767 : f32 to vector<16xf32>
        %mul3A_769 = arith.mulf %mul3A_747, %mul3A_768 : vector<16xf32>
        %mul3A_770 = arith.constant 1.000000e+01 : f32
        %mul3A_771 = vector.broadcast %mul3A_770 : f32 to vector<16xf32>
        %mul3A_772 = arith.mulf %mul3A_748, %mul3A_771 : vector<16xf32>
        %convert_element_type3A = arith.fptosi %mul3A_751 : vector<16xf32> to vector<16xi32>
        %convert_element_type3A_773 = arith.fptosi %mul3A_754 : vector<16xf32> to vector<16xi32>
        %convert_element_type3A_774 = arith.fptosi %mul3A_757 : vector<16xf32> to vector<16xi32>
        %convert_element_type3A_775 = arith.fptosi %mul3A_760 : vector<16xf32> to vector<16xi32>
        %convert_element_type3A_776 = arith.fptosi %mul3A_763 : vector<16xf32> to vector<16xi32>
        %convert_element_type3A_777 = arith.fptosi %mul3A_766 : vector<16xf32> to vector<16xi32>
        %convert_element_type3A_778 = arith.fptosi %mul3A_769 : vector<16xf32> to vector<16xi32>
        %convert_element_type3A_779 = arith.fptosi %mul3A_772 : vector<16xf32> to vector<16xi32>
        %convert_element_type3A_780 = arith.sitofp %convert_element_type3A : vector<16xi32> to vector<16xf32>
        %convert_element_type3A_781 = arith.sitofp %convert_element_type3A_773 : vector<16xi32> to vector<16xf32>
        %convert_element_type3A_782 = arith.sitofp %convert_element_type3A_774 : vector<16xi32> to vector<16xf32>
        %convert_element_type3A_783 = arith.sitofp %convert_element_type3A_775 : vector<16xi32> to vector<16xf32>
        %convert_element_type3A_784 = arith.sitofp %convert_element_type3A_776 : vector<16xi32> to vector<16xf32>
        %convert_element_type3A_785 = arith.sitofp %convert_element_type3A_777 : vector<16xi32> to vector<16xf32>
        %convert_element_type3A_786 = arith.sitofp %convert_element_type3A_778 : vector<16xi32> to vector<16xf32>
        %convert_element_type3A_787 = arith.sitofp %convert_element_type3A_779 : vector<16xi32> to vector<16xf32>
        %sub3A_788 = arith.constant 5.000000e-01 : f32
        %sub3A_789 = vector.broadcast %sub3A_788 : f32 to vector<16xf32>
        %sub3A_790 = arith.subf %mul3A_751, %sub3A_789 : vector<16xf32>
        %sub3A_791 = arith.subf %sub3A_790, %convert_element_type3A_780 : vector<16xf32>
        %sub3A_792 = arith.constant 5.000000e-01 : f32
        %sub3A_793 = vector.broadcast %sub3A_792 : f32 to vector<16xf32>
        %sub3A_794 = arith.subf %mul3A_754, %sub3A_793 : vector<16xf32>
        %sub3A_795 = arith.subf %sub3A_794, %convert_element_type3A_781 : vector<16xf32>
        %sub3A_796 = arith.constant 5.000000e-01 : f32
        %sub3A_797 = vector.broadcast %sub3A_796 : f32 to vector<16xf32>
        %sub3A_798 = arith.subf %mul3A_757, %sub3A_797 : vector<16xf32>
        %sub3A_799 = arith.subf %sub3A_798, %convert_element_type3A_782 : vector<16xf32>
        %sub3A_800 = arith.constant 5.000000e-01 : f32
        %sub3A_801 = vector.broadcast %sub3A_800 : f32 to vector<16xf32>
        %sub3A_802 = arith.subf %mul3A_760, %sub3A_801 : vector<16xf32>
        %sub3A_803 = arith.subf %sub3A_802, %convert_element_type3A_783 : vector<16xf32>
        %sub3A_804 = arith.constant 5.000000e-01 : f32
        %sub3A_805 = vector.broadcast %sub3A_804 : f32 to vector<16xf32>
        %sub3A_806 = arith.subf %mul3A_763, %sub3A_805 : vector<16xf32>
        %sub3A_807 = arith.subf %sub3A_806, %convert_element_type3A_784 : vector<16xf32>
        %sub3A_808 = arith.constant 5.000000e-01 : f32
        %sub3A_809 = vector.broadcast %sub3A_808 : f32 to vector<16xf32>
        %sub3A_810 = arith.subf %mul3A_766, %sub3A_809 : vector<16xf32>
        %sub3A_811 = arith.subf %sub3A_810, %convert_element_type3A_785 : vector<16xf32>
        %sub3A_812 = arith.constant 5.000000e-01 : f32
        %sub3A_813 = vector.broadcast %sub3A_812 : f32 to vector<16xf32>
        %sub3A_814 = arith.subf %mul3A_769, %sub3A_813 : vector<16xf32>
        %sub3A_815 = arith.subf %sub3A_814, %convert_element_type3A_786 : vector<16xf32>
        %sub3A_816 = arith.constant 5.000000e-01 : f32
        %sub3A_817 = vector.broadcast %sub3A_816 : f32 to vector<16xf32>
        %sub3A_818 = arith.subf %mul3A_772, %sub3A_817 : vector<16xf32>
        %sub3A_819 = arith.subf %sub3A_818, %convert_element_type3A_787 : vector<16xf32>
        %broadcast_in_dim3A_820 = arith.constant 0.0421426743 : f32
        %broadcast_in_dim3A_821 = vector.broadcast %broadcast_in_dim3A_820 : f32 to vector<16xf32>
        %broadcast_in_dim3A_822 = arith.constant 0.0421426743 : f32
        %broadcast_in_dim3A_823 = vector.broadcast %broadcast_in_dim3A_822 : f32 to vector<16xf32>
        %broadcast_in_dim3A_824 = arith.constant 0.0421426743 : f32
        %broadcast_in_dim3A_825 = vector.broadcast %broadcast_in_dim3A_824 : f32 to vector<16xf32>
        %broadcast_in_dim3A_826 = arith.constant 0.0421426743 : f32
        %broadcast_in_dim3A_827 = vector.broadcast %broadcast_in_dim3A_826 : f32 to vector<16xf32>
        %broadcast_in_dim3A_828 = arith.constant 0.0421426743 : f32
        %broadcast_in_dim3A_829 = vector.broadcast %broadcast_in_dim3A_828 : f32 to vector<16xf32>
        %broadcast_in_dim3A_830 = arith.constant 0.0421426743 : f32
        %broadcast_in_dim3A_831 = vector.broadcast %broadcast_in_dim3A_830 : f32 to vector<16xf32>
        %broadcast_in_dim3A_832 = arith.constant 0.0421426743 : f32
        %broadcast_in_dim3A_833 = vector.broadcast %broadcast_in_dim3A_832 : f32 to vector<16xf32>
        %broadcast_in_dim3A_834 = arith.constant 0.0421426743 : f32
        %broadcast_in_dim3A_835 = vector.broadcast %broadcast_in_dim3A_834 : f32 to vector<16xf32>
        %mul3A_836 = arith.mulf %broadcast_in_dim3A_821, %sub3A_791 : vector<16xf32>
        %mul3A_837 = arith.mulf %broadcast_in_dim3A_823, %sub3A_795 : vector<16xf32>
        %mul3A_838 = arith.mulf %broadcast_in_dim3A_825, %sub3A_799 : vector<16xf32>
        %mul3A_839 = arith.mulf %broadcast_in_dim3A_827, %sub3A_803 : vector<16xf32>
        %mul3A_840 = arith.mulf %broadcast_in_dim3A_829, %sub3A_807 : vector<16xf32>
        %mul3A_841 = arith.mulf %broadcast_in_dim3A_831, %sub3A_811 : vector<16xf32>
        %mul3A_842 = arith.mulf %broadcast_in_dim3A_833, %sub3A_815 : vector<16xf32>
        %mul3A_843 = arith.mulf %broadcast_in_dim3A_835, %sub3A_819 : vector<16xf32>
        %add3A_844 = arith.constant 0.168995842 : f32
        %add3A_845 = vector.broadcast %add3A_844 : f32 to vector<16xf32>
        %add3A_846 = arith.addf %mul3A_836, %add3A_845 : vector<16xf32>
        %add3A_847 = arith.constant 0.168995842 : f32
        %add3A_848 = vector.broadcast %add3A_847 : f32 to vector<16xf32>
        %add3A_849 = arith.addf %mul3A_837, %add3A_848 : vector<16xf32>
        %add3A_850 = arith.constant 0.168995842 : f32
        %add3A_851 = vector.broadcast %add3A_850 : f32 to vector<16xf32>
        %add3A_852 = arith.addf %mul3A_838, %add3A_851 : vector<16xf32>
        %add3A_853 = arith.constant 0.168995842 : f32
        %add3A_854 = vector.broadcast %add3A_853 : f32 to vector<16xf32>
        %add3A_855 = arith.addf %mul3A_839, %add3A_854 : vector<16xf32>
        %add3A_856 = arith.constant 0.168995842 : f32
        %add3A_857 = vector.broadcast %add3A_856 : f32 to vector<16xf32>
        %add3A_858 = arith.addf %mul3A_840, %add3A_857 : vector<16xf32>
        %add3A_859 = arith.constant 0.168995842 : f32
        %add3A_860 = vector.broadcast %add3A_859 : f32 to vector<16xf32>
        %add3A_861 = arith.addf %mul3A_841, %add3A_860 : vector<16xf32>
        %add3A_862 = arith.constant 0.168995842 : f32
        %add3A_863 = vector.broadcast %add3A_862 : f32 to vector<16xf32>
        %add3A_864 = arith.addf %mul3A_842, %add3A_863 : vector<16xf32>
        %add3A_865 = arith.constant 0.168995842 : f32
        %add3A_866 = vector.broadcast %add3A_865 : f32 to vector<16xf32>
        %add3A_867 = arith.addf %mul3A_843, %add3A_866 : vector<16xf32>
        %mul3A_868 = arith.mulf %add3A_846, %sub3A_791 : vector<16xf32>
        %mul3A_869 = arith.mulf %add3A_849, %sub3A_795 : vector<16xf32>
        %mul3A_870 = arith.mulf %add3A_852, %sub3A_799 : vector<16xf32>
        %mul3A_871 = arith.mulf %add3A_855, %sub3A_803 : vector<16xf32>
        %mul3A_872 = arith.mulf %add3A_858, %sub3A_807 : vector<16xf32>
        %mul3A_873 = arith.mulf %add3A_861, %sub3A_811 : vector<16xf32>
        %mul3A_874 = arith.mulf %add3A_864, %sub3A_815 : vector<16xf32>
        %mul3A_875 = arith.mulf %add3A_867, %sub3A_819 : vector<16xf32>
        %add3A_876 = arith.constant 0.499960244 : f32
        %add3A_877 = vector.broadcast %add3A_876 : f32 to vector<16xf32>
        %add3A_878 = arith.addf %mul3A_868, %add3A_877 : vector<16xf32>
        %add3A_879 = arith.constant 0.499960244 : f32
        %add3A_880 = vector.broadcast %add3A_879 : f32 to vector<16xf32>
        %add3A_881 = arith.addf %mul3A_869, %add3A_880 : vector<16xf32>
        %add3A_882 = arith.constant 0.499960244 : f32
        %add3A_883 = vector.broadcast %add3A_882 : f32 to vector<16xf32>
        %add3A_884 = arith.addf %mul3A_870, %add3A_883 : vector<16xf32>
        %add3A_885 = arith.constant 0.499960244 : f32
        %add3A_886 = vector.broadcast %add3A_885 : f32 to vector<16xf32>
        %add3A_887 = arith.addf %mul3A_871, %add3A_886 : vector<16xf32>
        %add3A_888 = arith.constant 0.499960244 : f32
        %add3A_889 = vector.broadcast %add3A_888 : f32 to vector<16xf32>
        %add3A_890 = arith.addf %mul3A_872, %add3A_889 : vector<16xf32>
        %add3A_891 = arith.constant 0.499960244 : f32
        %add3A_892 = vector.broadcast %add3A_891 : f32 to vector<16xf32>
        %add3A_893 = arith.addf %mul3A_873, %add3A_892 : vector<16xf32>
        %add3A_894 = arith.constant 0.499960244 : f32
        %add3A_895 = vector.broadcast %add3A_894 : f32 to vector<16xf32>
        %add3A_896 = arith.addf %mul3A_874, %add3A_895 : vector<16xf32>
        %add3A_897 = arith.constant 0.499960244 : f32
        %add3A_898 = vector.broadcast %add3A_897 : f32 to vector<16xf32>
        %add3A_899 = arith.addf %mul3A_875, %add3A_898 : vector<16xf32>
        %mul3A_900 = arith.mulf %add3A_878, %sub3A_791 : vector<16xf32>
        %mul3A_901 = arith.mulf %add3A_881, %sub3A_795 : vector<16xf32>
        %mul3A_902 = arith.mulf %add3A_884, %sub3A_799 : vector<16xf32>
        %mul3A_903 = arith.mulf %add3A_887, %sub3A_803 : vector<16xf32>
        %mul3A_904 = arith.mulf %add3A_890, %sub3A_807 : vector<16xf32>
        %mul3A_905 = arith.mulf %add3A_893, %sub3A_811 : vector<16xf32>
        %mul3A_906 = arith.mulf %add3A_896, %sub3A_815 : vector<16xf32>
        %mul3A_907 = arith.mulf %add3A_899, %sub3A_819 : vector<16xf32>
        %add3A_908 = arith.constant 0.999874949 : f32
        %add3A_909 = vector.broadcast %add3A_908 : f32 to vector<16xf32>
        %add3A_910 = arith.addf %mul3A_900, %add3A_909 : vector<16xf32>
        %add3A_911 = arith.constant 0.999874949 : f32
        %add3A_912 = vector.broadcast %add3A_911 : f32 to vector<16xf32>
        %add3A_913 = arith.addf %mul3A_901, %add3A_912 : vector<16xf32>
        %add3A_914 = arith.constant 0.999874949 : f32
        %add3A_915 = vector.broadcast %add3A_914 : f32 to vector<16xf32>
        %add3A_916 = arith.addf %mul3A_902, %add3A_915 : vector<16xf32>
        %add3A_917 = arith.constant 0.999874949 : f32
        %add3A_918 = vector.broadcast %add3A_917 : f32 to vector<16xf32>
        %add3A_919 = arith.addf %mul3A_903, %add3A_918 : vector<16xf32>
        %add3A_920 = arith.constant 0.999874949 : f32
        %add3A_921 = vector.broadcast %add3A_920 : f32 to vector<16xf32>
        %add3A_922 = arith.addf %mul3A_904, %add3A_921 : vector<16xf32>
        %add3A_923 = arith.constant 0.999874949 : f32
        %add3A_924 = vector.broadcast %add3A_923 : f32 to vector<16xf32>
        %add3A_925 = arith.addf %mul3A_905, %add3A_924 : vector<16xf32>
        %add3A_926 = arith.constant 0.999874949 : f32
        %add3A_927 = vector.broadcast %add3A_926 : f32 to vector<16xf32>
        %add3A_928 = arith.addf %mul3A_906, %add3A_927 : vector<16xf32>
        %add3A_929 = arith.constant 0.999874949 : f32
        %add3A_930 = vector.broadcast %add3A_929 : f32 to vector<16xf32>
        %add3A_931 = arith.addf %mul3A_907, %add3A_930 : vector<16xf32>
        %mul3A_932 = arith.mulf %add3A_910, %sub3A_791 : vector<16xf32>
        %mul3A_933 = arith.mulf %add3A_913, %sub3A_795 : vector<16xf32>
        %mul3A_934 = arith.mulf %add3A_916, %sub3A_799 : vector<16xf32>
        %mul3A_935 = arith.mulf %add3A_919, %sub3A_803 : vector<16xf32>
        %mul3A_936 = arith.mulf %add3A_922, %sub3A_807 : vector<16xf32>
        %mul3A_937 = arith.mulf %add3A_925, %sub3A_811 : vector<16xf32>
        %mul3A_938 = arith.mulf %add3A_928, %sub3A_815 : vector<16xf32>
        %mul3A_939 = arith.mulf %add3A_931, %sub3A_819 : vector<16xf32>
        %add3A_940 = arith.constant 1.00000048 : f32
        %add3A_941 = vector.broadcast %add3A_940 : f32 to vector<16xf32>
        %add3A_942 = arith.addf %mul3A_932, %add3A_941 : vector<16xf32>
        %add3A_943 = arith.constant 1.00000048 : f32
        %add3A_944 = vector.broadcast %add3A_943 : f32 to vector<16xf32>
        %add3A_945 = arith.addf %mul3A_933, %add3A_944 : vector<16xf32>
        %add3A_946 = arith.constant 1.00000048 : f32
        %add3A_947 = vector.broadcast %add3A_946 : f32 to vector<16xf32>
        %add3A_948 = arith.addf %mul3A_934, %add3A_947 : vector<16xf32>
        %add3A_949 = arith.constant 1.00000048 : f32
        %add3A_950 = vector.broadcast %add3A_949 : f32 to vector<16xf32>
        %add3A_951 = arith.addf %mul3A_935, %add3A_950 : vector<16xf32>
        %add3A_952 = arith.constant 1.00000048 : f32
        %add3A_953 = vector.broadcast %add3A_952 : f32 to vector<16xf32>
        %add3A_954 = arith.addf %mul3A_936, %add3A_953 : vector<16xf32>
        %add3A_955 = arith.constant 1.00000048 : f32
        %add3A_956 = vector.broadcast %add3A_955 : f32 to vector<16xf32>
        %add3A_957 = arith.addf %mul3A_937, %add3A_956 : vector<16xf32>
        %add3A_958 = arith.constant 1.00000048 : f32
        %add3A_959 = vector.broadcast %add3A_958 : f32 to vector<16xf32>
        %add3A_960 = arith.addf %mul3A_938, %add3A_959 : vector<16xf32>
        %add3A_961 = arith.constant 1.00000048 : f32
        %add3A_962 = vector.broadcast %add3A_961 : f32 to vector<16xf32>
        %add3A_963 = arith.addf %mul3A_939, %add3A_962 : vector<16xf32>
        %broadcast_in_dim3A_964 = arith.constant -0.00131979794 : f32
        %broadcast_in_dim3A_965 = vector.broadcast %broadcast_in_dim3A_964 : f32 to vector<16xf32>
        %broadcast_in_dim3A_966 = arith.constant -0.00131979794 : f32
        %broadcast_in_dim3A_967 = vector.broadcast %broadcast_in_dim3A_966 : f32 to vector<16xf32>
        %broadcast_in_dim3A_968 = arith.constant -0.00131979794 : f32
        %broadcast_in_dim3A_969 = vector.broadcast %broadcast_in_dim3A_968 : f32 to vector<16xf32>
        %broadcast_in_dim3A_970 = arith.constant -0.00131979794 : f32
        %broadcast_in_dim3A_971 = vector.broadcast %broadcast_in_dim3A_970 : f32 to vector<16xf32>
        %broadcast_in_dim3A_972 = arith.constant -0.00131979794 : f32
        %broadcast_in_dim3A_973 = vector.broadcast %broadcast_in_dim3A_972 : f32 to vector<16xf32>
        %broadcast_in_dim3A_974 = arith.constant -0.00131979794 : f32
        %broadcast_in_dim3A_975 = vector.broadcast %broadcast_in_dim3A_974 : f32 to vector<16xf32>
        %broadcast_in_dim3A_976 = arith.constant -0.00131979794 : f32
        %broadcast_in_dim3A_977 = vector.broadcast %broadcast_in_dim3A_976 : f32 to vector<16xf32>
        %broadcast_in_dim3A_978 = arith.constant -0.00131979794 : f32
        %broadcast_in_dim3A_979 = vector.broadcast %broadcast_in_dim3A_978 : f32 to vector<16xf32>
        %mul3A_980 = arith.mulf %broadcast_in_dim3A_965, %sub3A_791 : vector<16xf32>
        %mul3A_981 = arith.mulf %broadcast_in_dim3A_967, %sub3A_795 : vector<16xf32>
        %mul3A_982 = arith.mulf %broadcast_in_dim3A_969, %sub3A_799 : vector<16xf32>
        %mul3A_983 = arith.mulf %broadcast_in_dim3A_971, %sub3A_803 : vector<16xf32>
        %mul3A_984 = arith.mulf %broadcast_in_dim3A_973, %sub3A_807 : vector<16xf32>
        %mul3A_985 = arith.mulf %broadcast_in_dim3A_975, %sub3A_811 : vector<16xf32>
        %mul3A_986 = arith.mulf %broadcast_in_dim3A_977, %sub3A_815 : vector<16xf32>
        %mul3A_987 = arith.mulf %broadcast_in_dim3A_979, %sub3A_819 : vector<16xf32>
        %add3A_988 = arith.constant 0.0133686373 : f32
        %add3A_989 = vector.broadcast %add3A_988 : f32 to vector<16xf32>
        %add3A_990 = arith.addf %mul3A_980, %add3A_989 : vector<16xf32>
        %add3A_991 = arith.constant 0.0133686373 : f32
        %add3A_992 = vector.broadcast %add3A_991 : f32 to vector<16xf32>
        %add3A_993 = arith.addf %mul3A_981, %add3A_992 : vector<16xf32>
        %add3A_994 = arith.constant 0.0133686373 : f32
        %add3A_995 = vector.broadcast %add3A_994 : f32 to vector<16xf32>
        %add3A_996 = arith.addf %mul3A_982, %add3A_995 : vector<16xf32>
        %add3A_997 = arith.constant 0.0133686373 : f32
        %add3A_998 = vector.broadcast %add3A_997 : f32 to vector<16xf32>
        %add3A_999 = arith.addf %mul3A_983, %add3A_998 : vector<16xf32>
        %add3A_1000 = arith.constant 0.0133686373 : f32
        %add3A_1001 = vector.broadcast %add3A_1000 : f32 to vector<16xf32>
        %add3A_1002 = arith.addf %mul3A_984, %add3A_1001 : vector<16xf32>
        %add3A_1003 = arith.constant 0.0133686373 : f32
        %add3A_1004 = vector.broadcast %add3A_1003 : f32 to vector<16xf32>
        %add3A_1005 = arith.addf %mul3A_985, %add3A_1004 : vector<16xf32>
        %add3A_1006 = arith.constant 0.0133686373 : f32
        %add3A_1007 = vector.broadcast %add3A_1006 : f32 to vector<16xf32>
        %add3A_1008 = arith.addf %mul3A_986, %add3A_1007 : vector<16xf32>
        %add3A_1009 = arith.constant 0.0133686373 : f32
        %add3A_1010 = vector.broadcast %add3A_1009 : f32 to vector<16xf32>
        %add3A_1011 = arith.addf %mul3A_987, %add3A_1010 : vector<16xf32>
        %mul3A_1012 = arith.mulf %add3A_990, %sub3A_791 : vector<16xf32>
        %mul3A_1013 = arith.mulf %add3A_993, %sub3A_795 : vector<16xf32>
        %mul3A_1014 = arith.mulf %add3A_996, %sub3A_799 : vector<16xf32>
        %mul3A_1015 = arith.mulf %add3A_999, %sub3A_803 : vector<16xf32>
        %mul3A_1016 = arith.mulf %add3A_1002, %sub3A_807 : vector<16xf32>
        %mul3A_1017 = arith.mulf %add3A_1005, %sub3A_811 : vector<16xf32>
        %mul3A_1018 = arith.mulf %add3A_1008, %sub3A_815 : vector<16xf32>
        %mul3A_1019 = arith.mulf %add3A_1011, %sub3A_819 : vector<16xf32>
        %add3A_1020 = arith.constant -0.0333661549 : f32
        %add3A_1021 = vector.broadcast %add3A_1020 : f32 to vector<16xf32>
        %add3A_1022 = arith.addf %mul3A_1012, %add3A_1021 : vector<16xf32>
        %add3A_1023 = arith.constant -0.0333661549 : f32
        %add3A_1024 = vector.broadcast %add3A_1023 : f32 to vector<16xf32>
        %add3A_1025 = arith.addf %mul3A_1013, %add3A_1024 : vector<16xf32>
        %add3A_1026 = arith.constant -0.0333661549 : f32
        %add3A_1027 = vector.broadcast %add3A_1026 : f32 to vector<16xf32>
        %add3A_1028 = arith.addf %mul3A_1014, %add3A_1027 : vector<16xf32>
        %add3A_1029 = arith.constant -0.0333661549 : f32
        %add3A_1030 = vector.broadcast %add3A_1029 : f32 to vector<16xf32>
        %add3A_1031 = arith.addf %mul3A_1015, %add3A_1030 : vector<16xf32>
        %add3A_1032 = arith.constant -0.0333661549 : f32
        %add3A_1033 = vector.broadcast %add3A_1032 : f32 to vector<16xf32>
        %add3A_1034 = arith.addf %mul3A_1016, %add3A_1033 : vector<16xf32>
        %add3A_1035 = arith.constant -0.0333661549 : f32
        %add3A_1036 = vector.broadcast %add3A_1035 : f32 to vector<16xf32>
        %add3A_1037 = arith.addf %mul3A_1017, %add3A_1036 : vector<16xf32>
        %add3A_1038 = arith.constant -0.0333661549 : f32
        %add3A_1039 = vector.broadcast %add3A_1038 : f32 to vector<16xf32>
        %add3A_1040 = arith.addf %mul3A_1018, %add3A_1039 : vector<16xf32>
        %add3A_1041 = arith.constant -0.0333661549 : f32
        %add3A_1042 = vector.broadcast %add3A_1041 : f32 to vector<16xf32>
        %add3A_1043 = arith.addf %mul3A_1019, %add3A_1042 : vector<16xf32>
        %mul3A_1044 = arith.mulf %add3A_1022, %sub3A_791 : vector<16xf32>
        %mul3A_1045 = arith.mulf %add3A_1025, %sub3A_795 : vector<16xf32>
        %mul3A_1046 = arith.mulf %add3A_1028, %sub3A_799 : vector<16xf32>
        %mul3A_1047 = arith.mulf %add3A_1031, %sub3A_803 : vector<16xf32>
        %mul3A_1048 = arith.mulf %add3A_1034, %sub3A_807 : vector<16xf32>
        %mul3A_1049 = arith.mulf %add3A_1037, %sub3A_811 : vector<16xf32>
        %mul3A_1050 = arith.mulf %add3A_1040, %sub3A_815 : vector<16xf32>
        %mul3A_1051 = arith.mulf %add3A_1043, %sub3A_819 : vector<16xf32>
        %add3A_1052 = arith.constant 0.0444794782 : f32
        %add3A_1053 = vector.broadcast %add3A_1052 : f32 to vector<16xf32>
        %add3A_1054 = arith.addf %mul3A_1044, %add3A_1053 : vector<16xf32>
        %add3A_1055 = arith.constant 0.0444794782 : f32
        %add3A_1056 = vector.broadcast %add3A_1055 : f32 to vector<16xf32>
        %add3A_1057 = arith.addf %mul3A_1045, %add3A_1056 : vector<16xf32>
        %add3A_1058 = arith.constant 0.0444794782 : f32
        %add3A_1059 = vector.broadcast %add3A_1058 : f32 to vector<16xf32>
        %add3A_1060 = arith.addf %mul3A_1046, %add3A_1059 : vector<16xf32>
        %add3A_1061 = arith.constant 0.0444794782 : f32
        %add3A_1062 = vector.broadcast %add3A_1061 : f32 to vector<16xf32>
        %add3A_1063 = arith.addf %mul3A_1047, %add3A_1062 : vector<16xf32>
        %add3A_1064 = arith.constant 0.0444794782 : f32
        %add3A_1065 = vector.broadcast %add3A_1064 : f32 to vector<16xf32>
        %add3A_1066 = arith.addf %mul3A_1048, %add3A_1065 : vector<16xf32>
        %add3A_1067 = arith.constant 0.0444794782 : f32
        %add3A_1068 = vector.broadcast %add3A_1067 : f32 to vector<16xf32>
        %add3A_1069 = arith.addf %mul3A_1049, %add3A_1068 : vector<16xf32>
        %add3A_1070 = arith.constant 0.0444794782 : f32
        %add3A_1071 = vector.broadcast %add3A_1070 : f32 to vector<16xf32>
        %add3A_1072 = arith.addf %mul3A_1050, %add3A_1071 : vector<16xf32>
        %add3A_1073 = arith.constant 0.0444794782 : f32
        %add3A_1074 = vector.broadcast %add3A_1073 : f32 to vector<16xf32>
        %add3A_1075 = arith.addf %mul3A_1051, %add3A_1074 : vector<16xf32>
        %mul3A_1076 = arith.mulf %add3A_1054, %sub3A_791 : vector<16xf32>
        %mul3A_1077 = arith.mulf %add3A_1057, %sub3A_795 : vector<16xf32>
        %mul3A_1078 = arith.mulf %add3A_1060, %sub3A_799 : vector<16xf32>
        %mul3A_1079 = arith.mulf %add3A_1063, %sub3A_803 : vector<16xf32>
        %mul3A_1080 = arith.mulf %add3A_1066, %sub3A_807 : vector<16xf32>
        %mul3A_1081 = arith.mulf %add3A_1069, %sub3A_811 : vector<16xf32>
        %mul3A_1082 = arith.mulf %add3A_1072, %sub3A_815 : vector<16xf32>
        %mul3A_1083 = arith.mulf %add3A_1075, %sub3A_819 : vector<16xf32>
        %add3A_1084 = arith.constant -0.0333259031 : f32
        %add3A_1085 = vector.broadcast %add3A_1084 : f32 to vector<16xf32>
        %add3A_1086 = arith.addf %mul3A_1076, %add3A_1085 : vector<16xf32>
        %add3A_1087 = arith.constant -0.0333259031 : f32
        %add3A_1088 = vector.broadcast %add3A_1087 : f32 to vector<16xf32>
        %add3A_1089 = arith.addf %mul3A_1077, %add3A_1088 : vector<16xf32>
        %add3A_1090 = arith.constant -0.0333259031 : f32
        %add3A_1091 = vector.broadcast %add3A_1090 : f32 to vector<16xf32>
        %add3A_1092 = arith.addf %mul3A_1078, %add3A_1091 : vector<16xf32>
        %add3A_1093 = arith.constant -0.0333259031 : f32
        %add3A_1094 = vector.broadcast %add3A_1093 : f32 to vector<16xf32>
        %add3A_1095 = arith.addf %mul3A_1079, %add3A_1094 : vector<16xf32>
        %add3A_1096 = arith.constant -0.0333259031 : f32
        %add3A_1097 = vector.broadcast %add3A_1096 : f32 to vector<16xf32>
        %add3A_1098 = arith.addf %mul3A_1080, %add3A_1097 : vector<16xf32>
        %add3A_1099 = arith.constant -0.0333259031 : f32
        %add3A_1100 = vector.broadcast %add3A_1099 : f32 to vector<16xf32>
        %add3A_1101 = arith.addf %mul3A_1081, %add3A_1100 : vector<16xf32>
        %add3A_1102 = arith.constant -0.0333259031 : f32
        %add3A_1103 = vector.broadcast %add3A_1102 : f32 to vector<16xf32>
        %add3A_1104 = arith.addf %mul3A_1082, %add3A_1103 : vector<16xf32>
        %add3A_1105 = arith.constant -0.0333259031 : f32
        %add3A_1106 = vector.broadcast %add3A_1105 : f32 to vector<16xf32>
        %add3A_1107 = arith.addf %mul3A_1083, %add3A_1106 : vector<16xf32>
        %mul3A_1108 = arith.mulf %add3A_1086, %sub3A_791 : vector<16xf32>
        %mul3A_1109 = arith.mulf %add3A_1089, %sub3A_795 : vector<16xf32>
        %mul3A_1110 = arith.mulf %add3A_1092, %sub3A_799 : vector<16xf32>
        %mul3A_1111 = arith.mulf %add3A_1095, %sub3A_803 : vector<16xf32>
        %mul3A_1112 = arith.mulf %add3A_1098, %sub3A_807 : vector<16xf32>
        %mul3A_1113 = arith.mulf %add3A_1101, %sub3A_811 : vector<16xf32>
        %mul3A_1114 = arith.mulf %add3A_1104, %sub3A_815 : vector<16xf32>
        %mul3A_1115 = arith.mulf %add3A_1107, %sub3A_819 : vector<16xf32>
        %add3A_1116 = arith.constant 0.0111084767 : f32
        %add3A_1117 = vector.broadcast %add3A_1116 : f32 to vector<16xf32>
        %add3A_1118 = arith.addf %mul3A_1108, %add3A_1117 : vector<16xf32>
        %add3A_1119 = arith.constant 0.0111084767 : f32
        %add3A_1120 = vector.broadcast %add3A_1119 : f32 to vector<16xf32>
        %add3A_1121 = arith.addf %mul3A_1109, %add3A_1120 : vector<16xf32>
        %add3A_1122 = arith.constant 0.0111084767 : f32
        %add3A_1123 = vector.broadcast %add3A_1122 : f32 to vector<16xf32>
        %add3A_1124 = arith.addf %mul3A_1110, %add3A_1123 : vector<16xf32>
        %add3A_1125 = arith.constant 0.0111084767 : f32
        %add3A_1126 = vector.broadcast %add3A_1125 : f32 to vector<16xf32>
        %add3A_1127 = arith.addf %mul3A_1111, %add3A_1126 : vector<16xf32>
        %add3A_1128 = arith.constant 0.0111084767 : f32
        %add3A_1129 = vector.broadcast %add3A_1128 : f32 to vector<16xf32>
        %add3A_1130 = arith.addf %mul3A_1112, %add3A_1129 : vector<16xf32>
        %add3A_1131 = arith.constant 0.0111084767 : f32
        %add3A_1132 = vector.broadcast %add3A_1131 : f32 to vector<16xf32>
        %add3A_1133 = arith.addf %mul3A_1113, %add3A_1132 : vector<16xf32>
        %add3A_1134 = arith.constant 0.0111084767 : f32
        %add3A_1135 = vector.broadcast %add3A_1134 : f32 to vector<16xf32>
        %add3A_1136 = arith.addf %mul3A_1114, %add3A_1135 : vector<16xf32>
        %add3A_1137 = arith.constant 0.0111084767 : f32
        %add3A_1138 = vector.broadcast %add3A_1137 : f32 to vector<16xf32>
        %add3A_1139 = arith.addf %mul3A_1115, %add3A_1138 : vector<16xf32>
        tpu.vector_store_idx %arg5[%convert_element_type3A, %iota3A], %add3A_1118 masked %and3A_506 {add = true} : memref<32x16xf32, #tpu.memory_space<vmem>>[vector<16xi32>, vector<16xi32>], vector<16xf32>, vector<16xi1>
        tpu.vector_store_idx %arg5[%convert_element_type3A_773, %iota3A], %add3A_1121 masked %and3A_510 {add = true} : memref<32x16xf32, #tpu.memory_space<vmem>>[vector<16xi32>, vector<16xi32>], vector<16xf32>, vector<16xi1>
        tpu.vector_store_idx %arg5[%convert_element_type3A_774, %iota3A], %add3A_1124 masked %and3A_514 {add = true} : memref<32x16xf32, #tpu.memory_space<vmem>>[vector<16xi32>, vector<16xi32>], vector<16xf32>, vector<16xi1>
        tpu.vector_store_idx %arg5[%convert_element_type3A_775, %iota3A], %add3A_1127 masked %and3A_518 {add = true} : memref<32x16xf32, #tpu.memory_space<vmem>>[vector<16xi32>, vector<16xi32>], vector<16xf32>, vector<16xi1>
        tpu.vector_store_idx %arg5[%convert_element_type3A_776, %iota3A], %add3A_1130 masked %and3A_522 {add = true} : memref<32x16xf32, #tpu.memory_space<vmem>>[vector<16xi32>, vector<16xi32>], vector<16xf32>, vector<16xi1>
        tpu.vector_store_idx %arg5[%convert_element_type3A_777, %iota3A], %add3A_1133 masked %and3A_526 {add = true} : memref<32x16xf32, #tpu.memory_space<vmem>>[vector<16xi32>, vector<16xi32>], vector<16xf32>, vector<16xi1>
        tpu.vector_store_idx %arg5[%convert_element_type3A_778, %iota3A], %add3A_1136 masked %and3A_530 {add = true} : memref<32x16xf32, #tpu.memory_space<vmem>>[vector<16xi32>, vector<16xi32>], vector<16xf32>, vector<16xi1>
        tpu.vector_store_idx %arg5[%convert_element_type3A_779, %iota3A], %add3A_1139 masked %and3A_534 {add = true} : memref<32x16xf32, #tpu.memory_space<vmem>>[vector<16xi32>, vector<16xi32>], vector<16xf32>, vector<16xi1>
        %mul3A_1140 = arith.mulf %add3A_1118, %add3A_942 : vector<16xf32>
        %mul3A_1141 = arith.mulf %add3A_1121, %add3A_945 : vector<16xf32>
        %mul3A_1142 = arith.mulf %add3A_1124, %add3A_948 : vector<16xf32>
        %mul3A_1143 = arith.mulf %add3A_1127, %add3A_951 : vector<16xf32>
        %mul3A_1144 = arith.mulf %add3A_1130, %add3A_954 : vector<16xf32>
        %mul3A_1145 = arith.mulf %add3A_1133, %add3A_957 : vector<16xf32>
        %mul3A_1146 = arith.mulf %add3A_1136, %add3A_960 : vector<16xf32>
        %mul3A_1147 = arith.mulf %add3A_1139, %add3A_963 : vector<16xf32>
        %mul3A_1148 = arith.constant 12.1824942 : f32
        %mul3A_1149 = vector.broadcast %mul3A_1148 : f32 to vector<16xf32>
        %mul3A_1150 = arith.mulf %mul3A_1140, %mul3A_1149 : vector<16xf32>
        %mul3A_1151 = arith.constant 12.1824942 : f32
        %mul3A_1152 = vector.broadcast %mul3A_1151 : f32 to vector<16xf32>
        %mul3A_1153 = arith.mulf %mul3A_1141, %mul3A_1152 : vector<16xf32>
        %mul3A_1154 = arith.constant 12.1824942 : f32
        %mul3A_1155 = vector.broadcast %mul3A_1154 : f32 to vector<16xf32>
        %mul3A_1156 = arith.mulf %mul3A_1142, %mul3A_1155 : vector<16xf32>
        %mul3A_1157 = arith.constant 12.1824942 : f32
        %mul3A_1158 = vector.broadcast %mul3A_1157 : f32 to vector<16xf32>
        %mul3A_1159 = arith.mulf %mul3A_1143, %mul3A_1158 : vector<16xf32>
        %mul3A_1160 = arith.constant 12.1824942 : f32
        %mul3A_1161 = vector.broadcast %mul3A_1160 : f32 to vector<16xf32>
        %mul3A_1162 = arith.mulf %mul3A_1144, %mul3A_1161 : vector<16xf32>
        %mul3A_1163 = arith.constant 12.1824942 : f32
        %mul3A_1164 = vector.broadcast %mul3A_1163 : f32 to vector<16xf32>
        %mul3A_1165 = arith.mulf %mul3A_1145, %mul3A_1164 : vector<16xf32>
        %mul3A_1166 = arith.constant 12.1824942 : f32
        %mul3A_1167 = vector.broadcast %mul3A_1166 : f32 to vector<16xf32>
        %mul3A_1168 = arith.mulf %mul3A_1146, %mul3A_1167 : vector<16xf32>
        %mul3A_1169 = arith.constant 12.1824942 : f32
        %mul3A_1170 = vector.broadcast %mul3A_1169 : f32 to vector<16xf32>
        %mul3A_1171 = arith.mulf %mul3A_1147, %mul3A_1170 : vector<16xf32>
        %add3A_1172 = arith.constant 1 : i32
        %add3A_1173 = vector.broadcast %add3A_1172 : i32 to vector<16xi32>
        %add3A_1174 = arith.addi %convert_element_type3A, %add3A_1173 : vector<16xi32>
        tpu.vector_store_idx %arg5[%add3A_1174, %iota3A], %mul3A_1150 masked %and3A_506 {add = true} : memref<32x16xf32, #tpu.memory_space<vmem>>[vector<16xi32>, vector<16xi32>], vector<16xf32>, vector<16xi1>
        %add3A_1175 = arith.constant 1 : i32
        %add3A_1176 = vector.broadcast %add3A_1175 : i32 to vector<16xi32>
        %add3A_1177 = arith.addi %convert_element_type3A_773, %add3A_1176 : vector<16xi32>
        tpu.vector_store_idx %arg5[%add3A_1177, %iota3A], %mul3A_1153 masked %and3A_510 {add = true} : memref<32x16xf32, #tpu.memory_space<vmem>>[vector<16xi32>, vector<16xi32>], vector<16xf32>, vector<16xi1>
        %add3A_1178 = arith.constant 1 : i32
        %add3A_1179 = vector.broadcast %add3A_1178 : i32 to vector<16xi32>
        %add3A_1180 = arith.addi %convert_element_type3A_774, %add3A_1179 : vector<16xi32>
        tpu.vector_store_idx %arg5[%add3A_1180, %iota3A], %mul3A_1156 masked %and3A_514 {add = true} : memref<32x16xf32, #tpu.memory_space<vmem>>[vector<16xi32>, vector<16xi32>], vector<16xf32>, vector<16xi1>
        %add3A_1181 = arith.constant 1 : i32
        %add3A_1182 = vector.broadcast %add3A_1181 : i32 to vector<16xi32>
        %add3A_1183 = arith.addi %convert_element_type3A_775, %add3A_1182 : vector<16xi32>
        tpu.vector_store_idx %arg5[%add3A_1183, %iota3A], %mul3A_1159 masked %and3A_518 {add = true} : memref<32x16xf32, #tpu.memory_space<vmem>>[vector<16xi32>, vector<16xi32>], vector<16xf32>, vector<16xi1>
        %add3A_1184 = arith.constant 1 : i32
        %add3A_1185 = vector.broadcast %add3A_1184 : i32 to vector<16xi32>
        %add3A_1186 = arith.addi %convert_element_type3A_776, %add3A_1185 : vector<16xi32>
        tpu.vector_store_idx %arg5[%add3A_1186, %iota3A], %mul3A_1162 masked %and3A_522 {add = true} : memref<32x16xf32, #tpu.memory_space<vmem>>[vector<16xi32>, vector<16xi32>], vector<16xf32>, vector<16xi1>
        %add3A_1187 = arith.constant 1 : i32
        %add3A_1188 = vector.broadcast %add3A_1187 : i32 to vector<16xi32>
        %add3A_1189 = arith.addi %convert_element_type3A_777, %add3A_1188 : vector<16xi32>
        tpu.vector_store_idx %arg5[%add3A_1189, %iota3A], %mul3A_1165 masked %and3A_526 {add = true} : memref<32x16xf32, #tpu.memory_space<vmem>>[vector<16xi32>, vector<16xi32>], vector<16xf32>, vector<16xi1>
        %add3A_1190 = arith.constant 1 : i32
        %add3A_1191 = vector.broadcast %add3A_1190 : i32 to vector<16xi32>
        %add3A_1192 = arith.addi %convert_element_type3A_778, %add3A_1191 : vector<16xi32>
        tpu.vector_store_idx %arg5[%add3A_1192, %iota3A], %mul3A_1168 masked %and3A_530 {add = true} : memref<32x16xf32, #tpu.memory_space<vmem>>[vector<16xi32>, vector<16xi32>], vector<16xf32>, vector<16xi1>
        %add3A_1193 = arith.constant 1 : i32
        %add3A_1194 = vector.broadcast %add3A_1193 : i32 to vector<16xi32>
        %add3A_1195 = arith.addi %convert_element_type3A_779, %add3A_1194 : vector<16xi32>
        tpu.vector_store_idx %arg5[%add3A_1195, %iota3A], %mul3A_1171 masked %and3A_534 {add = true} : memref<32x16xf32, #tpu.memory_space<vmem>>[vector<16xi32>, vector<16xi32>], vector<16xf32>, vector<16xi1>
        %mul3A_1196 = arith.mulf %mul3A_1150, %add3A_942 : vector<16xf32>
        %mul3A_1197 = arith.mulf %mul3A_1153, %add3A_945 : vector<16xf32>
        %mul3A_1198 = arith.mulf %mul3A_1156, %add3A_948 : vector<16xf32>
        %mul3A_1199 = arith.mulf %mul3A_1159, %add3A_951 : vector<16xf32>
        %mul3A_1200 = arith.mulf %mul3A_1162, %add3A_954 : vector<16xf32>
        %mul3A_1201 = arith.mulf %mul3A_1165, %add3A_957 : vector<16xf32>
        %mul3A_1202 = arith.mulf %mul3A_1168, %add3A_960 : vector<16xf32>
        %mul3A_1203 = arith.mulf %mul3A_1171, %add3A_963 : vector<16xf32>
        %mul3A_1204 = arith.constant 4.48168898 : f32
        %mul3A_1205 = vector.broadcast %mul3A_1204 : f32 to vector<16xf32>
        %mul3A_1206 = arith.mulf %mul3A_1196, %mul3A_1205 : vector<16xf32>
        %mul3A_1207 = arith.constant 4.48168898 : f32
        %mul3A_1208 = vector.broadcast %mul3A_1207 : f32 to vector<16xf32>
        %mul3A_1209 = arith.mulf %mul3A_1197, %mul3A_1208 : vector<16xf32>
        %mul3A_1210 = arith.constant 4.48168898 : f32
        %mul3A_1211 = vector.broadcast %mul3A_1210 : f32 to vector<16xf32>
        %mul3A_1212 = arith.mulf %mul3A_1198, %mul3A_1211 : vector<16xf32>
        %mul3A_1213 = arith.constant 4.48168898 : f32
        %mul3A_1214 = vector.broadcast %mul3A_1213 : f32 to vector<16xf32>
        %mul3A_1215 = arith.mulf %mul3A_1199, %mul3A_1214 : vector<16xf32>
        %mul3A_1216 = arith.constant 4.48168898 : f32
        %mul3A_1217 = vector.broadcast %mul3A_1216 : f32 to vector<16xf32>
        %mul3A_1218 = arith.mulf %mul3A_1200, %mul3A_1217 : vector<16xf32>
        %mul3A_1219 = arith.constant 4.48168898 : f32
        %mul3A_1220 = vector.broadcast %mul3A_1219 : f32 to vector<16xf32>
        %mul3A_1221 = arith.mulf %mul3A_1201, %mul3A_1220 : vector<16xf32>
        %mul3A_1222 = arith.constant 4.48168898 : f32
        %mul3A_1223 = vector.broadcast %mul3A_1222 : f32 to vector<16xf32>
        %mul3A_1224 = arith.mulf %mul3A_1202, %mul3A_1223 : vector<16xf32>
        %mul3A_1225 = arith.constant 4.48168898 : f32
        %mul3A_1226 = vector.broadcast %mul3A_1225 : f32 to vector<16xf32>
        %mul3A_1227 = arith.mulf %mul3A_1203, %mul3A_1226 : vector<16xf32>
        %add3A_1228 = arith.constant 2 : i32
        %add3A_1229 = vector.broadcast %add3A_1228 : i32 to vector<16xi32>
        %add3A_1230 = arith.addi %convert_element_type3A, %add3A_1229 : vector<16xi32>
        tpu.vector_store_idx %arg5[%add3A_1230, %iota3A], %mul3A_1206 masked %and3A_506 {add = true} : memref<32x16xf32, #tpu.memory_space<vmem>>[vector<16xi32>, vector<16xi32>], vector<16xf32>, vector<16xi1>
        %add3A_1231 = arith.constant 2 : i32
        %add3A_1232 = vector.broadcast %add3A_1231 : i32 to vector<16xi32>
        %add3A_1233 = arith.addi %convert_element_type3A_773, %add3A_1232 : vector<16xi32>
        tpu.vector_store_idx %arg5[%add3A_1233, %iota3A], %mul3A_1209 masked %and3A_510 {add = true} : memref<32x16xf32, #tpu.memory_space<vmem>>[vector<16xi32>, vector<16xi32>], vector<16xf32>, vector<16xi1>
        %add3A_1234 = arith.constant 2 : i32
        %add3A_1235 = vector.broadcast %add3A_1234 : i32 to vector<16xi32>
        %add3A_1236 = arith.addi %convert_element_type3A_774, %add3A_1235 : vector<16xi32>
        tpu.vector_store_idx %arg5[%add3A_1236, %iota3A], %mul3A_1212 masked %and3A_514 {add = true} : memref<32x16xf32, #tpu.memory_space<vmem>>[vector<16xi32>, vector<16xi32>], vector<16xf32>, vector<16xi1>
        %add3A_1237 = arith.constant 2 : i32
        %add3A_1238 = vector.broadcast %add3A_1237 : i32 to vector<16xi32>
        %add3A_1239 = arith.addi %convert_element_type3A_775, %add3A_1238 : vector<16xi32>
        tpu.vector_store_idx %arg5[%add3A_1239, %iota3A], %mul3A_1215 masked %and3A_518 {add = true} : memref<32x16xf32, #tpu.memory_space<vmem>>[vector<16xi32>, vector<16xi32>], vector<16xf32>, vector<16xi1>
        %add3A_1240 = arith.constant 2 : i32
        %add3A_1241 = vector.broadcast %add3A_1240 : i32 to vector<16xi32>
        %add3A_1242 = arith.addi %convert_element_type3A_776, %add3A_1241 : vector<16xi32>
        tpu.vector_store_idx %arg5[%add3A_1242, %iota3A], %mul3A_1218 masked %and3A_522 {add = true} : memref<32x16xf32, #tpu.memory_space<vmem>>[vector<16xi32>, vector<16xi32>], vector<16xf32>, vector<16xi1>
        %add3A_1243 = arith.constant 2 : i32
        %add3A_1244 = vector.broadcast %add3A_1243 : i32 to vector<16xi32>
        %add3A_1245 = arith.addi %convert_element_type3A_777, %add3A_1244 : vector<16xi32>
        tpu.vector_store_idx %arg5[%add3A_1245, %iota3A], %mul3A_1221 masked %and3A_526 {add = true} : memref<32x16xf32, #tpu.memory_space<vmem>>[vector<16xi32>, vector<16xi32>], vector<16xf32>, vector<16xi1>
        %add3A_1246 = arith.constant 2 : i32
        %add3A_1247 = vector.broadcast %add3A_1246 : i32 to vector<16xi32>
        %add3A_1248 = arith.addi %convert_element_type3A_778, %add3A_1247 : vector<16xi32>
        tpu.vector_store_idx %arg5[%add3A_1248, %iota3A], %mul3A_1224 masked %and3A_530 {add = true} : memref<32x16xf32, #tpu.memory_space<vmem>>[vector<16xi32>, vector<16xi32>], vector<16xf32>, vector<16xi1>
        %add3A_1249 = arith.constant 2 : i32
        %add3A_1250 = vector.broadcast %add3A_1249 : i32 to vector<16xi32>
        %add3A_1251 = arith.addi %convert_element_type3A_779, %add3A_1250 : vector<16xi32>
        tpu.vector_store_idx %arg5[%add3A_1251, %iota3A], %mul3A_1227 masked %and3A_534 {add = true} : memref<32x16xf32, #tpu.memory_space<vmem>>[vector<16xi32>, vector<16xi32>], vector<16xf32>, vector<16xi1>
        %mul3A_1252 = arith.mulf %mul3A_1206, %add3A_942 : vector<16xf32>
        %mul3A_1253 = arith.mulf %mul3A_1209, %add3A_945 : vector<16xf32>
        %mul3A_1254 = arith.mulf %mul3A_1212, %add3A_948 : vector<16xf32>
        %mul3A_1255 = arith.mulf %mul3A_1215, %add3A_951 : vector<16xf32>
        %mul3A_1256 = arith.mulf %mul3A_1218, %add3A_954 : vector<16xf32>
        %mul3A_1257 = arith.mulf %mul3A_1221, %add3A_957 : vector<16xf32>
        %mul3A_1258 = arith.mulf %mul3A_1224, %add3A_960 : vector<16xf32>
        %mul3A_1259 = arith.mulf %mul3A_1227, %add3A_963 : vector<16xf32>
        %mul3A_1260 = arith.constant 1.64872122 : f32
        %mul3A_1261 = vector.broadcast %mul3A_1260 : f32 to vector<16xf32>
        %mul3A_1262 = arith.mulf %mul3A_1252, %mul3A_1261 : vector<16xf32>
        %mul3A_1263 = arith.constant 1.64872122 : f32
        %mul3A_1264 = vector.broadcast %mul3A_1263 : f32 to vector<16xf32>
        %mul3A_1265 = arith.mulf %mul3A_1253, %mul3A_1264 : vector<16xf32>
        %mul3A_1266 = arith.constant 1.64872122 : f32
        %mul3A_1267 = vector.broadcast %mul3A_1266 : f32 to vector<16xf32>
        %mul3A_1268 = arith.mulf %mul3A_1254, %mul3A_1267 : vector<16xf32>
        %mul3A_1269 = arith.constant 1.64872122 : f32
        %mul3A_1270 = vector.broadcast %mul3A_1269 : f32 to vector<16xf32>
        %mul3A_1271 = arith.mulf %mul3A_1255, %mul3A_1270 : vector<16xf32>
        %mul3A_1272 = arith.constant 1.64872122 : f32
        %mul3A_1273 = vector.broadcast %mul3A_1272 : f32 to vector<16xf32>
        %mul3A_1274 = arith.mulf %mul3A_1256, %mul3A_1273 : vector<16xf32>
        %mul3A_1275 = arith.constant 1.64872122 : f32
        %mul3A_1276 = vector.broadcast %mul3A_1275 : f32 to vector<16xf32>
        %mul3A_1277 = arith.mulf %mul3A_1257, %mul3A_1276 : vector<16xf32>
        %mul3A_1278 = arith.constant 1.64872122 : f32
        %mul3A_1279 = vector.broadcast %mul3A_1278 : f32 to vector<16xf32>
        %mul3A_1280 = arith.mulf %mul3A_1258, %mul3A_1279 : vector<16xf32>
        %mul3A_1281 = arith.constant 1.64872122 : f32
        %mul3A_1282 = vector.broadcast %mul3A_1281 : f32 to vector<16xf32>
        %mul3A_1283 = arith.mulf %mul3A_1259, %mul3A_1282 : vector<16xf32>
        %add3A_1284 = arith.constant 3 : i32
        %add3A_1285 = vector.broadcast %add3A_1284 : i32 to vector<16xi32>
        %add3A_1286 = arith.addi %convert_element_type3A, %add3A_1285 : vector<16xi32>
        tpu.vector_store_idx %arg5[%add3A_1286, %iota3A], %mul3A_1262 masked %and3A_506 {add = true} : memref<32x16xf32, #tpu.memory_space<vmem>>[vector<16xi32>, vector<16xi32>], vector<16xf32>, vector<16xi1>
        %add3A_1287 = arith.constant 3 : i32
        %add3A_1288 = vector.broadcast %add3A_1287 : i32 to vector<16xi32>
        %add3A_1289 = arith.addi %convert_element_type3A_773, %add3A_1288 : vector<16xi32>
        tpu.vector_store_idx %arg5[%add3A_1289, %iota3A], %mul3A_1265 masked %and3A_510 {add = true} : memref<32x16xf32, #tpu.memory_space<vmem>>[vector<16xi32>, vector<16xi32>], vector<16xf32>, vector<16xi1>
        %add3A_1290 = arith.constant 3 : i32
        %add3A_1291 = vector.broadcast %add3A_1290 : i32 to vector<16xi32>
        %add3A_1292 = arith.addi %convert_element_type3A_774, %add3A_1291 : vector<16xi32>
        tpu.vector_store_idx %arg5[%add3A_1292, %iota3A], %mul3A_1268 masked %and3A_514 {add = true} : memref<32x16xf32, #tpu.memory_space<vmem>>[vector<16xi32>, vector<16xi32>], vector<16xf32>, vector<16xi1>
        %add3A_1293 = arith.constant 3 : i32
        %add3A_1294 = vector.broadcast %add3A_1293 : i32 to vector<16xi32>
        %add3A_1295 = arith.addi %convert_element_type3A_775, %add3A_1294 : vector<16xi32>
        tpu.vector_store_idx %arg5[%add3A_1295, %iota3A], %mul3A_1271 masked %and3A_518 {add = true} : memref<32x16xf32, #tpu.memory_space<vmem>>[vector<16xi32>, vector<16xi32>], vector<16xf32>, vector<16xi1>
        %add3A_1296 = arith.constant 3 : i32
        %add3A_1297 = vector.broadcast %add3A_1296 : i32 to vector<16xi32>
        %add3A_1298 = arith.addi %convert_element_type3A_776, %add3A_1297 : vector<16xi32>
        tpu.vector_store_idx %arg5[%add3A_1298, %iota3A], %mul3A_1274 masked %and3A_522 {add = true} : memref<32x16xf32, #tpu.memory_space<vmem>>[vector<16xi32>, vector<16xi32>], vector<16xf32>, vector<16xi1>
        %add3A_1299 = arith.constant 3 : i32
        %add3A_1300 = vector.broadcast %add3A_1299 : i32 to vector<16xi32>
        %add3A_1301 = arith.addi %convert_element_type3A_777, %add3A_1300 : vector<16xi32>
        tpu.vector_store_idx %arg5[%add3A_1301, %iota3A], %mul3A_1277 masked %and3A_526 {add = true} : memref<32x16xf32, #tpu.memory_space<vmem>>[vector<16xi32>, vector<16xi32>], vector<16xf32>, vector<16xi1>
        %add3A_1302 = arith.constant 3 : i32
        %add3A_1303 = vector.broadcast %add3A_1302 : i32 to vector<16xi32>
        %add3A_1304 = arith.addi %convert_element_type3A_778, %add3A_1303 : vector<16xi32>
        tpu.vector_store_idx %arg5[%add3A_1304, %iota3A], %mul3A_1280 masked %and3A_530 {add = true} : memref<32x16xf32, #tpu.memory_space<vmem>>[vector<16xi32>, vector<16xi32>], vector<16xf32>, vector<16xi1>
        %add3A_1305 = arith.constant 3 : i32
        %add3A_1306 = vector.broadcast %add3A_1305 : i32 to vector<16xi32>
        %add3A_1307 = arith.addi %convert_element_type3A_779, %add3A_1306 : vector<16xi32>
        tpu.vector_store_idx %arg5[%add3A_1307, %iota3A], %mul3A_1283 masked %and3A_534 {add = true} : memref<32x16xf32, #tpu.memory_space<vmem>>[vector<16xi32>, vector<16xi32>], vector<16xf32>, vector<16xi1>
        %mul3A_1308 = arith.mulf %mul3A_1262, %add3A_942 : vector<16xf32>
        %mul3A_1309 = arith.mulf %mul3A_1265, %add3A_945 : vector<16xf32>
        %mul3A_1310 = arith.mulf %mul3A_1268, %add3A_948 : vector<16xf32>
        %mul3A_1311 = arith.mulf %mul3A_1271, %add3A_951 : vector<16xf32>
        %mul3A_1312 = arith.mulf %mul3A_1274, %add3A_954 : vector<16xf32>
        %mul3A_1313 = arith.mulf %mul3A_1277, %add3A_957 : vector<16xf32>
        %mul3A_1314 = arith.mulf %mul3A_1280, %add3A_960 : vector<16xf32>
        %mul3A_1315 = arith.mulf %mul3A_1283, %add3A_963 : vector<16xf32>
        %mul3A_1316 = arith.constant 0.606530666 : f32
        %mul3A_1317 = vector.broadcast %mul3A_1316 : f32 to vector<16xf32>
        %mul3A_1318 = arith.mulf %mul3A_1308, %mul3A_1317 : vector<16xf32>
        %mul3A_1319 = arith.constant 0.606530666 : f32
        %mul3A_1320 = vector.broadcast %mul3A_1319 : f32 to vector<16xf32>
        %mul3A_1321 = arith.mulf %mul3A_1309, %mul3A_1320 : vector<16xf32>
        %mul3A_1322 = arith.constant 0.606530666 : f32
        %mul3A_1323 = vector.broadcast %mul3A_1322 : f32 to vector<16xf32>
        %mul3A_1324 = arith.mulf %mul3A_1310, %mul3A_1323 : vector<16xf32>
        %mul3A_1325 = arith.constant 0.606530666 : f32
        %mul3A_1326 = vector.broadcast %mul3A_1325 : f32 to vector<16xf32>
        %mul3A_1327 = arith.mulf %mul3A_1311, %mul3A_1326 : vector<16xf32>
        %mul3A_1328 = arith.constant 0.606530666 : f32
        %mul3A_1329 = vector.broadcast %mul3A_1328 : f32 to vector<16xf32>
        %mul3A_1330 = arith.mulf %mul3A_1312, %mul3A_1329 : vector<16xf32>
        %mul3A_1331 = arith.constant 0.606530666 : f32
        %mul3A_1332 = vector.broadcast %mul3A_1331 : f32 to vector<16xf32>
        %mul3A_1333 = arith.mulf %mul3A_1313, %mul3A_1332 : vector<16xf32>
        %mul3A_1334 = arith.constant 0.606530666 : f32
        %mul3A_1335 = vector.broadcast %mul3A_1334 : f32 to vector<16xf32>
        %mul3A_1336 = arith.mulf %mul3A_1314, %mul3A_1335 : vector<16xf32>
        %mul3A_1337 = arith.constant 0.606530666 : f32
        %mul3A_1338 = vector.broadcast %mul3A_1337 : f32 to vector<16xf32>
        %mul3A_1339 = arith.mulf %mul3A_1315, %mul3A_1338 : vector<16xf32>
        %add3A_1340 = arith.constant 4 : i32
        %add3A_1341 = vector.broadcast %add3A_1340 : i32 to vector<16xi32>
        %add3A_1342 = arith.addi %convert_element_type3A, %add3A_1341 : vector<16xi32>
        tpu.vector_store_idx %arg5[%add3A_1342, %iota3A], %mul3A_1318 masked %and3A_506 {add = true} : memref<32x16xf32, #tpu.memory_space<vmem>>[vector<16xi32>, vector<16xi32>], vector<16xf32>, vector<16xi1>
        %add3A_1343 = arith.constant 4 : i32
        %add3A_1344 = vector.broadcast %add3A_1343 : i32 to vector<16xi32>
        %add3A_1345 = arith.addi %convert_element_type3A_773, %add3A_1344 : vector<16xi32>
        tpu.vector_store_idx %arg5[%add3A_1345, %iota3A], %mul3A_1321 masked %and3A_510 {add = true} : memref<32x16xf32, #tpu.memory_space<vmem>>[vector<16xi32>, vector<16xi32>], vector<16xf32>, vector<16xi1>
        %add3A_1346 = arith.constant 4 : i32
        %add3A_1347 = vector.broadcast %add3A_1346 : i32 to vector<16xi32>
        %add3A_1348 = arith.addi %convert_element_type3A_774, %add3A_1347 : vector<16xi32>
        tpu.vector_store_idx %arg5[%add3A_1348, %iota3A], %mul3A_1324 masked %and3A_514 {add = true} : memref<32x16xf32, #tpu.memory_space<vmem>>[vector<16xi32>, vector<16xi32>], vector<16xf32>, vector<16xi1>
        %add3A_1349 = arith.constant 4 : i32
        %add3A_1350 = vector.broadcast %add3A_1349 : i32 to vector<16xi32>
        %add3A_1351 = arith.addi %convert_element_type3A_775, %add3A_1350 : vector<16xi32>
        tpu.vector_store_idx %arg5[%add3A_1351, %iota3A], %mul3A_1327 masked %and3A_518 {add = true} : memref<32x16xf32, #tpu.memory_space<vmem>>[vector<16xi32>, vector<16xi32>], vector<16xf32>, vector<16xi1>
        %add3A_1352 = arith.constant 4 : i32
        %add3A_1353 = vector.broadcast %add3A_1352 : i32 to vector<16xi32>
        %add3A_1354 = arith.addi %convert_element_type3A_776, %add3A_1353 : vector<16xi32>
        tpu.vector_store_idx %arg5[%add3A_1354, %iota3A], %mul3A_1330 masked %and3A_522 {add = true} : memref<32x16xf32, #tpu.memory_space<vmem>>[vector<16xi32>, vector<16xi32>], vector<16xf32>, vector<16xi1>
        %add3A_1355 = arith.constant 4 : i32
        %add3A_1356 = vector.broadcast %add3A_1355 : i32 to vector<16xi32>
        %add3A_1357 = arith.addi %convert_element_type3A_777, %add3A_1356 : vector<16xi32>
        tpu.vector_store_idx %arg5[%add3A_1357, %iota3A], %mul3A_1333 masked %and3A_526 {add = true} : memref<32x16xf32, #tpu.memory_space<vmem>>[vector<16xi32>, vector<16xi32>], vector<16xf32>, vector<16xi1>
        %add3A_1358 = arith.constant 4 : i32
        %add3A_1359 = vector.broadcast %add3A_1358 : i32 to vector<16xi32>
        %add3A_1360 = arith.addi %convert_element_type3A_778, %add3A_1359 : vector<16xi32>
        tpu.vector_store_idx %arg5[%add3A_1360, %iota3A], %mul3A_1336 masked %and3A_530 {add = true} : memref<32x16xf32, #tpu.memory_space<vmem>>[vector<16xi32>, vector<16xi32>], vector<16xf32>, vector<16xi1>
        %add3A_1361 = arith.constant 4 : i32
        %add3A_1362 = vector.broadcast %add3A_1361 : i32 to vector<16xi32>
        %add3A_1363 = arith.addi %convert_element_type3A_779, %add3A_1362 : vector<16xi32>
        tpu.vector_store_idx %arg5[%add3A_1363, %iota3A], %mul3A_1339 masked %and3A_534 {add = true} : memref<32x16xf32, #tpu.memory_space<vmem>>[vector<16xi32>, vector<16xi32>], vector<16xf32>, vector<16xi1>
        %mul3A_1364 = arith.mulf %mul3A_1318, %add3A_942 : vector<16xf32>
        %mul3A_1365 = arith.mulf %mul3A_1321, %add3A_945 : vector<16xf32>
        %mul3A_1366 = arith.mulf %mul3A_1324, %add3A_948 : vector<16xf32>
        %mul3A_1367 = arith.mulf %mul3A_1327, %add3A_951 : vector<16xf32>
        %mul3A_1368 = arith.mulf %mul3A_1330, %add3A_954 : vector<16xf32>
        %mul3A_1369 = arith.mulf %mul3A_1333, %add3A_957 : vector<16xf32>
        %mul3A_1370 = arith.mulf %mul3A_1336, %add3A_960 : vector<16xf32>
        %mul3A_1371 = arith.mulf %mul3A_1339, %add3A_963 : vector<16xf32>
        %mul3A_1372 = arith.constant 0.223130167 : f32
        %mul3A_1373 = vector.broadcast %mul3A_1372 : f32 to vector<16xf32>
        %mul3A_1374 = arith.mulf %mul3A_1364, %mul3A_1373 : vector<16xf32>
        %mul3A_1375 = arith.constant 0.223130167 : f32
        %mul3A_1376 = vector.broadcast %mul3A_1375 : f32 to vector<16xf32>
        %mul3A_1377 = arith.mulf %mul3A_1365, %mul3A_1376 : vector<16xf32>
        %mul3A_1378 = arith.constant 0.223130167 : f32
        %mul3A_1379 = vector.broadcast %mul3A_1378 : f32 to vector<16xf32>
        %mul3A_1380 = arith.mulf %mul3A_1366, %mul3A_1379 : vector<16xf32>
        %mul3A_1381 = arith.constant 0.223130167 : f32
        %mul3A_1382 = vector.broadcast %mul3A_1381 : f32 to vector<16xf32>
        %mul3A_1383 = arith.mulf %mul3A_1367, %mul3A_1382 : vector<16xf32>
        %mul3A_1384 = arith.constant 0.223130167 : f32
        %mul3A_1385 = vector.broadcast %mul3A_1384 : f32 to vector<16xf32>
        %mul3A_1386 = arith.mulf %mul3A_1368, %mul3A_1385 : vector<16xf32>
        %mul3A_1387 = arith.constant 0.223130167 : f32
        %mul3A_1388 = vector.broadcast %mul3A_1387 : f32 to vector<16xf32>
        %mul3A_1389 = arith.mulf %mul3A_1369, %mul3A_1388 : vector<16xf32>
        %mul3A_1390 = arith.constant 0.223130167 : f32
        %mul3A_1391 = vector.broadcast %mul3A_1390 : f32 to vector<16xf32>
        %mul3A_1392 = arith.mulf %mul3A_1370, %mul3A_1391 : vector<16xf32>
        %mul3A_1393 = arith.constant 0.223130167 : f32
        %mul3A_1394 = vector.broadcast %mul3A_1393 : f32 to vector<16xf32>
        %mul3A_1395 = arith.mulf %mul3A_1371, %mul3A_1394 : vector<16xf32>
        %add3A_1396 = arith.constant 5 : i32
        %add3A_1397 = vector.broadcast %add3A_1396 : i32 to vector<16xi32>
        %add3A_1398 = arith.addi %convert_element_type3A, %add3A_1397 : vector<16xi32>
        tpu.vector_store_idx %arg5[%add3A_1398, %iota3A], %mul3A_1374 masked %and3A_506 {add = true} : memref<32x16xf32, #tpu.memory_space<vmem>>[vector<16xi32>, vector<16xi32>], vector<16xf32>, vector<16xi1>
        %add3A_1399 = arith.constant 5 : i32
        %add3A_1400 = vector.broadcast %add3A_1399 : i32 to vector<16xi32>
        %add3A_1401 = arith.addi %convert_element_type3A_773, %add3A_1400 : vector<16xi32>
        tpu.vector_store_idx %arg5[%add3A_1401, %iota3A], %mul3A_1377 masked %and3A_510 {add = true} : memref<32x16xf32, #tpu.memory_space<vmem>>[vector<16xi32>, vector<16xi32>], vector<16xf32>, vector<16xi1>
        %add3A_1402 = arith.constant 5 : i32
        %add3A_1403 = vector.broadcast %add3A_1402 : i32 to vector<16xi32>
        %add3A_1404 = arith.addi %convert_element_type3A_774, %add3A_1403 : vector<16xi32>
        tpu.vector_store_idx %arg5[%add3A_1404, %iota3A], %mul3A_1380 masked %and3A_514 {add = true} : memref<32x16xf32, #tpu.memory_space<vmem>>[vector<16xi32>, vector<16xi32>], vector<16xf32>, vector<16xi1>
        %add3A_1405 = arith.constant 5 : i32
        %add3A_1406 = vector.broadcast %add3A_1405 : i32 to vector<16xi32>
        %add3A_1407 = arith.addi %convert_element_type3A_775, %add3A_1406 : vector<16xi32>
        tpu.vector_store_idx %arg5[%add3A_1407, %iota3A], %mul3A_1383 masked %and3A_518 {add = true} : memref<32x16xf32, #tpu.memory_space<vmem>>[vector<16xi32>, vector<16xi32>], vector<16xf32>, vector<16xi1>
        %add3A_1408 = arith.constant 5 : i32
        %add3A_1409 = vector.broadcast %add3A_1408 : i32 to vector<16xi32>
        %add3A_1410 = arith.addi %convert_element_type3A_776, %add3A_1409 : vector<16xi32>
        tpu.vector_store_idx %arg5[%add3A_1410, %iota3A], %mul3A_1386 masked %and3A_522 {add = true} : memref<32x16xf32, #tpu.memory_space<vmem>>[vector<16xi32>, vector<16xi32>], vector<16xf32>, vector<16xi1>
        %add3A_1411 = arith.constant 5 : i32
        %add3A_1412 = vector.broadcast %add3A_1411 : i32 to vector<16xi32>
        %add3A_1413 = arith.addi %convert_element_type3A_777, %add3A_1412 : vector<16xi32>
        tpu.vector_store_idx %arg5[%add3A_1413, %iota3A], %mul3A_1389 masked %and3A_526 {add = true} : memref<32x16xf32, #tpu.memory_space<vmem>>[vector<16xi32>, vector<16xi32>], vector<16xf32>, vector<16xi1>
        %add3A_1414 = arith.constant 5 : i32
        %add3A_1415 = vector.broadcast %add3A_1414 : i32 to vector<16xi32>
        %add3A_1416 = arith.addi %convert_element_type3A_778, %add3A_1415 : vector<16xi32>
        tpu.vector_store_idx %arg5[%add3A_1416, %iota3A], %mul3A_1392 masked %and3A_530 {add = true} : memref<32x16xf32, #tpu.memory_space<vmem>>[vector<16xi32>, vector<16xi32>], vector<16xf32>, vector<16xi1>
        %add3A_1417 = arith.constant 5 : i32
        %add3A_1418 = vector.broadcast %add3A_1417 : i32 to vector<16xi32>
        %add3A_1419 = arith.addi %convert_element_type3A_779, %add3A_1418 : vector<16xi32>
        tpu.vector_store_idx %arg5[%add3A_1419, %iota3A], %mul3A_1395 masked %and3A_534 {add = true} : memref<32x16xf32, #tpu.memory_space<vmem>>[vector<16xi32>, vector<16xi32>], vector<16xf32>, vector<16xi1>
        %mul3A_1420 = arith.mulf %mul3A_1374, %add3A_942 : vector<16xf32>
        %mul3A_1421 = arith.mulf %mul3A_1377, %add3A_945 : vector<16xf32>
        %mul3A_1422 = arith.mulf %mul3A_1380, %add3A_948 : vector<16xf32>
        %mul3A_1423 = arith.mulf %mul3A_1383, %add3A_951 : vector<16xf32>
        %mul3A_1424 = arith.mulf %mul3A_1386, %add3A_954 : vector<16xf32>
        %mul3A_1425 = arith.mulf %mul3A_1389, %add3A_957 : vector<16xf32>
        %mul3A_1426 = arith.mulf %mul3A_1392, %add3A_960 : vector<16xf32>
        %mul3A_1427 = arith.mulf %mul3A_1395, %add3A_963 : vector<16xf32>
        %mul3A_1428 = arith.constant 8.208500e-02 : f32
        %mul3A_1429 = vector.broadcast %mul3A_1428 : f32 to vector<16xf32>
        %mul3A_1430 = arith.mulf %mul3A_1420, %mul3A_1429 : vector<16xf32>
        %mul3A_1431 = arith.constant 8.208500e-02 : f32
        %mul3A_1432 = vector.broadcast %mul3A_1431 : f32 to vector<16xf32>
        %mul3A_1433 = arith.mulf %mul3A_1421, %mul3A_1432 : vector<16xf32>
        %mul3A_1434 = arith.constant 8.208500e-02 : f32
        %mul3A_1435 = vector.broadcast %mul3A_1434 : f32 to vector<16xf32>
        %mul3A_1436 = arith.mulf %mul3A_1422, %mul3A_1435 : vector<16xf32>
        %mul3A_1437 = arith.constant 8.208500e-02 : f32
        %mul3A_1438 = vector.broadcast %mul3A_1437 : f32 to vector<16xf32>
        %mul3A_1439 = arith.mulf %mul3A_1423, %mul3A_1438 : vector<16xf32>
        %mul3A_1440 = arith.constant 8.208500e-02 : f32
        %mul3A_1441 = vector.broadcast %mul3A_1440 : f32 to vector<16xf32>
        %mul3A_1442 = arith.mulf %mul3A_1424, %mul3A_1441 : vector<16xf32>
        %mul3A_1443 = arith.constant 8.208500e-02 : f32
        %mul3A_1444 = vector.broadcast %mul3A_1443 : f32 to vector<16xf32>
        %mul3A_1445 = arith.mulf %mul3A_1425, %mul3A_1444 : vector<16xf32>
        %mul3A_1446 = arith.constant 8.208500e-02 : f32
        %mul3A_1447 = vector.broadcast %mul3A_1446 : f32 to vector<16xf32>
        %mul3A_1448 = arith.mulf %mul3A_1426, %mul3A_1447 : vector<16xf32>
        %mul3A_1449 = arith.constant 8.208500e-02 : f32
        %mul3A_1450 = vector.broadcast %mul3A_1449 : f32 to vector<16xf32>
        %mul3A_1451 = arith.mulf %mul3A_1427, %mul3A_1450 : vector<16xf32>
        %add3A_1452 = arith.constant 6 : i32
        %add3A_1453 = vector.broadcast %add3A_1452 : i32 to vector<16xi32>
        %add3A_1454 = arith.addi %convert_element_type3A, %add3A_1453 : vector<16xi32>
        tpu.vector_store_idx %arg5[%add3A_1454, %iota3A], %mul3A_1430 masked %and3A_506 {add = true} : memref<32x16xf32, #tpu.memory_space<vmem>>[vector<16xi32>, vector<16xi32>], vector<16xf32>, vector<16xi1>
        %add3A_1455 = arith.constant 6 : i32
        %add3A_1456 = vector.broadcast %add3A_1455 : i32 to vector<16xi32>
        %add3A_1457 = arith.addi %convert_element_type3A_773, %add3A_1456 : vector<16xi32>
        tpu.vector_store_idx %arg5[%add3A_1457, %iota3A], %mul3A_1433 masked %and3A_510 {add = true} : memref<32x16xf32, #tpu.memory_space<vmem>>[vector<16xi32>, vector<16xi32>], vector<16xf32>, vector<16xi1>
        %add3A_1458 = arith.constant 6 : i32
        %add3A_1459 = vector.broadcast %add3A_1458 : i32 to vector<16xi32>
        %add3A_1460 = arith.addi %convert_element_type3A_774, %add3A_1459 : vector<16xi32>
        tpu.vector_store_idx %arg5[%add3A_1460, %iota3A], %mul3A_1436 masked %and3A_514 {add = true} : memref<32x16xf32, #tpu.memory_space<vmem>>[vector<16xi32>, vector<16xi32>], vector<16xf32>, vector<16xi1>
        %add3A_1461 = arith.constant 6 : i32
        %add3A_1462 = vector.broadcast %add3A_1461 : i32 to vector<16xi32>
        %add3A_1463 = arith.addi %convert_element_type3A_775, %add3A_1462 : vector<16xi32>
        tpu.vector_store_idx %arg5[%add3A_1463, %iota3A], %mul3A_1439 masked %and3A_518 {add = true} : memref<32x16xf32, #tpu.memory_space<vmem>>[vector<16xi32>, vector<16xi32>], vector<16xf32>, vector<16xi1>
        %add3A_1464 = arith.constant 6 : i32
        %add3A_1465 = vector.broadcast %add3A_1464 : i32 to vector<16xi32>
        %add3A_1466 = arith.addi %convert_element_type3A_776, %add3A_1465 : vector<16xi32>
        tpu.vector_store_idx %arg5[%add3A_1466, %iota3A], %mul3A_1442 masked %and3A_522 {add = true} : memref<32x16xf32, #tpu.memory_space<vmem>>[vector<16xi32>, vector<16xi32>], vector<16xf32>, vector<16xi1>
        %add3A_1467 = arith.constant 6 : i32
        %add3A_1468 = vector.broadcast %add3A_1467 : i32 to vector<16xi32>
        %add3A_1469 = arith.addi %convert_element_type3A_777, %add3A_1468 : vector<16xi32>
        tpu.vector_store_idx %arg5[%add3A_1469, %iota3A], %mul3A_1445 masked %and3A_526 {add = true} : memref<32x16xf32, #tpu.memory_space<vmem>>[vector<16xi32>, vector<16xi32>], vector<16xf32>, vector<16xi1>
        %add3A_1470 = arith.constant 6 : i32
        %add3A_1471 = vector.broadcast %add3A_1470 : i32 to vector<16xi32>
        %add3A_1472 = arith.addi %convert_element_type3A_778, %add3A_1471 : vector<16xi32>
        tpu.vector_store_idx %arg5[%add3A_1472, %iota3A], %mul3A_1448 masked %and3A_530 {add = true} : memref<32x16xf32, #tpu.memory_space<vmem>>[vector<16xi32>, vector<16xi32>], vector<16xf32>, vector<16xi1>
        %add3A_1473 = arith.constant 6 : i32
        %add3A_1474 = vector.broadcast %add3A_1473 : i32 to vector<16xi32>
        %add3A_1475 = arith.addi %convert_element_type3A_779, %add3A_1474 : vector<16xi32>
        tpu.vector_store_idx %arg5[%add3A_1475, %iota3A], %mul3A_1451 masked %and3A_534 {add = true} : memref<32x16xf32, #tpu.memory_space<vmem>>[vector<16xi32>, vector<16xi32>], vector<16xf32>, vector<16xi1>
        %while3A_1476 = arith.constant 0 : i32
        scf.yield %while3A_1476 : i32
      }
      %scan3A_279 = arith.constant 0 : i32
      scf.yield %scan3A_279 : i32
    }
    %scan3A_136 = arith.constant 16 : i32
    "tpu.region"() ({
      %run_scoped3A = tpu.sem_alloc : memref<!tpu.dma_semaphore, #tpu.memory_space<semaphore_mem>>
      %dma_start3A = arith.constant 0 : i32
      %dma_start3A_137 = arith.constant 0 : i32
      %dma_start3A_138 = tpu.memref_slice %arg3[%add3A, %dma_start3A, %dma_start3A_137] : memref<32x32x16xf32, #tpu.memory_space<hbm>> -> memref<1x32x16xf32, #tpu.memory_space<hbm>>
      %dma_start3A_139 = tpu.memref_squeeze %dma_start3A_138 : memref<1x32x16xf32, #tpu.memory_space<hbm>> -> memref<32x16xf32, #tpu.memory_space<hbm>>
      %dma_start3A_140 = arith.constant 0 : i32
      %dma_start3A_141 = arith.constant 0 : i32
      %dma_start3A_142 = tpu.memref_slice %arg3[%add3A, %dma_start3A_140, %dma_start3A_141] : memref<32x32x16xf32, #tpu.memory_space<hbm>> -> memref<1x32x16xf32, #tpu.memory_space<hbm>>
      %dma_start3A_143 = tpu.memref_squeeze %dma_start3A_142 : memref<1x32x16xf32, #tpu.memory_space<hbm>> -> memref<32x16xf32, #tpu.memory_space<hbm>>
      tpu.enqueue_dma source(%arg5 : memref<32x16xf32, #tpu.memory_space<vmem>>) target(%dma_start3A_143 : memref<32x16xf32, #tpu.memory_space<hbm>>) target_semaphore(%run_scoped3A : memref<!tpu.dma_semaphore, #tpu.memory_space<semaphore_mem>>)
      %dma_wait3A = arith.constant 0 : i32
      %dma_wait3A_144 = arith.constant 0 : i32
      %dma_wait3A_145 = tpu.memref_slice %arg3[%add3A, %dma_wait3A, %dma_wait3A_144] : memref<32x32x16xf32, #tpu.memory_space<hbm>> -> memref<1x32x16xf32, #tpu.memory_space<hbm>>
      %dma_wait3A_146 = tpu.memref_squeeze %dma_wait3A_145 : memref<1x32x16xf32, #tpu.memory_space<hbm>> -> memref<32x16xf32, #tpu.memory_space<hbm>>
      %dma_wait3A_147 = arith.constant 0 : i32
      %dma_wait3A_148 = arith.constant 0 : i32
      %dma_wait3A_149 = tpu.memref_slice %arg3[%add3A, %dma_wait3A_147, %dma_wait3A_148] : memref<32x32x16xf32, #tpu.memory_space<hbm>> -> memref<1x32x16xf32, #tpu.memory_space<hbm>>
      %dma_wait3A_150 = tpu.memref_squeeze %dma_wait3A_149 : memref<1x32x16xf32, #tpu.memory_space<hbm>> -> memref<32x16xf32, #tpu.memory_space<hbm>>
      tpu.wait_dma2 semaphore(%run_scoped3A : memref<!tpu.dma_semaphore, #tpu.memory_space<semaphore_mem>>) src(%arg5 : memref<32x16xf32, #tpu.memory_space<vmem>>) dst(%dma_wait3A_150 : memref<32x16xf32, #tpu.memory_space<hbm>>)
      tpu.yield
    }) : () -> ()
    return
  }
}

module attributes {stable_mosaic.version = 14 : i64} {
  func.func @_fin_body(%arg0: memref<32x32x16xf32, #tpu.memory_space<vmem>>, %arg1: memref<1x32xf32, #tpu.memory_space<vmem>>, %arg2: memref<1x32xf32, #tpu.memory_space<vmem>>) attributes {dimension_semantics = [], scalar_prefetch = 0 : i64, scratch_operands = 0 : i64, tpu.core_type = #tpu.core_type<tc>} {
    %get3A = arith.constant 0 : index
    %get3A_0 = arith.constant 0 : index
    %get3A_1 = arith.constant 0 : index
    %get3A_2 = vector.load %arg0[%get3A, %get3A_0, %get3A_1] : memref<32x32x16xf32, #tpu.memory_space<vmem>>, vector<32x32x16xf32>
    %reduce_sum3A = arith.constant dense<0.000000e+00> : vector<32xf32>
    %reduce_sum3A_3 = vector.multi_reduction <add>, %get3A_2, %reduce_sum3A [0, 2] : vector<32x32x16xf32> to vector<32xf32>
    %get3A_4 = arith.constant 0 : index
    %get3A_5 = arith.constant 0 : index
    %get3A_6 = vector.load %arg1[%get3A_4, %get3A_5] : memref<1x32xf32, #tpu.memory_space<vmem>>, vector<1x32xf32>
    %get3A_7 = vector.shape_cast %get3A_6 : vector<1x32xf32> to vector<32xf32>
    %mul3A = arith.mulf %reduce_sum3A_3, %get3A_7 : vector<32xf32>
    %swap3A = arith.constant 0 : index
    %swap3A_8 = arith.constant 0 : index
    %swap3A_9 = vector.load %arg2[%swap3A, %swap3A_8] : memref<1x32xf32, #tpu.memory_space<vmem>>, vector<1x32xf32>
    %swap3A_10 = vector.shape_cast %swap3A_9 : vector<1x32xf32> to vector<32xf32>
    %swap3A_11 = vector.shape_cast %mul3A : vector<32xf32> to vector<1x32xf32>
    tpu.vector_store %arg2[%swap3A, %swap3A_8], %swap3A_11 {strides = array<i32>} : memref<1x32xf32, #tpu.memory_space<vmem>>, vector<1x32xf32>,
    return
  }
}

</mosaic_0001>

<sc_bundles>
// kernel: kernel.4.cloned.1.call-start
scs
__scs_entry_jumppad:
0x0: {  	(pc) =	sbr.rel $0x88, $3  }
0x1: {  	(tag) =	ssettag $0x0;
	lr =	simm.s32 $0x1  }
0x2: {  	[smem:$0x3F9F] =	sst lr;
	_ =	strace $0xD0000000  }
0x3: {  	_ = 	snop  }
0x4: {  	_ = 	snop  }
0x5: {  	_ = 	snop  }
0x6: {  	_ = 	snop  }
0x7: {  	_ = 	snop  }
__scs_overlays_trampoline_lowered:
0x8: {  	[smem:$0x3FAE] =	sst s0  }
0x9: {  	[smem:$0x3FAF] =	sst s1  }
0xa: {  	[smem:$0x3FB0] =	sst s2  }
0xb: {  	[smem:$0x3FB1] =	sst s3  }
0xc: {  	[smem:$0x3FB2] =	sst s4  }
0xd: {  	[smem:$0x3FB3] =	sst s5  }
0xe: {  	[smem:$0x3FB4] =	sst s6  }
0xf: {  	[smem:$0x3FB5] =	sst s7  }
0x10: {  	[smem:$0x3FB6] =	sst s8  }
0x11: {  	[smem:$0x3FB7] =	sst s9;
	s0 =	simm.s32 @!p0 $0x0  }
0x12: {  	s1 =	sld [smem:$0x3F9D];
	s0 =	simm.s32 @p0 $0x1  }
0x13: {  	[smem:$0x3FB8] =	sst s0;
	s0 =	simm.s32 @!p1 $0x0  }
0x14: {  	s2 =	sld [smem:$0x3F9C];
	s0 =	simm.s32 @p1 $0x1  }
0x15: {  	[smem:$0x3FB9] =	sst s0;
	s0 =	simm.s32 @!p2 $0x0  }
0x16: {  	s3 =	sld [smem:$0x3FDB];
	s0 =	simm.s32 @p2 $0x1  }
0x17: {  	s4 =	simm.s32 $0x1BF5;
	[smem:$0x3FBB] =	sst s0  }
0x18: {  	s0 =	sld [smem:$0x3F9E];
	_ =	swait.ge [sflag:s4], $0x0  }
0x19: {  	s7 =	sld [smem:$0x3F9F]  }
0x1a: {  	s8 =	sadd.s32 $0xFFFFE003, lr  }
0x1b: {  	s9 =	sadd.s32 $0xFFFFFEF7, lr;
	s5 =	simm.s32 $0xFFFFFFFF;
	p2 =	slt.u32 s8, $0xFFFFF086  }
0x1c: {  	p1 =	slt.u32 s9, $0xF7A;
	s5 =	simm.s32 @!p2 $0x0  }
0x1d: {  	s5 =	simm.s32 @p1 $0x1;
	p0 =	seq.s32 s7, s2  }
0x1e: {  	s7 =	smul.u32 @!p0 $0xF7A, s2;
	p2 =	seq.s32 @!p0 s5, $0x0  }
0x1f: {  	s9 =	smul.u32 $0xF7A, s1;
	s8 =	simm.s32 @!p0 $0x1BF5;
	p2 =	por !p2, p0  }
0x20: {  	[sflag:s8] =	ssyncset.s32 @!p0 $0xFFFFF086;
	s6 =	sadd.s32 @!p0 s3, s7;
	s7 =	simm.s32 @!p0 $0x108  }
0x21: {  	s3 =	sadd.s32 s3, s9;
	s6 =	sadd.s32 @!p0 $0x88, s6;
	s7 =	simm.s32 @p2 $0x1082  }
0x22: {  	[simem:s7], [sflag:s8] =	dma.local @!p0 [hbm:s6], $0xF7A  }
0x23: {  	s9 =	sor.u32 $0xD0000000, s2;
	s6 =	simm.s32 $0x108;
	_ =	swait.ge @!p0 [sflag:s8], $0x0  }
0x24: {  	s3 =	sadd.s32 $0x88, s3;
	s6 =	simm.s32 @!p1 $0x1082;
	[sflag:s4] =	ssyncset.s32 $0xFFFFF086  }
0x25: {  	[simem:s6], [sflag:s4] =	dma.local [hbm:s3], $0xF7A  }
0x26: {  	[smem:$0x3F9F] =	sst s1;
	(tag) =	ssettag s2;
	_ =	strace s9  }
0x27: {  	s1 =	sld [smem:$0x3FAF]  }
0x28: {  	s2 =	sld [smem:$0x3FB0]  }
0x29: {  	s4 =	sld [smem:$0x3FB2]  }
0x2a: {  	p0 =	seq.s32 s5, $0x0;
	s5 =	sld [smem:$0x3FB3]  }
0x2b: {  	s6 =	sld [smem:$0x3FB4]  }
0x2c: {  	s7 =	sld [smem:$0x3FB5]  }
0x2d: {  	s3 =	simm.s32 $0x108;
	s8 =	sld [smem:$0x3FB6]  }
0x2e: {  	s3 =	simm.s32 @!p0 $0x1082;
	s9 =	sld [smem:$0x3FB7]  }
0x2f: {  	lr =	sadd.s32 s0, s3;
	s0 =	sld [smem:$0x3FAE]  }
0x30: {  	s3 =	sld [smem:$0x3FB1]  }
0x31: {  	[smem:$0x3FBA] =	sst s10  }
0x32: {  	s10 =	sld [smem:$0x3FB8];
	_ =	sdelay $0x3  }
0x33: {  	p0 =	seq.s32 s10, $0x1;
	s10 =	sld [smem:$0x3FBA];
	_ =	sdelay $0x3  }
0x34: {  	[smem:$0x3FBA] =	sst s10  }
0x35: {  	s10 =	sld [smem:$0x3FB9];
	_ =	sdelay $0x3  }
0x36: {  	p1 =	seq.s32 s10, $0x1;
	s10 =	sld [smem:$0x3FBA];
	_ =	sdelay $0x3  }
0x37: {  	[smem:$0x3FBA] =	sst s10  }
0x38: {  	s10 =	sld [smem:$0x3FBB]  }
0x39: {  	_ = 	snop;
	(pc) =	sbr.ind lr, $3  }
0x3a: {  	_ = 	snop  }
0x3b: {  	_ = 	snop  }
0x3c: {  	p2 =	seq.s32 s10, $0x1;
	s10 =	sld [smem:$0x3FBA]  }
0x3d: {  	_ =	shalt  }
0x3e: {  	_ =	shalt  }
0x3f: {  	_ =	shalt  }
0x40: {  	_ =	shalt  }
0x41: {  	_ =	shalt  }
0x42: {  	_ =	shalt  }
0x43: {  	_ =	shalt  }
0x44: {  	_ =	shalt  }
0x45: {  	_ =	shalt  }
0x46: {  	_ =	shalt  }
0x47: {  	_ =	shalt  }
0x48: {  	_ =	shalt  }
0x49: {  	_ =	shalt  }
0x4a: {  	_ =	shalt  }
0x4b: {  	_ =	shalt  }
0x4c: {  	_ =	shalt  }
0x4d: {  	_ =	shalt  }
0x4e: {  	_ =	shalt  }
0x4f: {  	_ =	shalt  }
0x50: {  	_ =	shalt  }
0x51: {  	_ =	shalt  }
0x52: {  	_ =	shalt  }
0x53: {  	_ =	shalt  }
0x54: {  	_ =	shalt  }
0x55: {  	_ =	shalt  }
0x56: {  	_ =	shalt  }
0x57: {  	_ =	shalt  }
0x58: {  	_ =	shalt  }
0x59: {  	_ =	shalt  }
0x5a: {  	_ =	shalt  }
0x5b: {  	_ =	shalt  }
0x5c: {  	_ =	shalt  }
0x5d: {  	_ =	shalt  }
0x5e: {  	_ =	shalt  }
0x5f: {  	_ =	shalt  }
0x60: {  	_ =	shalt  }
0x61: {  	_ =	shalt  }
0x62: {  	_ =	shalt  }
0x63: {  	_ =	shalt  }
0x64: {  	_ =	shalt  }
0x65: {  	_ =	shalt  }
0x66: {  	_ =	shalt  }
0x67: {  	_ =	shalt  }
0x68: {  	_ =	shalt  }
0x69: {  	_ =	shalt  }
0x6a: {  	_ =	shalt  }
0x6b: {  	_ =	shalt  }
0x6c: {  	_ =	shalt  }
0x6d: {  	_ =	shalt  }
0x6e: {  	_ =	shalt  }
0x6f: {  	_ =	shalt  }
0x70: {  	_ =	shalt  }
0x71: {  	_ =	shalt  }
0x72: {  	_ =	shalt  }
0x73: {  	_ =	shalt  }
0x74: {  	_ =	shalt  }
0x75: {  	_ =	shalt  }
0x76: {  	_ =	shalt  }
0x77: {  	_ =	shalt  }
0x78: {  	_ =	shalt  }
0x79: {  	_ =	shalt  }
0x7a: {  	_ =	shalt  }
0x7b: {  	_ =	shalt  }
0x7c: {  	_ =	shalt  }
0x7d: {  	_ =	shalt  }
0x7e: {  	_ =	shalt  }
0x7f: {  	_ =	shalt  }
0x80: {  	_ =	shalt  }
0x81: {  	_ =	shalt  }
0x82: {  	_ =	shalt  }
0x83: {  	_ =	shalt  }
0x84: {  	_ =	shalt  }
0x85: {  	_ =	shalt  }
0x86: {  	_ =	shalt  }
0x87: {  	_ =	shalt  }
.Lfunc_end0:
.L_simem_size_0:
called_computation_lowered:
.L_overlay_start_0:
0x88: {  	s2 =	sld [smem:$0x3FD9]  }
0x89: {  	s3 =	sld [smem:$0x3FFE];
	_ =	sdelay $0x1  }
0x8a: {  	s1 =	srdreg.scid  }
0x8b: {  	s0 =	sand.u32 $0x1, s1  }
0x8c: {  	s16 =	sshll.u32 s0, $0xA;
	s2 =	sadd.s32 s3, s2  }
0x8d: {  	s2 =	sadd.s32 s2, s16  }
0x8e: {  	[smem:$0x3FC6] =	sst s2  }
0x8f: {  	_ = 	snop  }
0x90: {  	(tm) =	ssettm $0x1  }
0x91: {  	s17 =	sld [smem:$0x3FFB];
	_ =	sdelay $0x3  }
0x92: {  	_ =	strace s17  }
0x93: {  	s2 =	sld [smem:$0x3FFC];
	_ =	sdelay $0x3  }
0x94: {  	_ =	strace s2  }
0x95: {  	s2 =	sld [smem:$0x3FFD];
	_ =	sdelay $0x3  }
0x96: {  	_ =	strace s2  }
0x97: {  	_ =	strace $0x8FFFFFFF  }
0x98: {  	s18 =	sld [smem:$0x3FDB];
	_ =	sdelay $0x1  }
0x99: {  	s19 =	simm.s32 $_scs_section_size  }
0x9a: {  	s4 =	simm.s32 $_size__tile_overlayer_lowered;
	s5 =	simm.s32 $_tile_overlayer_lowered  }
0x9b: {  	s22 =	simm.s32 $0x1BFF;
	s21 =	sshll.u32 s5, $0x1;
	s2 =	sadd.s32 s19, s18  }
0x9c: {  	s6 =	simm.s32 $0x0;
	s20 =	sshll.u32 s4, $0x1;
	s4 =	sadd.s32 s21, s2  }
0x9d: {  	[timem:s6], [sflag:s22] =	dma.local [hbm:s4], s20  }
0x9e: {  	_ =	swait.ge [sflag:s22], s20  }
0x9f: {  	s3 =	ssub.s32 $0x0, s20;
	[sflag:s22] =	ssyncset.done $0x0  }
0xa0: {  	[sflag:s22] =	ssyncadd.s32 s3;
	_ =	sdelay $0x1  }
0xa1: {  	s23 =	simm.s32 $0x1B8B  }
0xa2: {  	_ =	swait.ge [sflag:s23], $0x1  }
0xa3: {  	[sflag:s23] =	ssyncset.done $0x0  }
0xa4: {  	s25 =	simm.s32 $0x1B8E;
	s24 =	sld [smem:$0x3FFE];
	[sflag:s23] =	ssyncadd.s32 $0xFFFFFFFF  }
0xa5: {  	s26 =	simm.s32 $execute0_lowered;
	[smem:$0x3FD2] =	sst s25  }
0xa6: {  	s4 =	sshll.u32 s26, $0x1;
	_ =	strace $0x80000046;
	[dreg:$0x1] =	wrdreg $0xFFFFFFFF  }
0xa7: {  	s28 =	simm.s32 $_size_execute0_lowered;
	s2 =	sadd.s32 s2, s4;
	[dreg:$0x0] =	wrdreg $0x0  }
0xa8: {  	s4 =	sshll.u32 s28, $0x1;
	[dreg:$0x2] =	wrdreg s2  }
0xa9: {  	[dreg:$0x3] =	wrdreg s4  }
0xaa: {  	[dreg:$0x4] =	wrdreg $0xC0  }
0xab: {  	_ =	task [dreg:s6], $0x5FFFF  }
0xac: {  	[dreg:$0x1] =	wrdreg $0xFFFFFFFF  }
0xad: {  	[dreg:$0x0] =	wrdreg $0x60  }
0xae: {  	[dreg:$0x2] =	wrdreg s24  }
0xaf: {  	[dreg:$0x3] =	wrdreg $0x9  }
0xb0: {  	_ =	task.clear_ibuf [dreg:s6], $0x4FFFF;
	_ =	strace $0x90000046  }
0xb1: {  	s29 =	simm.s32 $0x9;
	_ =	strace $0x80000048  }
0xb2: {  	_ =	swait.ge [sflag:s29], $0x1  }
0xb3: {  	[sflag:s29] =	ssyncadd.s32 $0xFFFFFFFF  }
0xb4: {  	_ =	strace $0x90000048  }
0xb5: {  	_ =	sfence  }
0xb6: {  	s30 =	sld [smem:$0x0];
	_ =	sdelay $0x2  }
0xb7: {  	s31 =	sshll.u32 s1, $0xD;
	s1 =	sshrl.u32 s1, $0x2  }
0xb8: {  	s3 =	sand.u32 $0x4000, s31;
	s1 =	sadd.s32 s1, s30  }
0xb9: {  	s0 =	sor.u32 s3, s0;
	s1 =	sshll.u32 s1, $0x11  }
0xba: {  	s0 =	sor.u32 s1, s0  }
0xbb: {  	s0 =	sadd.s32 $0x8F2B, s0  }
0xbc: {  	[sflag:s0] =	ssyncadd.remote.s32 $0x1  }
0xbd: {  	_ =	sfence.sel $0xFFFF  }
0xbe: {  	[dreg:$0x0] =	wrdreg $0xFFFFFFFF;
	(pc) =	sbr.abs _section_cstart, $3  }
0xbf: {  	[dreg:$0x1] =	wrdreg $0xFFFFFFFF  }
0xc0: {  	_ =	task.clear_ibuf [dreg:s6], $0x2FFFF;
	_ =	strace $0x9FFFFFFF  }
0xc1: {  	(tm) =	ssettm $0x7FFFFFFF  }
tec
execute0_lowered:
.L_overlay_start_1:
0x0: {  	(tag) =	ssettag $0x1  }
0x1: {  	s5 =	rddreg [dreg:$0x0]  }
0x2: {  	s0 =	rddreg [dreg:$0x1];
	s2 =	simm.s32 $0x0;
	s3 =	srdreg.scid  }
0x3: {  	s1 =	stileid.u32;
	s10 =	simm.s32 $0x2000;
	s11 =	simm.s32 $0x0  }
0x4: {  	[smem:$0x7FF] =	sst s2;
	s6 =	sand.u32 $0x1, s3;
	s4 =	sshll.u32 s1, $0x1  }
.Ltmp0:
0x5: {  	s3 =	sadd.s32 $0xE00, s5;
	s4 =	sor.u32 s6, s4;
	(pc) =	sbr.rel .LBB2_1-.Ltmp0, $4  }
0x6: {  	v0 =	vlaneseq.u32;
	_ =	strace $0x80000047;
	s6 =	ssub.s32 $0x2, s6;
	s7 =	sshll.u32 s4, $0x9  }
0x7: {  	v1 =	vimm.f32 $0.0e+00;
	v2 =	vmul.u32 $0xFFFFFFFF, v0;
	s8 =	sshrl.u32 s6, $0x1;
	s9 =	sshll.u32 s4, $0x1;
	s7 =	sadd.s32 s7, s5  }
0x8: {  	v3 =	vor.u32 $0x80, v0;
	v4 =	vor.u32 $0x100, v0;
	v5 =	vor.u32 $0x180, v0;
	s8 =	ssub.s32 s6, s8;
	s5 =	sxor.u32 $0x3F, s9;
	s9 =	simm.s32 $0x1  }
0x9: {  	v6 =	vor.u32 $0x200, v0;
	v7 =	vor.u32 $0x280, v0;
	v8 =	vor.u32 $0x300, v0;
	s6 =	sadd.s32 $0x1200, s7;
	s7 =	smax.u32 s8, $0x1;
	s8 =	sadd.s32 $0x1, s4  }
.LBB2_6:
0xa: {  	s11 =	sadd.s32 $0x1, s11  }
0xb: {  	p0 =	sne.s32 s11, s7  }
.Ltmp1:
0xc: {  	_ = 	snop;
	(pc) =	sbr.rel @!p0 .LBB2_7-.Ltmp1, $4  }
0xd: {  	[hbm4b:s6+s2] =	stream.linear.scatter [tilespmem:s10], [sflag:$0x1], $0x1000, $0x38;
	[tilespmem:$0x3000] =	vst v63  }
0xe: {  	_ =	swait.ge [sflag:s9], $0x1000  }
0xf: {  	[sflag:s9] =	ssyncset.done $0x0  }
0x10: {  	[sflag:s9] =	ssyncadd.s32 $0xFFFFF000  }
.LBB2_1:
0x11: {  	[tilespmem:s2], [sflag:$0x1] =	stream.linear.gather [hbm4b:s3+s2], $0x2000, $0x38;
	[tilespmem:$0x3000] =	vst v63  }
0x12: {  	_ =	swait.ge [sflag:s9], $0x2000  }
0x13: {  	[sflag:s9] =	ssyncset.done $0x0  }
0x14: {  	[sflag:s9] =	ssyncadd.s32 $0xFFFFE000  }
0x15: {  	[tilespmem:$0x2000] =	vst v1  }
0x16: {  	[tilespmem:$0x2080] =	vst v1  }
0x17: {  	[tilespmem:$0x2100] =	vst v1  }
0x18: {  	[tilespmem:$0x2180] =	vst v1  }
0x19: {  	[tilespmem:$0x2200] =	vst v1  }
0x1a: {  	[tilespmem:$0x2280] =	vst v1  }
0x1b: {  	[tilespmem:$0x2300] =	vst v1  }
0x1c: {  	[tilespmem:$0x2380] =	vst v1  }
0x1d: {  	[tilespmem:$0x2400] =	vst v1  }
0x1e: {  	[tilespmem:$0x2480] =	vst v1  }
0x1f: {  	[tilespmem:$0x2500] =	vst v1  }
0x20: {  	[tilespmem:$0x2580] =	vst v1  }
0x21: {  	[tilespmem:$0x2600] =	vst v1  }
0x22: {  	[tilespmem:$0x2680] =	vst v1  }
0x23: {  	[tilespmem:$0x2700] =	vst v1  }
0x24: {  	[tilespmem:$0x2780] =	vst v1  }
0x25: {  	[tilespmem:$0x2800] =	vst v1  }
0x26: {  	[tilespmem:$0x2880] =	vst v1  }
0x27: {  	[tilespmem:$0x2900] =	vst v1  }
0x28: {  	[tilespmem:$0x2980] =	vst v1  }
0x29: {  	[tilespmem:$0x2A00] =	vst v1  }
0x2a: {  	[tilespmem:$0x2A80] =	vst v1  }
0x2b: {  	[tilespmem:$0x2B00] =	vst v1  }
0x2c: {  	[tilespmem:$0x2B80] =	vst v1  }
0x2d: {  	[tilespmem:$0x2C00] =	vst v1  }
0x2e: {  	[tilespmem:$0x2C80] =	vst v1  }
0x2f: {  	[tilespmem:$0x2D00] =	vst v1  }
.Ltmp2:
0x30: {  	[tilespmem:$0x2D80] =	vst v1;
	(pc) =	sbr.rel .LBB2_2-.Ltmp2, $4  }
0x31: {  	[tilespmem:$0x2E00] =	vst v1  }
0x32: {  	[tilespmem:$0x2E80] =	vst v1  }
0x33: {  	[tilespmem:$0x2F00] =	vst v1  }
0x34: {  	s12 =	simm.s32 $0x0;
	s13 =	simm.s32 $0x0;
	[tilespmem:$0x2F80] =	vst v1  }
.LBB2_5:
0x35: {  	s13 =	sadd.s32 $0x1, s13  }
0x36: {  	p0 =	sne.s32 s13, $0x10  }
.Ltmp3:
0x37: {  	_ = 	snop;
	(pc) =	sbr.rel @!p0 .LBB2_6-.Ltmp3, $2  }
0x38: {  	_ =	sdelay $0x2  }
0x39: {  	s12 =	sadd.s32 $0x20, s12  }
.LBB2_2:
0x3a: {  	s14 =	sshll.u32 s13, $0x5;
	s15 =	sand.u32 $0x1, s13  }
0x3b: {  	s14 =	sand.u32 $0x1C0, s14;
	p0 =	seq.s32 s15, $0x1;
	s15 =	smov.u32 s5  }
0x3c: {  	s14 =	sor.u32 s4, s14;
	s15 =	simm.s32 @!p0 $0x0  }
0x3d: {  	s14 =	sadd.s32 s15, s14  }
0x3e: {  	p0 =	sgt.u32 s14, $0x1FE  }
.Ltmp4:
0x3f: {  	_ = 	snop;
	(pc) =	sbr.rel @p0 .LBB2_5-.Ltmp4, $1  }
0x40: {  	_ =	sdelay $0x3  }
0x41: {  	s16 =	sshll.u32 s14, $0x2  }
0x42: {  	s17 =	sand.u32 $0x70, s14;
	s16 =	sand.u32 $0xE00, s16  }
0x43: {  	s16 =	sor.u32 s17, s16  }
0x44: {  	v9 =	vld [tilespmem:s16+$0x0]  }
0x45: {  	v10 =	vld [tilespmem:s16+$0x80]  }
0x46: {  	v11 =	vld [tilespmem:s16+$0x100]  }
0x47: {  	v12 =	vld [tilespmem:s16+$0x800]  }
0x48: {  	v13 =	vld [tilespmem:s16+$0x880]  }
0x49: {  	v14 =	vld [tilespmem:s16+$0x900]  }
0x4a: {  	v15 =	vld [tilespmem:s16+$0x1000]  }
0x4b: {  	v16 =	vld [tilespmem:s16+$0x1080]  }
0x4c: {  	v17 =	vld [tilespmem:s16+$0x1100]  }
0x4d: {  	s30 =	sand.u32 $0xF, s14;
	v18 =	vld [tilespmem:s16+$0x1800]  }
0x4e: {  	v20 =	vmov s30;
	v19 =	vld [tilespmem:s16+$0x1880]  }
0x4f: {  	v21 =	vld [tilespmem:s16+$0x1900];
	v9 =	vperm.xlane v9, v20;
	v10 =	vperm.xlane v10, v20  }
0x50: {  	v11 =	vperm.xlane v11, v20;
	v12 =	vperm.xlane v12, v20  }
0x51: {  	s31 =	sand.u32 $0xFFFFFFC0, s12;
	s15 =	sadd.s32 s15, s8;
	v13 =	vperm.xlane v13, v20;
	v14 =	vperm.xlane v14, v20  }
0x52: {  	s16 =	sadd.s32 s31, s15;
	v15 =	vperm.xlane v15, v20;
	v16 =	vperm.xlane v16, v20  }
0x53: {  	s15 =	sshrl.u32 s16, $0x5;
	v17 =	vperm.xlane v17, v20;
	v18 =	vperm.xlane v18, v20  }
0x54: {  	s16 =	sand.u32 $0xFFFFFFE0, s16;
	v19 =	vperm.xlane v19, v20;
	v20 =	vperm.xlane v21, v20;
	v21 =	vadd.s32 s14, v2;
	s14 =	ssub.s32 $0x10, s15;
	s15 =	sshll.u32 s15, $0x7  }
.LBB2_4:
0x55: {  	s18 =	sand.u32 $0x60, s16;
	s19 =	sand.u32 $0xFFFFFE00, s15  }
0x56: {  	s20 =	sor.u32 s18, s19  }
0x57: {  	v22 =	vld [tilespmem:s20+$0x0]  }
0x58: {  	s21 =	sadd.s32 $0x800, s19;
	v33 =	vld [tilespmem:s20+$0x80]  }
0x59: {  	s23 =	sadd.s32 $0x1000, s19;
	s22 =	sor.u32 s18, s21;
	v38 =	vld [tilespmem:s20+$0x100]  }
0x5a: {  	s17 =	sadd.s32 $0x10, s16;
	s24 =	sadd.s32 $0x1800, s19;
	s29 =	sor.u32 s18, s23;
	v23 =	vld [tilespmem:s22+$0x0]  }
0x5b: {  	s25 =	sand.u32 $0x70, s17;
	s30 =	sor.u32 s18, s24;
	v24 =	vld [tilespmem:s29+$0x0]  }
0x5c: {  	s21 =	sor.u32 s25, s21;
	v25 =	vld [tilespmem:s30+$0x0]  }
0x5d: {  	s26 =	sadd.s32 $0x1880, s19;
	s31 =	sor.u32 s25, s23;
	v26 =	vld [tilespmem:s21+$0x0]  }
0x5e: {  	s28 =	sor.u32 s18, s26;
	v27 =	vld [tilespmem:s31+$0x0]  }
0x5f: {  	s23 =	sadd.s32 $0x880, s19;
	s22 =	sor.u32 s25, s24;
	v31 =	vld [tilespmem:s28+$0x0]  }
0x60: {  	s30 =	sor.u32 s18, s23;
	v28 =	vld [tilespmem:s22+$0x0]  }
0x61: {  	s29 =	sor.u32 s25, s19;
	v29 =	vld [tilespmem:s30+$0x0]  }
0x62: {  	v32 =	vld [tilespmem:s29+$0x0]  }
0x63: {  	s31 =	sadd.s32 $0x1080, s19;
	v34 =	vld [tilespmem:s29+$0x80]  }
0x64: {  	s24 =	sor.u32 s18, s31;
	v42 =	vld [tilespmem:s29+$0x100]  }
0x65: {  	s22 =	sor.u32 s25, s23;
	v30 =	vld [tilespmem:s24+$0x0];
	v22 =	vsub.f32 v22, v9;
	v33 =	vsub.f32 v33, v10  }
0x66: {  	s30 =	sor.u32 s25, s31;
	v35 =	vld [tilespmem:s22+$0x0];
	v38 =	vsub.f32 v38, v11;
	v23 =	vsub.f32 v23, v12  }
0x67: {  	s31 =	sor.u32 s25, s26;
	s23 =	sadd.s32 $0x900, s19;
	v36 =	vld [tilespmem:s30+$0x0];
	v24 =	vsub.f32 v24, v15;
	v25 =	vsub.f32 v25, v18  }
0x68: {  	s26 =	sadd.s32 $0x1100, s19;
	v37 =	vld [tilespmem:s31+$0x0];
	s24 =	sor.u32 s18, s23;
	v26 =	vsub.f32 v26, v12;
	v27 =	vsub.f32 v27, v15  }
0x69: {  	s19 =	sadd.s32 $0x1900, s19;
	s28 =	sor.u32 s18, s26;
	v39 =	vld [tilespmem:s24+$0x0];
	v31 =	vsub.f32 v31, v19;
	v32 =	vsub.f32 v32, v9  }
0x6a: {  	s18 =	sor.u32 s18, s19;
	v40 =	vld [tilespmem:s28+$0x0];
	v28 =	vsub.f32 v28, v18;
	v29 =	vsub.f32 v29, v13  }
0x6b: {  	s29 =	sor.u32 s25, s23;
	v41 =	vld [tilespmem:s18+$0x0];
	v34 =	vsub.f32 v34, v10;
	v22 =	vmul.f32 v22, v22;
	v42 =	vsub.f32 v42, v11  }
0x6c: {  	s30 =	sor.u32 s25, s26;
	v43 =	vld [tilespmem:s29+$0x0];
	v33 =	vmul.f32 v33, v33;
	v50 =	vmul.f32 v38, v38;
	v30 =	vsub.f32 v30, v16  }
0x6d: {  	s31 =	sor.u32 s25, s19;
	v44 =	vld [tilespmem:s30+$0x0];
	v35 =	vsub.f32 v35, v13;
	v36 =	vsub.f32 v36, v16;
	v23 =	vmul.f32 v23, v23  }
0x6e: {  	v45 =	vld [tilespmem:s31+$0x0];
	v37 =	vsub.f32 v37, v19;
	v24 =	vmul.f32 v24, v24;
	v25 =	vmul.f32 v25, v25  }
0x6f: {  	v26 =	vmul.f32 v26, v26;
	v27 =	vmul.f32 v27, v27;
	v39 =	vsub.f32 v39, v14  }
0x70: {  	v31 =	vmul.f32 v31, v31;
	v40 =	vsub.f32 v40, v17;
	v41 =	vsub.f32 v41, v20  }
0x71: {  	v32 =	vmul.f32 v32, v32;
	v43 =	vsub.f32 v43, v14;
	v28 =	vmul.f32 v28, v28  }
0x72: {  	v44 =	vsub.f32 v44, v17;
	v29 =	vmul.f32 v29, v29;
	v34 =	vmul.f32 v34, v34  }
0x73: {  	v45 =	vsub.f32 v45, v20;
	v54 =	vmul.f32 v42, v42;
	v30 =	vmul.f32 v30, v30  }
0x74: {  	v22 =	vadd.f32 v33, v22;
	v35 =	vmul.f32 v35, v35;
	v47 =	vmul.f32 v36, v36  }
0x75: {  	v48 =	vmul.f32 v37, v37;
	v25 =	vadd.f32 v31, v25;
	v23 =	vadd.f32 v29, v23  }
0x76: {  	v49 =	vadd.f32 v34, v32;
	v51 =	vmul.f32 v39, v39;
	v52 =	vmul.f32 v40, v40  }
0x77: {  	v53 =	vmul.f32 v41, v41;
	v31 =	vadd.f32 v50, v22;
	v24 =	vadd.f32 v30, v24  }
0x78: {  	v55 =	vmul.f32 v43, v43;
	v26 =	vadd.f32 v35, v26;
	v27 =	vadd.f32 v47, v27  }
0x79: {  	v56 =	vmul.f32 v44, v44;
	v28 =	vadd.f32 v48, v28;
	v32 =	vadd.f32 v51, v23  }
0x7a: {  	v22 =	vmul.f32 v45, v45;
	v25 =	vadd.f32 v53, v25;
	v29 =	vadd.f32 v54, v49  }
0x7b: {  	v33 =	vadd.f32 v52, v24;
	v24 =	vadd.f32 v55, v26  }
0x7c: {  	v23 =	vadd.f32 v56, v27;
	v22 =	vadd.f32 v22, v28;
	v26 =	vmax.f32 v31, $1.000000000e-30  }
0x7d: {  	v27 =	vmax.f32 v32, $1.000000000e-30;
	v30 =	vmax.f32 v25, $1.000000000e-30;
	v34 =	vmax.f32 v29, $1.000000000e-30  }
0x7e: {  	v57 =	vshra.s32 v26, $0x1;
	v43 =	vmul.f32 $5.000000000e-01, v26;
	v28 =	vmax.f32 v33, $1.000000000e-30  }
0x7f: {  	v35 =	vmax.f32 v24, $1.000000000e-30;
	v36 =	vmax.f32 v23, $1.000000000e-30;
	v37 =	vmax.f32 v22, $1.000000000e-30  }
0x80: {  	v38 =	vsub.s32 $0x5F3759DF, v57;
	v58 =	vshra.s32 v27, $0x1;
	v60 =	vshra.s32 v30, $0x1  }
0x81: {  	v61 =	vshra.s32 v34, $0x1;
	v44 =	vmul.f32 $5.000000000e-01, v27;
	v47 =	vmul.f32 $5.000000000e-01, v30  }
0x82: {  	v49 =	vmul.f32 $5.000000000e-01, v34;
	v59 =	vshra.s32 v28, $0x1;
	v39 =	vsub.s32 $0x5F3759DF, v58  }
0x83: {  	v41 =	vsub.s32 $0x5F3759DF, v60;
	v42 =	vsub.s32 $0x5F3759DF, v61;
	v45 =	vmul.f32 $5.000000000e-01, v28  }
0x84: {  	v46 =	vshra.s32 v35, $0x1;
	v48 =	vmul.f32 v38, v38;
	v52 =	vmul.f32 $5.000000000e-01, v35  }
0x85: {  	v51 =	vshra.s32 v36, $0x1;
	v53 =	vmul.f32 $5.000000000e-01, v36;
	v54 =	vmul.f32 $5.000000000e-01, v37  }
0x86: {  	v58 =	vshra.s32 v37, $0x1;
	v40 =	vsub.s32 $0x5F3759DF, v59;
	v50 =	vmul.f32 v39, v39  }
0x87: {  	v46 =	vsub.s32 $0x5F3759DF, v46;
	v56 =	vmul.f32 v41, v41;
	v57 =	vmul.f32 v42, v42  }
0x88: {  	v51 =	vsub.s32 $0x5F3759DF, v51;
	v48 =	vmul.f32 v48, v43;
	v55 =	vmul.f32 v40, v40  }
0x89: {  	v62 =	vsub.s32 $0x5F3759DF, v58;
	v59 =	vmul.f32 v46, v46;
	v63 =	vmul.f32 v51, v51  }
0x8a: {  	v60 =	vmul.f32 v62, v62;
	v50 =	vmul.f32 v50, v44  }
0x8b: {  	v56 =	vmul.f32 v56, v47;
	v57 =	vmul.f32 v57, v49  }
0x8c: {  	v48 =	vsub.f32 $1.500000000e+00, v48;
	v55 =	vmul.f32 v55, v45;
	v59 =	vmul.f32 v59, v52  }
0x8d: {  	v58 =	vmul.f32 v63, v53;
	v50 =	vsub.f32 $1.500000000e+00, v50;
	v56 =	vsub.f32 $1.500000000e+00, v56  }
0x8e: {  	v57 =	vsub.f32 $1.500000000e+00, v57;
	v38 =	vmul.f32 v38, v48;
	v55 =	vsub.f32 $1.500000000e+00, v55  }
0x8f: {  	v61 =	vsub.f32 $1.500000000e+00, v59;
	v39 =	vmul.f32 v39, v50;
	v50 =	vmul.f32 v60, v54  }
0x90: {  	v58 =	vsub.f32 $1.500000000e+00, v58;
	v41 =	vmul.f32 v41, v56;
	v42 =	vmul.f32 v42, v57  }
0x91: {  	v40 =	vmul.f32 v40, v55;
	v46 =	vmul.f32 v46, v61  }
0x92: {  	v51 =	vmul.f32 v51, v58;
	v50 =	vsub.f32 $1.500000000e+00, v50;
	v63 =	vmul.f32 v39, v39  }
0x93: {  	v61 =	vmul.f32 v41, v41;
	v60 =	vmul.f32 v40, v40  }
0x94: {  	v57 =	vmul.f32 v51, v51;
	v48 =	vmul.f32 v62, v50  }
0x95: {  	v62 =	vmul.f32 v38, v38;
	v44 =	vmul.f32 v63, v44  }
0x96: {  	vm0 =	vgt.f32 v31, $0.0e+00;
	v63 =	vmul.f32 v46, v46;
	v47 =	vmul.f32 v61, v47  }
0x97: {  	vm1 =	vgt.f32 v32, $0.0e+00;
	v45 =	vmul.f32 v60, v45;
	v50 =	vmul.f32 v57, v53  }
0x98: {  	vm4 =	vgt.f32 v25, $0.0e+00;
	v43 =	vmul.f32 v62, v43;
	v62 =	vmul.f32 v42, v42  }
0x99: {  	v58 =	vmul.f32 v48, v48;
	v44 =	vsub.f32 $1.500000000e+00, v44;
	v47 =	vsub.f32 $1.500000000e+00, v47  }
0x9a: {  	v52 =	vmul.f32 v63, v52;
	v45 =	vsub.f32 $1.500000000e+00, v45;
	v50 =	vsub.f32 $1.500000000e+00, v50  }
0x9b: {  	v49 =	vmul.f32 v62, v49;
	v43 =	vsub.f32 $1.500000000e+00, v43;
	v59 =	vmul.f32 v58, v54  }
0x9c: {  	v52 =	vsub.f32 $1.500000000e+00, v52;
	v39 =	vmul.f32 v44, v39;
	v41 =	vmul.f32 v47, v41  }
0x9d: {  	vm15 =	vgt.f32 v29, $0.0e+00;
	v40 =	vmul.f32 v45, v40;
	v63 =	vmul.f32 v50, v51  }
0x9e: {  	v49 =	vsub.f32 $1.500000000e+00, v49;
	v38 =	vmul.f32 v43, v38;
	v62 =	vmul.f32 v52, v46  }
0x9f: {  	v60 =	vsub.f32 $1.500000000e+00, v59;
	v27 =	vmul.f32 v39, v27;
	v30 =	vmul.f32 v41, v30  }
0xa0: {  	vm2 =	vgt.f32 v33, $0.0e+00;
	v28 =	vmul.f32 v40, v28;
	v44 =	vmul.f32 v63, v36  }
0xa1: {  	vm5 =	vgt.f32 v24, $0.0e+00;
	v42 =	vmul.f32 v49, v42;
	v43 =	vmul.f32 v60, v48  }
0xa2: {  	vm6 =	vgt.f32 v23, $0.0e+00;
	v26 =	vmul.f32 v38, v26;
	v27 =	vmul.f32 $1.000000000e+01, v27  }
0xa3: {  	vm8 =	vgt.f32 v22, $0.0e+00;
	v46 =	vmul.f32 $1.000000000e+01, v30;
	v28 =	vmul.f32 $1.000000000e+01, v28  }
0xa4: {  	v55 =	vmov s16;
	v49 =	vmul.f32 $1.000000000e+01, v44;
	v41 =	vmul.f32 v42, v34  }
0xa5: {  	vm3 =	vgt.s32 v55, v21;
	v42 =	vmul.f32 v62, v35;
	v45 =	vmul.f32 v43, v37  }
0xa6: {  	vm0 =	vmand vm3, vm0;
	v26 =	vmul.f32 $1.000000000e+01, v26;
	v52 =	vtrunc.f32 v27  }
0xa7: {  	vm1 =	vmand vm3, vm1;
	v54 =	vtrunc.f32 v46;
	v53 =	vtrunc.f32 v28  }
0xa8: {  	vm2 =	vmand vm3, vm2;
	v34 =	vcvt.f32.s32 v52;
	v39 =	vcvt.f32.s32 v54  }
0xa9: {  	vm3 =	vmand vm3, vm4;
	v56 =	vtrunc.f32 v49;
	v47 =	vmul.f32 $1.000000000e+01, v41  }
0xaa: {  	v61 =	vmov s17;
	v48 =	vmul.f32 $1.000000000e+01, v42;
	v50 =	vtrunc.f32 v26  }
0xab: {  	vm7 =	vgt.s32 v61, v21;
	v51 =	vmul.f32 $1.000000000e+01, v45;
	v33 =	vcvt.f32.s32 v53  }
0xac: {  	vm4 =	vmand vm7, vm15;
	v31 =	vcvt.f32.s32 v56;
	v30 =	vcvt.f32.s32 v50  }
0xad: {  	vm5 =	vmand vm7, vm5;
	v60 =	vcvt.s32.f32 v39;
	v55 =	vtrunc.f32 v47  }
0xae: {  	vm6 =	vmand vm7, vm6;
	v23 =	vtrunc.f32 v48;
	v22 =	vtrunc.f32 v51  }
0xaf: {  	vm7 =	vmand vm7, vm8;
	v59 =	vcvt.s32.f32 v33;
	v38 =	vcvt.f32.s32 v55  }
0xb0: {  	v57 =	vadd.f32 $-5.000000000e-01, v26;
	v40 =	vcvt.f32.s32 v23;
	v23 =	vcvt.s32.f32 v30  }
0xb1: {  	v58 =	vadd.f32 $-5.000000000e-01, v27;
	v32 =	vcvt.f32.s32 v22;
	v22 =	vcvt.s32.f32 v34  }
0xb2: {  	v63 =	vcvt.s32.f32 v31;
	v31 =	vshll.u32 v31, $0x7;
	v35 =	vsub.f32 v57, v23  }
0xb3: {  	v23 =	vadd.f32 $-5.000000000e-01, v28;
	v36 =	vsub.f32 v58, v22;
	v61 =	vcvt.s32.f32 v38  }
0xb4: {  	v22 =	vadd.f32 $-5.000000000e-01, v46;
	v62 =	vcvt.s32.f32 v40;
	v28 =	vcvt.s32.f32 v32  }
0xb5: {  	v32 =	vshll.u32 v32, $0x7;
	v37 =	vsub.f32 v23, v59;
	v23 =	vadd.f32 $-5.000000000e-01, v47  }
0xb6: {  	v43 =	vsub.f32 v22, v60;
	v22 =	vadd.f32 $-5.000000000e-01, v48;
	v47 =	vmul.f32 $4.214267430e-02, v36  }
0xb7: {  	v56 =	vmul.f32 $1.319797940e-03, v35;
	v44 =	vsub.f32 v23, v61;
	v23 =	vadd.f32 $-5.000000000e-01, v49  }
0xb8: {  	v57 =	vmul.f32 $1.319797940e-03, v36;
	v45 =	vsub.f32 v22, v62;
	v22 =	vadd.f32 $-5.000000000e-01, v51  }
0xb9: {  	v48 =	vmul.f32 $4.214267430e-02, v43;
	v24 =	vadd.f32 $1.689958420e-01, v47;
	v58 =	vmul.f32 $1.319797940e-03, v37  }
0xba: {  	v59 =	vmul.f32 $1.319797940e-03, v43;
	v46 =	vsub.f32 $1.336863730e-02, v56;
	v42 =	vsub.f32 v23, v63  }
0xbb: {  	v23 =	vmul.f32 $4.214267430e-02, v35;
	v41 =	vsub.f32 v22, v28;
	v22 =	vmul.f32 $4.214267430e-02, v37  }
0xbc: {  	v47 =	vsub.f32 $1.336863730e-02, v57;
	v49 =	vmul.f32 $4.214267430e-02, v44;
	v50 =	vmul.f32 $4.214267430e-02, v45  }
0xbd: {  	v25 =	vadd.f32 $1.689958420e-01, v48;
	v24 =	vmul.f32 v24, v36;
	v60 =	vmul.f32 $1.319797940e-03, v44  }
0xbe: {  	v61 =	vmul.f32 $1.319797940e-03, v45;
	v48 =	vsub.f32 $1.336863730e-02, v58;
	v46 =	vmul.f32 v46, v35  }
0xbf: {  	v47 =	vmul.f32 v47, v36;
	v23 =	vadd.f32 $1.689958420e-01, v23;
	v51 =	vmul.f32 $4.214267430e-02, v42  }
0xc0: {  	v22 =	vadd.f32 $1.689958420e-01, v22;
	v52 =	vmul.f32 $4.214267430e-02, v41;
	v26 =	vadd.f32 $1.689958420e-01, v49  }
0xc1: {  	v27 =	vadd.f32 $1.689958420e-01, v50;
	v25 =	vmul.f32 v25, v43;
	v24 =	vadd.f32 $4.999602440e-01, v24  }
0xc2: {  	v62 =	vmul.f32 $1.319797940e-03, v42;
	v63 =	vmul.f32 $1.319797940e-03, v41;
	v49 =	vsub.f32 $1.336863730e-02, v59  }
0xc3: {  	v50 =	vsub.f32 $1.336863730e-02, v60;
	v48 =	vmul.f32 v48, v37;
	v46 =	vadd.f32 $-3.336615490e-02, v46  }
0xc4: {  	v47 =	vadd.f32 $-3.336615490e-02, v47;
	v23 =	vmul.f32 v23, v35;
	v28 =	vadd.f32 $1.689958420e-01, v51  }
0xc5: {  	v22 =	vmul.f32 v22, v37;
	v29 =	vadd.f32 $1.689958420e-01, v52;
	v26 =	vmul.f32 v26, v44  }
0xc6: {  	v27 =	vmul.f32 v27, v45;
	v25 =	vadd.f32 $4.999602440e-01, v25;
	v24 =	vmul.f32 v24, v36  }
0xc7: {  	v51 =	vsub.f32 $1.336863730e-02, v61;
	v52 =	vsub.f32 $1.336863730e-02, v62;
	v49 =	vmul.f32 v49, v43  }
0xc8: {  	v50 =	vmul.f32 v50, v44;
	v48 =	vadd.f32 $-3.336615490e-02, v48;
	v46 =	vmul.f32 v46, v35  }
0xc9: {  	v47 =	vmul.f32 v47, v36;
	v28 =	vmul.f32 v28, v42;
	v23 =	vadd.f32 $4.999602440e-01, v23  }
0xca: {  	v29 =	vmul.f32 v29, v41;
	v22 =	vadd.f32 $4.999602440e-01, v22;
	v26 =	vadd.f32 $4.999602440e-01, v26  }
0xcb: {  	v27 =	vadd.f32 $4.999602440e-01, v27;
	v25 =	vmul.f32 v25, v43;
	v24 =	vadd.f32 $9.998749490e-01, v24  }
0xcc: {  	v51 =	vmul.f32 v51, v45;
	v52 =	vmul.f32 v52, v42;
	v49 =	vadd.f32 $-3.336615490e-02, v49  }
0xcd: {  	v50 =	vadd.f32 $-3.336615490e-02, v50;
	v48 =	vmul.f32 v48, v37;
	v46 =	vadd.f32 $4.447947820e-02, v46  }
0xce: {  	v47 =	vadd.f32 $4.447947820e-02, v47;
	v23 =	vmul.f32 v23, v35;
	v28 =	vadd.f32 $4.999602440e-01, v28  }
0xcf: {  	v22 =	vmul.f32 v22, v37;
	v29 =	vadd.f32 $4.999602440e-01, v29;
	v26 =	vmul.f32 v26, v44  }
0xd0: {  	v27 =	vmul.f32 v27, v45;
	v25 =	vadd.f32 $9.998749490e-01, v25;
	v24 =	vmul.f32 v24, v36  }
0xd1: {  	v51 =	vadd.f32 $-3.336615490e-02, v51;
	v52 =	vadd.f32 $-3.336615490e-02, v52;
	v49 =	vmul.f32 v49, v43  }
0xd2: {  	v50 =	vmul.f32 v50, v44;
	v48 =	vadd.f32 $4.447947820e-02, v48;
	v46 =	vmul.f32 v46, v35  }
0xd3: {  	v47 =	vmul.f32 v47, v36;
	v23 =	vadd.f32 $9.998749490e-01, v23;
	v28 =	vmul.f32 v28, v42  }
0xd4: {  	v22 =	vadd.f32 $9.998749490e-01, v22;
	v29 =	vmul.f32 v29, v41;
	v26 =	vadd.f32 $9.998749490e-01, v26  }
0xd5: {  	v27 =	vadd.f32 $9.998749490e-01, v27;
	v25 =	vmul.f32 v25, v43;
	v51 =	vmul.f32 v51, v45  }
0xd6: {  	v52 =	vmul.f32 v52, v42;
	v49 =	vadd.f32 $4.447947820e-02, v49;
	v50 =	vadd.f32 $4.447947820e-02, v50  }
0xd7: {  	v48 =	vmul.f32 v48, v37;
	v46 =	vadd.f32 $-3.332590310e-02, v46;
	v47 =	vadd.f32 $-3.332590310e-02, v47  }
0xd8: {  	v28 =	vadd.f32 $9.998749490e-01, v28;
	v23 =	vmul.f32 v23, v35;
	v53 =	vadd.f32 $9.998749490e-01, v29  }
0xd9: {  	v22 =	vmul.f32 v22, v37;
	v54 =	vmul.f32 v26, v44;
	v26 =	vadd.f32 $1.000000480e+00, v25  }
0xda: {  	v55 =	vmul.f32 v27, v45;
	v51 =	vadd.f32 $4.447947820e-02, v51;
	v52 =	vadd.f32 $4.447947820e-02, v52  }
0xdb: {  	v49 =	vmul.f32 v49, v43;
	v50 =	vmul.f32 v50, v44;
	v48 =	vadd.f32 $-3.332590310e-02, v48  }
0xdc: {  	v46 =	vmul.f32 v46, v35;
	v47 =	vmul.f32 v47, v36;
	v36 =	vshll.u32 v34, $0x7  }
0xdd: {  	v35 =	vshll.u32 v33, $0x7;
	v34 =	vshll.u32 v39, $0x7;
	v33 =	vshll.u32 v38, $0x7  }
0xde: {  	v27 =	vadd.f32 $1.000000480e+00, v22;
	v22 =	vmul.f32 v53, v41;
	v53 =	vsub.f32 $1.336863730e-02, v63  }
0xdf: {  	v56 =	vor.u32 v0, v36;
	v57 =	vor.u32 v0, v35;
	v59 =	vor.u32 v0, v34  }
0xe0: {  	v61 =	vor.u32 v0, v33;
	v29 =	vadd.f32 $1.000000480e+00, v23;
	v53 =	vmul.f32 v53, v41  }
0xe1: {  	v23 =	vmul.f32 v28, v42;
	v28 =	vadd.f32 $1.000000480e+00, v24;
	v25 =	vadd.f32 $1.000000480e+00, v54  }
0xe2: {  	v24 =	vadd.f32 $1.000000480e+00, v55;
	v51 =	vmul.f32 v51, v45;
	v53 =	vadd.f32 $-3.336615490e-02, v53  }
0xe3: {  	v49 =	vadd.f32 $-3.332590310e-02, v49;
	v48 =	vmul.f32 v48, v37;
	v37 =	vshll.u32 v30, $0x7  }
0xe4: {  	v50 =	vadd.f32 $-3.332590310e-02, v50;
	v55 =	vor.u32 v0, v37;
	v53 =	vmul.f32 v53, v41  }
0xe5: {  	v52 =	vmul.f32 v52, v42;
	v58 =	vadd.f32 $1.110847670e-02, v46;
	v60 =	vadd.f32 $1.110847670e-02, v47  }
0xe6: {  	v30 =	vshll.u32 v40, $0x7;
	v54 =	vor.u32 v0, v31;
	v53 =	vadd.f32 $4.447947820e-02, v53  }
0xe7: {  	v63 =	vor.u32 v0, v30;
	v23 =	vadd.f32 $1.000000480e+00, v23;
	v22 =	vadd.f32 $1.000000480e+00, v22  }
0xe8: {  	v51 =	vadd.f32 $-3.332590310e-02, v51;
	v43 =	vmul.f32 v49, v43;
	v53 =	vmul.f32 v53, v41  }
0xe9: {  	v52 =	vadd.f32 $-3.332590310e-02, v52;
	v44 =	vmul.f32 v50, v44;
	v62 =	vadd.f32 $1.110847670e-02, v48;
	[tilespmem:v55+s10+$0x0] =	vst.idx.add.f32.msk vm0, v58  }
0xea: {  	v45 =	vmul.f32 v51, v45;
	v43 =	vadd.f32 $1.110847670e-02, v43;
	[tilespmem:v56+s10+$0x0] =	vst.idx.add.f32.msk vm1, v60;
	v53 =	vadd.f32 $-3.332590310e-02, v53  }
0xeb: {  	v42 =	vmul.f32 v52, v42;
	v44 =	vadd.f32 $1.110847670e-02, v44;
	v55 =	vor.u32 v0, v32;
	[tilespmem:v57+s10+$0x0] =	vst.idx.add.f32.msk vm2, v62  }
0xec: {  	v45 =	vadd.f32 $1.110847670e-02, v45;
	v56 =	vadd.s32 v3, v37;
	[tilespmem:v59+s10+$0x0] =	vst.idx.add.f32.msk vm3, v43;
	v41 =	vmul.f32 v53, v41  }
0xed: {  	v39 =	vmul.f32 v58, v29;
	v42 =	vadd.f32 $1.110847670e-02, v42;
	v57 =	vadd.s32 v3, v36;
	[tilespmem:v61+s10+$0x0] =	vst.idx.add.f32.msk vm4, v44  }
0xee: {  	v38 =	vmul.f32 v60, v28;
	v58 =	vadd.s32 v3, v35;
	[tilespmem:v63+s10+$0x0] =	vst.idx.add.f32.msk vm5, v45;
	v41 =	vadd.f32 $1.110847670e-02, v41  }
0xef: {  	v40 =	vmul.f32 v62, v27;
	v39 =	vmul.f32 $1.218249420e+01, v39;
	v59 =	vadd.s32 v3, v34;
	[tilespmem:v54+s10+$0x0] =	vst.idx.add.f32.msk vm6, v42  }
0xf0: {  	v38 =	vmul.f32 $1.218249420e+01, v38;
	v60 =	vadd.s32 v3, v33;
	v43 =	vmul.f32 v43, v26;
	[tilespmem:v55+s10+$0x0] =	vst.idx.add.f32.msk vm7, v41  }
0xf1: {  	v40 =	vmul.f32 $1.218249420e+01, v40;
	v44 =	vmul.f32 v44, v25;
	v61 =	vadd.s32 v3, v30;
	[tilespmem:v56+s10+$0x0] =	vst.idx.add.f32.msk vm0, v39  }
0xf2: {  	v62 =	vadd.s32 v3, v31;
	v45 =	vmul.f32 v45, v24;
	v43 =	vmul.f32 $1.218249420e+01, v43;
	[tilespmem:v57+s10+$0x0] =	vst.idx.add.f32.msk vm1, v38  }
0xf3: {  	v63 =	vadd.s32 v3, v32;
	v42 =	vmul.f32 v42, v23;
	v44 =	vmul.f32 $1.218249420e+01, v44;
	[tilespmem:v58+s10+$0x0] =	vst.idx.add.f32.msk vm2, v40  }
0xf4: {  	v52 =	vadd.s32 v4, v37;
	v45 =	vmul.f32 $1.218249420e+01, v45;
	v41 =	vmul.f32 v41, v22;
	[tilespmem:v59+s10+$0x0] =	vst.idx.add.f32.msk vm3, v43  }
0xf5: {  	v42 =	vmul.f32 $1.218249420e+01, v42;
	v53 =	vadd.s32 v4, v36;
	v39 =	vmul.f32 v39, v29;
	[tilespmem:v60+s10+$0x0] =	vst.idx.add.f32.msk vm4, v44  }
0xf6: {  	v54 =	vadd.s32 v4, v35;
	v41 =	vmul.f32 $1.218249420e+01, v41;
	v38 =	vmul.f32 v38, v28;
	[tilespmem:v61+s10+$0x0] =	vst.idx.add.f32.msk vm5, v45  }
0xf7: {  	v55 =	vadd.s32 v4, v34;
	v40 =	vmul.f32 v40, v27;
	v39 =	vmul.f32 $4.481688980e+00, v39;
	[tilespmem:v62+s10+$0x0] =	vst.idx.add.f32.msk vm6, v42  }
0xf8: {  	v56 =	vadd.s32 v4, v33;
	v43 =	vmul.f32 v43, v26;
	v38 =	vmul.f32 $4.481688980e+00, v38;
	[tilespmem:v63+s10+$0x0] =	vst.idx.add.f32.msk vm7, v41  }
0xf9: {  	v57 =	vadd.s32 v4, v30;
	v44 =	vmul.f32 v44, v25;
	v40 =	vmul.f32 $4.481688980e+00, v40;
	[tilespmem:v52+s10+$0x0] =	vst.idx.add.f32.msk vm0, v39  }
0xfa: {  	v58 =	vadd.s32 v4, v31;
	v45 =	vmul.f32 v45, v24;
	v43 =	vmul.f32 $4.481688980e+00, v43;
	[tilespmem:v53+s10+$0x0] =	vst.idx.add.f32.msk vm1, v38  }
0xfb: {  	v59 =	vadd.s32 v4, v32;
	v42 =	vmul.f32 v42, v23;
	v44 =	vmul.f32 $4.481688980e+00, v44;
	[tilespmem:v54+s10+$0x0] =	vst.idx.add.f32.msk vm2, v40  }
0xfc: {  	v60 =	vadd.s32 v5, v37;
	v41 =	vmul.f32 v41, v22;
	v45 =	vmul.f32 $4.481688980e+00, v45;
	[tilespmem:v55+s10+$0x0] =	vst.idx.add.f32.msk vm3, v43  }
0xfd: {  	v61 =	vadd.s32 v5, v36;
	v42 =	vmul.f32 $4.481688980e+00, v42;
	v39 =	vmul.f32 v39, v29;
	[tilespmem:v56+s10+$0x0] =	vst.idx.add.f32.msk vm4, v44  }
0xfe: {  	v62 =	vadd.s32 v5, v35;
	v41 =	vmul.f32 $4.481688980e+00, v41;
	v38 =	vmul.f32 v38, v28;
	[tilespmem:v57+s10+$0x0] =	vst.idx.add.f32.msk vm5, v45  }
0xff: {  	v63 =	vadd.s32 v5, v34;
	v40 =	vmul.f32 v40, v27;
	v39 =	vmul.f32 $1.648721220e+00, v39;
	[tilespmem:v58+s10+$0x0] =	vst.idx.add.f32.msk vm6, v42  }
0x100: {  	v52 =	vadd.s32 v5, v33;
	v43 =	vmul.f32 v43, v26;
	v38 =	vmul.f32 $1.648721220e+00, v38;
	[tilespmem:v59+s10+$0x0] =	vst.idx.add.f32.msk vm7, v41  }
0x101: {  	v53 =	vadd.s32 v5, v30;
	v44 =	vmul.f32 v44, v25;
	v40 =	vmul.f32 $1.648721220e+00, v40;
	[tilespmem:v60+s10+$0x0] =	vst.idx.add.f32.msk vm0, v39  }
0x102: {  	v54 =	vadd.s32 v5, v31;
	v45 =	vmul.f32 v45, v24;
	v43 =	vmul.f32 $1.648721220e+00, v43;
	[tilespmem:v61+s10+$0x0] =	vst.idx.add.f32.msk vm1, v38  }
0x103: {  	v55 =	vadd.s32 v5, v32;
	v42 =	vmul.f32 v42, v23;
	v44 =	vmul.f32 $1.648721220e+00, v44;
	[tilespmem:v62+s10+$0x0] =	vst.idx.add.f32.msk vm2, v40  }
0x104: {  	v56 =	vadd.s32 v6, v37;
	v41 =	vmul.f32 v41, v22;
	v45 =	vmul.f32 $1.648721220e+00, v45;
	[tilespmem:v63+s10+$0x0] =	vst.idx.add.f32.msk vm3, v43  }
0x105: {  	v57 =	vadd.s32 v6, v36;
	v42 =	vmul.f32 $1.648721220e+00, v42;
	v39 =	vmul.f32 v39, v29;
	[tilespmem:v52+s10+$0x0] =	vst.idx.add.f32.msk vm4, v44  }
0x106: {  	v58 =	vadd.s32 v6, v35;
	v41 =	vmul.f32 $1.648721220e+00, v41;
	v38 =	vmul.f32 v38, v28;
	[tilespmem:v53+s10+$0x0] =	vst.idx.add.f32.msk vm5, v45  }
0x107: {  	v59 =	vadd.s32 v6, v34;
	v40 =	vmul.f32 v40, v27;
	v39 =	vmul.f32 $6.065306660e-01, v39;
	[tilespmem:v54+s10+$0x0] =	vst.idx.add.f32.msk vm6, v42  }
0x108: {  	v60 =	vadd.s32 v6, v33;
	v43 =	vmul.f32 v43, v26;
	v38 =	vmul.f32 $6.065306660e-01, v38;
	[tilespmem:v55+s10+$0x0] =	vst.idx.add.f32.msk vm7, v41  }
0x109: {  	v61 =	vadd.s32 v6, v30;
	v44 =	vmul.f32 v44, v25;
	v40 =	vmul.f32 $6.065306660e-01, v40;
	[tilespmem:v56+s10+$0x0] =	vst.idx.add.f32.msk vm0, v39  }
0x10a: {  	v62 =	vadd.s32 v6, v31;
	v45 =	vmul.f32 v45, v24;
	v43 =	vmul.f32 $6.065306660e-01, v43;
	[tilespmem:v57+s10+$0x0] =	vst.idx.add.f32.msk vm1, v38  }
0x10b: {  	v63 =	vadd.s32 v6, v32;
	v42 =	vmul.f32 v42, v23;
	v44 =	vmul.f32 $6.065306660e-01, v44;
	[tilespmem:v58+s10+$0x0] =	vst.idx.add.f32.msk vm2, v40  }
0x10c: {  	v52 =	vadd.s32 v7, v37;
	v41 =	vmul.f32 v41, v22;
	v45 =	vmul.f32 $6.065306660e-01, v45;
	[tilespmem:v59+s10+$0x0] =	vst.idx.add.f32.msk vm3, v43  }
0x10d: {  	v53 =	vadd.s32 v7, v36;
	v42 =	vmul.f32 $6.065306660e-01, v42;
	v39 =	vmul.f32 v39, v29;
	[tilespmem:v60+s10+$0x0] =	vst.idx.add.f32.msk vm4, v44  }
0x10e: {  	v54 =	vadd.s32 v7, v35;
	v41 =	vmul.f32 $6.065306660e-01, v41;
	v38 =	vmul.f32 v38, v28;
	[tilespmem:v61+s10+$0x0] =	vst.idx.add.f32.msk vm5, v45  }
0x10f: {  	v55 =	vadd.s32 v7, v34;
	v40 =	vmul.f32 v40, v27;
	v39 =	vmul.f32 $2.231301670e-01, v39;
	[tilespmem:v62+s10+$0x0] =	vst.idx.add.f32.msk vm6, v42  }
0x110: {  	v56 =	vadd.s32 v7, v33;
	v43 =	vmul.f32 v43, v26;
	v38 =	vmul.f32 $2.231301670e-01, v38;
	[tilespmem:v63+s10+$0x0] =	vst.idx.add.f32.msk vm7, v41  }
0x111: {  	v57 =	vadd.s32 v7, v30;
	v44 =	vmul.f32 v44, v25;
	v40 =	vmul.f32 $2.231301670e-01, v40;
	[tilespmem:v52+s10+$0x0] =	vst.idx.add.f32.msk vm0, v39  }
0x112: {  	v58 =	vadd.s32 v7, v31;
	v45 =	vmul.f32 v45, v24;
	v43 =	vmul.f32 $2.231301670e-01, v43;
	[tilespmem:v53+s10+$0x0] =	vst.idx.add.f32.msk vm1, v38  }
0x113: {  	v59 =	vadd.s32 v7, v32;
	v42 =	vmul.f32 v42, v23;
	v44 =	vmul.f32 $2.231301670e-01, v44;
	[tilespmem:v54+s10+$0x0] =	vst.idx.add.f32.msk vm2, v40  }
0x114: {  	v37 =	vadd.s32 v8, v37;
	v41 =	vmul.f32 v41, v22;
	v45 =	vmul.f32 $2.231301670e-01, v45;
	[tilespmem:v55+s10+$0x0] =	vst.idx.add.f32.msk vm3, v43  }
0x115: {  	v36 =	vadd.s32 v8, v36;
	v29 =	vmul.f32 v39, v29;
	v42 =	vmul.f32 $2.231301670e-01, v42;
	[tilespmem:v56+s10+$0x0] =	vst.idx.add.f32.msk vm4, v44  }
0x116: {  	v35 =	vadd.s32 v8, v35;
	v28 =	vmul.f32 v38, v28;
	v60 =	vmul.f32 $2.231301670e-01, v41;
	[tilespmem:v57+s10+$0x0] =	vst.idx.add.f32.msk vm5, v45  }
0x117: {  	v34 =	vadd.s32 v8, v34;
	v27 =	vmul.f32 v40, v27;
	v29 =	vmul.f32 $8.208499850e-02, v29;
	[tilespmem:v58+s10+$0x0] =	vst.idx.add.f32.msk vm6, v42  }
0x118: {  	v33 =	vadd.s32 v8, v33;
	v26 =	vmul.f32 v43, v26;
	v28 =	vmul.f32 $8.208499850e-02, v28;
	[tilespmem:v59+s10+$0x0] =	vst.idx.add.f32.msk vm7, v60  }
0x119: {  	v61 =	vadd.s32 v8, v30;
	v25 =	vmul.f32 v44, v25;
	v27 =	vmul.f32 $8.208499850e-02, v27;
	[tilespmem:v37+s10+$0x0] =	vst.idx.add.f32.msk vm0, v29  }
0x11a: {  	v62 =	vadd.s32 v8, v31;
	v24 =	vmul.f32 v45, v24;
	v26 =	vmul.f32 $8.208499850e-02, v26;
	[tilespmem:v36+s10+$0x0] =	vst.idx.add.f32.msk vm1, v28  }
0x11b: {  	p0 =	sne.s32 s14, $0x1;
	v63 =	vadd.s32 v8, v32;
	v23 =	vmul.f32 v42, v23;
	v25 =	vmul.f32 $8.208499850e-02, v25;
	[tilespmem:v35+s10+$0x0] =	vst.idx.add.f32.msk vm2, v27  }
.Ltmp5:
0x11c: {  	v22 =	vmul.f32 v60, v22;
	v24 =	vmul.f32 $8.208499850e-02, v24;
	[tilespmem:v34+s10+$0x0] =	vst.idx.add.f32.msk vm3, v26;
	(pc) =	sbr.rel @p0 .LBB2_4-.Ltmp5, $4  }
0x11d: {  	v23 =	vmul.f32 $8.208499850e-02, v23;
	[tilespmem:v33+s10+$0x0] =	vst.idx.add.f32.msk vm4, v25  }
0x11e: {  	v22 =	vmul.f32 $8.208499850e-02, v22;
	[tilespmem:v61+s10+$0x0] =	vst.idx.add.f32.msk vm5, v24  }
0x11f: {  	[tilespmem:v62+s10+$0x0] =	vst.idx.add.f32.msk vm6, v23  }
0x120: {  	s15 =	sadd.s32 $0x80, s15;
	s14 =	sadd.s32 $0xFFFFFFFF, s14;
	s16 =	sadd.s32 $0x20, s16;
	[tilespmem:v63+s10+$0x0] =	vst.idx.add.f32.msk vm7, v22  }
.Ltmp6:
0x121: {  	_ = 	snop;
	(pc) =	sbr.rel .LBB2_5-.Ltmp6, $1  }
0x122: {  	_ =	sdelay $0x3  }
.LBB2_7:
0x123: {  	_ =	sfence.sel $0x180000  }
0x124: {  	[bflag:$0x0] =	sbarrier.arrive $0xFFFF  }
0x125: {  	p0 =	sne.s32 s1, $0x0;
	_ =	strace $0x90000047  }
0x126: {  	s0 =	sadd.s32 @!p0 $0x100000, s0;
	[bflag:$0x2] =	sbarrier.arrive $0xFFFF  }
0x127: {  	[sflag:s0] =	ssyncadd.tile.s32 @!p0 $0x1;
	_ =	shalt  }
.Lfunc_end2:
_tile_overlayer_lowered:
.L_overlay_start_2:
0x128: {  	(tag) =	ssettag $0x2  }
0x129: {  	s0 =	rddreg [dreg:$0x0];
	s2 =	stileid.u32  }
0x12a: {  	s1 =	rddreg [dreg:$0x1];
	p0 =	sne.s32 s2, $0x0  }
0x12b: {  	s3 =	rddreg [dreg:$0x2];
	[bflag:$0x3] =	sbarrier.arrive $0xFFFF;
	s2 =	simm.s32 @!p0 $0x1C01  }
0x12c: {  	[timem:s3], [sflag:s2] =	dma.local @!p0 [hbm:s0], s1  }
0x12d: {  	s0 =	simm.s32 @!p0 $0x1  }
0x12e: {  	_ =	swait.ge @!p0 [sflag:s0], s1  }
0x12f: {  	s1 =	ssub.s32 @!p0 $0x0, s1;
	[sflag:s0] =	ssyncset.done @!p0 $0x0  }
0x130: {  	[sflag:s0] =	ssyncadd.s32 @!p0 s1  }
0x131: {  	[bflag:$0x3] =	sbarrier.arrive $0xFFFF  }
0x132: {  	_ =	shalt  }

</sc_bundles>
